<compile_context>
chip_gen: v7x
topology: tpu7x:2x2x1
jax: 0.10.2.dev20260603
libtpu: 0.0.44.dev20260713+nightly
codegen_flags: <defaults>
</compile_context>

<pallas_src>
import functools

import jax
import jax.numpy as jnp
from jax import lax
from jax.experimental import pallas as pl
from jax.experimental.pallas import tpu as pltpu
from jax.experimental.pallas import tpu_sc as plsc

N = 10000
E = 320000
DIN = 128
DH = 128
DOUT = 64

NC = 2
NS = 16
NW = NC * NS
_EPT = E // NW
_CHUNK = 100
_NCH = _EPT // _CHUNK
_NR = 624
_NTAIL = N - NS * _NR


def _mesh():
    return plsc.VectorSubcoreMesh(core_axis_name="c", subcore_axis_name="s")


def _sc_hist(dst3, ones, zrows):

    @functools.partial(
        pl.kernel,
        mesh=_mesh(),
        out_type=jax.ShapeDtypeStruct((NC, N, DH), jnp.float32),
        scratch_types=[
            pltpu.VMEM((_NCH, _CHUNK), jnp.int32),
            pltpu.VMEM((_CHUNK, DH), jnp.float32),
            pltpu.VMEM_SHARED((N, DH), jnp.float32),
            pltpu.SemaphoreType.DMA,
        ],
    )
    def k(dst_hbm, ones_hbm, z_hbm, out_hbm, di_v, ones_v, acc_sh, sem):
        cid = lax.axis_index("c")
        sid = lax.axis_index("s")
        wid = cid * NS + sid
        r0 = sid * _NR
        pltpu.sync_copy(z_hbm, acc_sh.at[pl.ds(r0, _NR)])

        @pl.when(sid == 0)
        def _():
            pltpu.sync_copy(z_hbm.at[pl.ds(0, _NTAIL)],
                            acc_sh.at[pl.ds(NS * _NR, _NTAIL)])

        pltpu.sync_copy(ones_hbm, ones_v)
        pltpu.sync_copy(dst_hbm.at[wid], di_v)
        plsc.subcore_barrier()

        pltpu.async_copy(ones_v, acc_sh.at[di_v.at[0]], sem, add=True)

        @pl.loop(1, _NCH)
        def _(j):
            pltpu.async_copy(ones_v, acc_sh.at[di_v.at[j]], sem, add=True)
            pltpu.make_async_copy(ones_v, acc_sh.at[di_v.at[0]], sem).wait()

        pltpu.make_async_copy(ones_v, acc_sh.at[di_v.at[0]], sem).wait()
        plsc.subcore_barrier()
        pltpu.sync_copy(acc_sh.at[pl.ds(r0, _NR)], out_hbm.at[cid, pl.ds(r0, _NR)])

        @pl.when(sid == 0)
        def _():
            pltpu.sync_copy(acc_sh.at[pl.ds(NS * _NR, _NTAIL)],
                            out_hbm.at[cid, pl.ds(NS * _NR, _NTAIL)])

    return k(dst3, ones, zrows)


def _sc_conv(hp, ei4, zrows, d):

    @functools.partial(
        pl.kernel,
        mesh=_mesh(),
        out_type=jax.ShapeDtypeStruct((NC, N, d), jnp.float32),
        scratch_types=[
            pltpu.VMEM((2, _CHUNK), jnp.int32),
            pltpu.VMEM((2, _CHUNK), jnp.int32),
            pltpu.VMEM((_CHUNK, d), jnp.float32),
            pltpu.VMEM((_CHUNK, d), jnp.float32),
            pltpu.VMEM_SHARED((N, d), jnp.float32),
            pltpu.SemaphoreType.DMA,
            pltpu.SemaphoreType.DMA,
            pltpu.SemaphoreType.DMA,
            pltpu.SemaphoreType.DMA,
        ],
    )
    def k(hp_hbm, ei_hbm, z_hbm, out_hbm, ei_a, ei_b,
          rows_a, rows_b, acc_sh, gsem_a, gsem_b, isem_a, isem_b):
        cid = lax.axis_index("c")
        sid = lax.axis_index("s")
        wid = cid * NS + sid
        r0 = sid * _NR
        pltpu.sync_copy(z_hbm, acc_sh.at[pl.ds(r0, _NR)])

        @pl.when(sid == 0)
        def _():
            pltpu.sync_copy(z_hbm.at[pl.ds(0, _NTAIL)],
                            acc_sh.at[pl.ds(NS * _NR, _NTAIL)])

        pltpu.sync_copy(ei_hbm.at[wid, 0], ei_a)
        pltpu.sync_copy(ei_hbm.at[wid, 1], ei_b)
        plsc.subcore_barrier()

        def _gather(ei, buf, sem):
            pltpu.async_copy(hp_hbm.at[ei.at[0]], buf, sem)

        def _gwait(buf, sem):
            pltpu.make_async_copy(hp_hbm.at[ei_a.at[0]], buf, sem).wait()

        def _scat(ei, buf):
            pltpu.sync_copy(buf, acc_sh.at[ei.at[1]], add=True)

        _gather(ei_a, rows_a, gsem_a)

        @pl.loop(0, _NCH - 2, step=2)
        def _(j):
            _gather(ei_b, rows_b, gsem_b)
            _gwait(rows_a, gsem_a)
            _scat(ei_a, rows_a)
            pltpu.async_copy(ei_hbm.at[wid, j + 2], ei_a, isem_a)
            pltpu.make_async_copy(ei_hbm.at[wid, 0], ei_a, isem_a).wait()
            _gwait(rows_b, gsem_b)
            _gather(ei_a, rows_a, gsem_a)
            _scat(ei_b, rows_b)
            pltpu.async_copy(ei_hbm.at[wid, j + 3], ei_b, isem_b)
            pltpu.make_async_copy(ei_hbm.at[wid, 0], ei_b, isem_b).wait()

        _gather(ei_b, rows_b, gsem_b)
        _gwait(rows_a, gsem_a)
        _scat(ei_a, rows_a)
        _gwait(rows_b, gsem_b)
        _scat(ei_b, rows_b)
        plsc.subcore_barrier()
        pltpu.sync_copy(acc_sh.at[pl.ds(r0, _NR)], out_hbm.at[cid, pl.ds(r0, _NR)])

        @pl.when(sid == 0)
        def _():
            pltpu.sync_copy(acc_sh.at[pl.ds(NS * _NR, _NTAIL)],
                            out_hbm.at[cid, pl.ds(NS * _NR, _NTAIL)])

    return k(hp, ei4, zrows)


_BR = 1000


def _mm(a, w):
    return lax.dot_general(a, w, (((1,), (1,)), ((), ())),
                           preferred_element_type=jnp.float32)


def _tc_proj1(x, Wc, Wl, bl):
    def body(x_ref, wc_ref, wl_ref, bl_ref, t_ref, r_ref):
        xb = x_ref[...]
        t_ref[...] = _mm(xb, wc_ref[...])
        r_ref[...] = _mm(xb, wl_ref[...]) + bl_ref[...]

    return pl.pallas_call(
        body,
        grid=(N // _BR,),
        in_specs=[
            pl.BlockSpec((_BR, DIN), lambda i: (i, 0)),
            pl.BlockSpec((DH, DIN), lambda i: (0, 0)),
            pl.BlockSpec((DH, DIN), lambda i: (0, 0)),
            pl.BlockSpec((1, DH), lambda i: (0, 0)),
        ],
        out_specs=[pl.BlockSpec((_BR, DH), lambda i: (i, 0)),
                   pl.BlockSpec((_BR, DH), lambda i: (i, 0))],
        out_shape=[jax.ShapeDtypeStruct((N, DH), jnp.float32),
                   jax.ShapeDtypeStruct((N, DH), jnp.float32)],
    )(x, Wc, Wl, bl)


def _tc_scale(t, hist):
    def body(t_ref, h_ref, hp_ref, dinv_ref):
        deg = h_ref[0][:, 0:1] + h_ref[1][:, 0:1] + 1.0
        dinv = lax.rsqrt(deg)
        dinv_ref[...] = dinv
        hp_ref[...] = t_ref[...] * dinv

    return pl.pallas_call(
        body,
        grid=(N // _BR,),
        in_specs=[
            pl.BlockSpec((_BR, DH), lambda i: (i, 0)),
            pl.BlockSpec((NC, _BR, DH), lambda i: (0, i, 0)),
        ],
        out_specs=[pl.BlockSpec((_BR, DH), lambda i: (i, 0)),
                   pl.BlockSpec((_BR, 1), lambda i: (i, 0))],
        out_shape=[jax.ShapeDtypeStruct((N, DH), jnp.float32),
                   jax.ShapeDtypeStruct((N, 1), jnp.float32)],
    )(t, hist)


def _tc_combine_proj(agg, hp, dinv, r, bc, Wc2, Wl2, bl2):
    din = hp.shape[1]
    dc = Wc2.shape[0]
    dl = Wl2.shape[0]

    def body(agg_ref, hp_ref, dinv_ref, r_ref, bc_ref, wc_ref, wl_ref, bl_ref,
             hp2_ref, r2_ref):
        dinv = dinv_ref[...]
        h = (agg_ref[0] + agg_ref[1] + hp_ref[...]) * dinv + bc_ref[...] + r_ref[...]
        h = jnp.maximum(h, 0.0)
        hp2_ref[...] = _mm(h, wc_ref[...]) * dinv
        r2_ref[...] = _mm(h, wl_ref[...]) + bl_ref[...]

    return pl.pallas_call(
        body,
        grid=(N // _BR,),
        in_specs=[
            pl.BlockSpec((NC, _BR, din), lambda i: (0, i, 0)),
            pl.BlockSpec((_BR, din), lambda i: (i, 0)),
            pl.BlockSpec((_BR, 1), lambda i: (i, 0)),
            pl.BlockSpec((_BR, din), lambda i: (i, 0)),
            pl.BlockSpec((1, din), lambda i: (0, 0)),
            pl.BlockSpec((dc, din), lambda i: (0, 0)),
            pl.BlockSpec((dl, din), lambda i: (0, 0)),
            pl.BlockSpec((1, dl), lambda i: (0, 0)),
        ],
        out_specs=[pl.BlockSpec((_BR, dc), lambda i: (i, 0)),
                   pl.BlockSpec((_BR, dl), lambda i: (i, 0))],
        out_shape=[jax.ShapeDtypeStruct((N, dc), jnp.float32),
                   jax.ShapeDtypeStruct((N, dl), jnp.float32)],
    )(agg, hp, dinv, r, bc, Wc2, Wl2, bl2)


def _tc_final(agg, hp3, dinv, r3, bc3, Wl4, bl4, Wl5, bl5, Wl6, bl6):
    def body(agg_ref, hp_ref, dinv_ref, r_ref, bc_ref, w4_ref, b4_ref,
             w5_ref, b5_ref, w6_ref, b6_ref, out_ref):
        h = ((agg_ref[0][:, :DOUT] + agg_ref[1][:, :DOUT] + hp_ref[:, :DOUT])
             * dinv_ref[...] + bc_ref[...] + r_ref[...])
        m = jnp.max(h, axis=1, keepdims=True)
        e = jnp.exp(h - m)
        z = (h - m) - jnp.log(jnp.sum(e, axis=1, keepdims=True))
        d1 = jnp.maximum(_mm(z, w4_ref[...]) + b4_ref[...], 0.0)
        d2 = jnp.maximum(_mm(d1, w5_ref[...]) + b5_ref[...], 0.0)
        out_ref[...] = _mm(d2, w6_ref[...]) + b6_ref[...]

    return pl.pallas_call(
        body,
        grid=(N // _BR,),
        in_specs=[
            pl.BlockSpec((NC, _BR, DH), lambda i: (0, i, 0)),
            pl.BlockSpec((_BR, DH), lambda i: (i, 0)),
            pl.BlockSpec((_BR, 1), lambda i: (i, 0)),
            pl.BlockSpec((_BR, DOUT), lambda i: (i, 0)),
            pl.BlockSpec((1, DOUT), lambda i: (0, 0)),
            pl.BlockSpec((DH, DOUT), lambda i: (0, 0)),
            pl.BlockSpec((1, DH), lambda i: (0, 0)),
            pl.BlockSpec((DH, DH), lambda i: (0, 0)),
            pl.BlockSpec((1, DH), lambda i: (0, 0)),
            pl.BlockSpec((DIN, DH), lambda i: (0, 0)),
            pl.BlockSpec((1, DIN), lambda i: (0, 0)),
        ],
        out_specs=pl.BlockSpec((_BR, DIN), lambda i: (i, 0)),
        out_shape=jax.ShapeDtypeStruct((N, DIN), jnp.float32),
    )(agg, hp3, dinv, r3, bc3, Wl4, bl4, Wl5, bl5, Wl6, bl6)


def kernel(x, edge_index, Wc1, bc1, Wl1, bl1, Wc2, bc2, Wl2, bl2,
           Wc3, bc3, Wl3, bl3, Wl4, bl4, Wl5, bl5, Wl6, bl6):
    edge_index = edge_index.astype(jnp.int32)
    src3 = edge_index[0].reshape(NW, _NCH, _CHUNK)
    dst3 = edge_index[1].reshape(NW, _NCH, _CHUNK)
    ei4 = jnp.stack([src3, dst3], axis=2)
    ones = jnp.ones((_CHUNK, DH), jnp.float32)
    z128 = jnp.zeros((_NR, DH), jnp.float32)

    hist = _sc_hist(dst3, ones, z128)
    t1, r1 = _tc_proj1(x, Wc1, Wl1, bl1.reshape(1, DH))
    hp1, dinv = _tc_scale(t1, hist)
    agg1 = _sc_conv(hp1, ei4, z128, DH)
    hp2, r2 = _tc_combine_proj(agg1, hp1, dinv, r1, bc1.reshape(1, DH),
                               Wc2, Wl2, bl2.reshape(1, DH))
    agg2 = _sc_conv(hp2, ei4, z128, DH)
    Wc3p = jnp.concatenate([Wc3, jnp.zeros((DH - DOUT, DH), jnp.float32)], axis=0)
    hp3, r3 = _tc_combine_proj(agg2, hp2, dinv, r2, bc2.reshape(1, DH),
                               Wc3p, Wl3, bl3.reshape(1, DOUT))
    agg3 = _sc_conv(hp3, ei4, z128, DH)
    imp = _tc_final(agg3, hp3, dinv, r3, bc3.reshape(1, DOUT),
                    Wl4, bl4.reshape(1, DH), Wl5, bl5.reshape(1, DH),
                    Wl6, bl6.reshape(1, DIN))
    return imp

# --- scband reference (transcript-rebuilt; emitter-appended) ---
"""Pipeline reference for scband-gaencoder-decoder-20529943674886 (READ-ONLY COPY).

The authoritative reference and input builder live on the scoring server;
editing this copy changes nothing except your own understanding.
"""

import jax, jax.numpy as jnp
import numpy as np

N = 10000
E = 320000
DIN = 128
DH = 128
DOUT = 64


def setup_inputs(seed: int = 0) -> dict:
    key = jax.random.key(seed)
    ks = jax.random.split(key, 16)

    def w(k, o, i):
        return jax.random.normal(k, (o, i), jnp.float32) * (1.0 / np.sqrt(i))

    inp = {
        "x": jax.random.normal(ks[0], (N, DIN), jnp.float32),
        "edge_index": jax.random.randint(ks[1], (2, E), 0, N),
        "Wc1": w(ks[2], DH, DIN), "bc1": jnp.zeros((DH,), jnp.float32),
        "Wl1": w(ks[3], DH, DIN), "bl1": jnp.zeros((DH,), jnp.float32),
        "Wc2": w(ks[4], DH, DH), "bc2": jnp.zeros((DH,), jnp.float32),
        "Wl2": w(ks[5], DH, DH), "bl2": jnp.zeros((DH,), jnp.float32),
        "Wc3": w(ks[6], DOUT, DH), "bc3": jnp.zeros((DOUT,), jnp.float32),
        "Wl3": w(ks[7], DOUT, DH), "bl3": jnp.zeros((DOUT,), jnp.float32),
        "Wl4": w(ks[8], DH, DOUT), "bl4": jnp.zeros((DH,), jnp.float32),
        "Wl5": w(ks[9], DH, DH), "bl5": jnp.zeros((DH,), jnp.float32),
        "Wl6": w(ks[10], DIN, DH), "bl6": jnp.zeros((DIN,), jnp.float32),
    }
    return inp


def _gcn_conv(x, edge_index, W, b):
    # PyG GCNConv (eval): add self-loops, symmetric normalization, scatter-add aggregate
    loop = jnp.arange(N, dtype=edge_index.dtype)
    src = jnp.concatenate([edge_index[0], loop])
    dst = jnp.concatenate([edge_index[1], loop])
    deg = jnp.zeros((N,), x.dtype).at[dst].add(jnp.ones((src.shape[0],), x.dtype))
    dinv = jnp.where(deg > 0, jax.lax.rsqrt(deg), 0.0)
    norm = dinv[src] * dinv[dst]
    h = x @ W.T
    msgs = h[src] * norm[:, None]
    out = jnp.zeros((N, W.shape[0]), x.dtype).at[dst].add(msgs)
    return out + b


def reference(x, edge_index, Wc1, bc1, Wl1, bl1, Wc2, bc2, Wl2, bl2,
              Wc3, bc3, Wl3, bl3, Wl4, bl4, Wl5, bl5, Wl6, bl6):
    # encode (eval mode: dropout = identity)
    h = _gcn_conv(x, edge_index, Wc1, bc1) + (x @ Wl1.T + bl1)
    h = jax.nn.relu(h)
    h = _gcn_conv(h, edge_index, Wc2, bc2) + (h @ Wl2.T + bl2)
    h = jax.nn.relu(h)
    h = _gcn_conv(h, edge_index, Wc3, bc3) + (h @ Wl3.T + bl3)
    z = jax.nn.log_softmax(h, axis=1)
    # decode
    d = jax.nn.relu(z @ Wl4.T + bl4)
    d = jax.nn.relu(d @ Wl5.T + bl5)
    imp = d @ Wl6.T + bl6
    return imp

if __name__ == "__main__":
    import jax
    _d = setup_inputs()
    print(jax.jit(kernel)(*tuple(_d.values())))

</pallas_src>

<mosaic_0001>
#map = affine_map<(d0, d1) -> (0, 0)>
#map1 = affine_map<(d0, d1) -> (0, 0, 0, 0)>
#map2 = affine_map<(d0, d1) -> (0, 0, 0)>
module attributes {stable_mosaic.version = 14 : i64} {
  func.func @k(%arg0: i32, %arg1: i32, %arg2: memref<10000x128xf32, #tpu.memory_space<hbm>>, %arg3: memref<32x100x2x100xi32, #tpu.memory_space<hbm>>, %arg4: memref<624x128xf32, #tpu.memory_space<hbm>>, %arg5: memref<2x10000x128xf32, #tpu.memory_space<hbm>>, %arg6: memref<2x100xi32, #tpu.memory_space<vmem>>, %arg7: memref<2x100xi32, #tpu.memory_space<vmem>>, %arg8: memref<100x128xf32, #tpu.memory_space<vmem>>, %arg9: memref<100x128xf32, #tpu.memory_space<vmem>>, %arg10: memref<10000x128xf32, #tpu.memory_space<vmem_shared>>, %arg11: memref<!tpu.dma_semaphore, #tpu.memory_space<semaphore_mem>>, %arg12: memref<!tpu.dma_semaphore, #tpu.memory_space<semaphore_mem>>, %arg13: memref<!tpu.dma_semaphore, #tpu.memory_space<semaphore_mem>>, %arg14: memref<!tpu.dma_semaphore, #tpu.memory_space<semaphore_mem>>) attributes {dimension_semantics = [#tpu.dimension_semantics<core_parallel>, #tpu.dimension_semantics<subcore_parallel>], iteration_bounds = array<i64: 2, 16>, scalar_prefetch = 0 : i64, scratch_operands = 9 : i64, tpu.core_type = #tpu.core_type<sc_vector_subcore>, window_params = [{transform_indices = #map}, {transform_indices = #map1}, {transform_indices = #map}, {transform_indices = #map2}]} {
    %mul3A = arith.constant 16 : i32
    %mul3A_0 = arith.muli %arg0, %mul3A : i32
    %add3A = arith.addi %mul3A_0, %arg1 : i32
    %mul3A_1 = arith.constant 624 : i32
    %mul3A_2 = arith.muli %arg1, %mul3A_1 : i32
    "tpu.region"() ({
      %run_scoped3A_44 = tpu.sem_alloc : memref<!tpu.dma_semaphore, #tpu.memory_space<semaphore_mem>>
      %dma_start3A_45 = arith.constant 0 : i32
      %dma_start3A_46 = tpu.memref_slice %arg10[%mul3A_2, %dma_start3A_45] : memref<10000x128xf32, #tpu.memory_space<vmem_shared>> -> memref<624x128xf32, #tpu.memory_space<vmem_shared>>
      tpu.enqueue_dma source(%arg4 : memref<624x128xf32, #tpu.memory_space<hbm>>) target(%dma_start3A_46 : memref<624x128xf32, #tpu.memory_space<vmem_shared>>) target_semaphore(%run_scoped3A_44 : memref<!tpu.dma_semaphore, #tpu.memory_space<semaphore_mem>>)
      %dma_wait3A_47 = arith.constant 0 : i32
      %dma_wait3A_48 = tpu.memref_slice %arg10[%mul3A_2, %dma_wait3A_47] : memref<10000x128xf32, #tpu.memory_space<vmem_shared>> -> memref<624x128xf32, #tpu.memory_space<vmem_shared>>
      tpu.wait_dma2 semaphore(%run_scoped3A_44 : memref<!tpu.dma_semaphore, #tpu.memory_space<semaphore_mem>>) src(%arg4 : memref<624x128xf32, #tpu.memory_space<hbm>>) dst(%dma_wait3A_48 : memref<624x128xf32, #tpu.memory_space<vmem_shared>>)
      tpu.yield
    }) : () -> ()
    %eq3A = arith.constant 0 : i32
    %eq3A_3 = arith.cmpi eq, %arg1, %eq3A : i32
    %convert_element_type3A = arith.extui %eq3A_3 : i1 to i32
    %cond3A = arith.constant 0 : i32
    %cond3A_4 = arith.cmpi ne, %convert_element_type3A, %cond3A : i32
    scf.if %cond3A_4 {
      "tpu.region"() ({
        %run_scoped3A_44 = tpu.sem_alloc : memref<!tpu.dma_semaphore, #tpu.memory_space<semaphore_mem>>
        %dma_start3A_45 = arith.constant 9984 : i32
        %dma_start3A_46 = arith.constant 0 : i32
        %dma_start3A_47 = tpu.memref_slice %arg10[%dma_start3A_45, %dma_start3A_46] : memref<10000x128xf32, #tpu.memory_space<vmem_shared>> -> memref<16x128xf32, #tpu.memory_space<vmem_shared>>
        %dma_start3A_48 = arith.constant 0 : i32
        %dma_start3A_49 = arith.constant 0 : i32
        %dma_start3A_50 = tpu.memref_slice %arg4[%dma_start3A_48, %dma_start3A_49] : memref<624x128xf32, #tpu.memory_space<hbm>> -> memref<16x128xf32, #tpu.memory_space<hbm>>
        tpu.enqueue_dma source(%dma_start3A_50 : memref<16x128xf32, #tpu.memory_space<hbm>>) target(%dma_start3A_47 : memref<16x128xf32, #tpu.memory_space<vmem_shared>>) target_semaphore(%run_scoped3A_44 : memref<!tpu.dma_semaphore, #tpu.memory_space<semaphore_mem>>)
        %dma_wait3A_51 = arith.constant 9984 : i32
        %dma_wait3A_52 = arith.constant 0 : i32
        %dma_wait3A_53 = tpu.memref_slice %arg10[%dma_wait3A_51, %dma_wait3A_52] : memref<10000x128xf32, #tpu.memory_space<vmem_shared>> -> memref<16x128xf32, #tpu.memory_space<vmem_shared>>
        %dma_wait3A_54 = arith.constant 0 : i32
        %dma_wait3A_55 = arith.constant 0 : i32
        %dma_wait3A_56 = tpu.memref_slice %arg4[%dma_wait3A_54, %dma_wait3A_55] : memref<624x128xf32, #tpu.memory_space<hbm>> -> memref<16x128xf32, #tpu.memory_space<hbm>>
        tpu.wait_dma2 semaphore(%run_scoped3A_44 : memref<!tpu.dma_semaphore, #tpu.memory_space<semaphore_mem>>) src(%dma_wait3A_56 : memref<16x128xf32, #tpu.memory_space<hbm>>) dst(%dma_wait3A_53 : memref<16x128xf32, #tpu.memory_space<vmem_shared>>)
        tpu.yield
      }) : () -> ()
    } else {
    }
    %run_scoped3A = arith.constant 0 : i32
    "tpu.region"() ({
      %run_scoped3A_44 = tpu.sem_alloc : memref<!tpu.dma_semaphore, #tpu.memory_space<semaphore_mem>>
      %dma_start3A_45 = arith.constant 0 : i32
      %dma_start3A_46 = arith.constant 0 : i32
      %dma_start3A_47 = tpu.memref_slice %arg3[%add3A, %run_scoped3A, %dma_start3A_45, %dma_start3A_46] : memref<32x100x2x100xi32, #tpu.memory_space<hbm>> -> memref<1x1x2x100xi32, #tpu.memory_space<hbm>>
      %dma_start3A_48 = tpu.memref_squeeze %dma_start3A_47 : memref<1x1x2x100xi32, #tpu.memory_space<hbm>> -> memref<2x100xi32, #tpu.memory_space<hbm>>
      %dma_start3A_49 = arith.constant 0 : i32
      %dma_start3A_50 = arith.constant 0 : i32
      %dma_start3A_51 = tpu.memref_slice %arg3[%add3A, %run_scoped3A, %dma_start3A_49, %dma_start3A_50] : memref<32x100x2x100xi32, #tpu.memory_space<hbm>> -> memref<1x1x2x100xi32, #tpu.memory_space<hbm>>
      %dma_start3A_52 = tpu.memref_squeeze %dma_start3A_51 : memref<1x1x2x100xi32, #tpu.memory_space<hbm>> -> memref<2x100xi32, #tpu.memory_space<hbm>>
      tpu.enqueue_dma source(%dma_start3A_52 : memref<2x100xi32, #tpu.memory_space<hbm>>) target(%arg6 : memref<2x100xi32, #tpu.memory_space<vmem>>) target_semaphore(%run_scoped3A_44 : memref<!tpu.dma_semaphore, #tpu.memory_space<semaphore_mem>>)
      %dma_wait3A_53 = arith.constant 0 : i32
      %dma_wait3A_54 = arith.constant 0 : i32
      %dma_wait3A_55 = tpu.memref_slice %arg3[%add3A, %run_scoped3A, %dma_wait3A_53, %dma_wait3A_54] : memref<32x100x2x100xi32, #tpu.memory_space<hbm>> -> memref<1x1x2x100xi32, #tpu.memory_space<hbm>>
      %dma_wait3A_56 = tpu.memref_squeeze %dma_wait3A_55 : memref<1x1x2x100xi32, #tpu.memory_space<hbm>> -> memref<2x100xi32, #tpu.memory_space<hbm>>
      %dma_wait3A_57 = arith.constant 0 : i32
      %dma_wait3A_58 = arith.constant 0 : i32
      %dma_wait3A_59 = tpu.memref_slice %arg3[%add3A, %run_scoped3A, %dma_wait3A_57, %dma_wait3A_58] : memref<32x100x2x100xi32, #tpu.memory_space<hbm>> -> memref<1x1x2x100xi32, #tpu.memory_space<hbm>>
      %dma_wait3A_60 = tpu.memref_squeeze %dma_wait3A_59 : memref<1x1x2x100xi32, #tpu.memory_space<hbm>> -> memref<2x100xi32, #tpu.memory_space<hbm>>
      tpu.wait_dma2 semaphore(%run_scoped3A_44 : memref<!tpu.dma_semaphore, #tpu.memory_space<semaphore_mem>>) src(%dma_wait3A_60 : memref<2x100xi32, #tpu.memory_space<hbm>>) dst(%arg6 : memref<2x100xi32, #tpu.memory_space<vmem>>)
      tpu.yield
    }) : () -> ()
    %run_scoped3A_5 = arith.constant 1 : i32
    "tpu.region"() ({
      %run_scoped3A_44 = tpu.sem_alloc : memref<!tpu.dma_semaphore, #tpu.memory_space<semaphore_mem>>
      %dma_start3A_45 = arith.constant 0 : i32
      %dma_start3A_46 = arith.constant 0 : i32
      %dma_start3A_47 = tpu.memref_slice %arg3[%add3A, %run_scoped3A_5, %dma_start3A_45, %dma_start3A_46] : memref<32x100x2x100xi32, #tpu.memory_space<hbm>> -> memref<1x1x2x100xi32, #tpu.memory_space<hbm>>
      %dma_start3A_48 = tpu.memref_squeeze %dma_start3A_47 : memref<1x1x2x100xi32, #tpu.memory_space<hbm>> -> memref<2x100xi32, #tpu.memory_space<hbm>>
      %dma_start3A_49 = arith.constant 0 : i32
      %dma_start3A_50 = arith.constant 0 : i32
      %dma_start3A_51 = tpu.memref_slice %arg3[%add3A, %run_scoped3A_5, %dma_start3A_49, %dma_start3A_50] : memref<32x100x2x100xi32, #tpu.memory_space<hbm>> -> memref<1x1x2x100xi32, #tpu.memory_space<hbm>>
      %dma_start3A_52 = tpu.memref_squeeze %dma_start3A_51 : memref<1x1x2x100xi32, #tpu.memory_space<hbm>> -> memref<2x100xi32, #tpu.memory_space<hbm>>
      tpu.enqueue_dma source(%dma_start3A_52 : memref<2x100xi32, #tpu.memory_space<hbm>>) target(%arg7 : memref<2x100xi32, #tpu.memory_space<vmem>>) target_semaphore(%run_scoped3A_44 : memref<!tpu.dma_semaphore, #tpu.memory_space<semaphore_mem>>)
      %dma_wait3A_53 = arith.constant 0 : i32
      %dma_wait3A_54 = arith.constant 0 : i32
      %dma_wait3A_55 = tpu.memref_slice %arg3[%add3A, %run_scoped3A_5, %dma_wait3A_53, %dma_wait3A_54] : memref<32x100x2x100xi32, #tpu.memory_space<hbm>> -> memref<1x1x2x100xi32, #tpu.memory_space<hbm>>
      %dma_wait3A_56 = tpu.memref_squeeze %dma_wait3A_55 : memref<1x1x2x100xi32, #tpu.memory_space<hbm>> -> memref<2x100xi32, #tpu.memory_space<hbm>>
      %dma_wait3A_57 = arith.constant 0 : i32
      %dma_wait3A_58 = arith.constant 0 : i32
      %dma_wait3A_59 = tpu.memref_slice %arg3[%add3A, %run_scoped3A_5, %dma_wait3A_57, %dma_wait3A_58] : memref<32x100x2x100xi32, #tpu.memory_space<hbm>> -> memref<1x1x2x100xi32, #tpu.memory_space<hbm>>
      %dma_wait3A_60 = tpu.memref_squeeze %dma_wait3A_59 : memref<1x1x2x100xi32, #tpu.memory_space<hbm>> -> memref<2x100xi32, #tpu.memory_space<hbm>>
      tpu.wait_dma2 semaphore(%run_scoped3A_44 : memref<!tpu.dma_semaphore, #tpu.memory_space<semaphore_mem>>) src(%dma_wait3A_60 : memref<2x100xi32, #tpu.memory_space<hbm>>) dst(%arg7 : memref<2x100xi32, #tpu.memory_space<vmem>>)
      tpu.yield
    }) : () -> ()
    %barrier3A = arith.constant 0 : index
    tpu.barrier barrier_id(%barrier3A)
    %dma_start3A = arith.constant 0 : i32
    %dma_start3A_6 = arith.constant 0 : i32
    %dma_start3A_7 = tpu.memref_slice %arg6[%dma_start3A, %dma_start3A_6] : memref<2x100xi32, #tpu.memory_space<vmem>> -> memref<1x100xi32, #tpu.memory_space<vmem>>
    %dma_start3A_8 = tpu.memref_squeeze %dma_start3A_7 : memref<1x100xi32, #tpu.memory_space<vmem>> -> memref<100xi32, #tpu.memory_space<vmem>>
    %dma_start3A_9 = arith.constant 0 : i32
    %dma_start3A_10 = arith.constant 0 : i32
    %dma_start3A_11 = tpu.memref_slice %arg2[%dma_start3A_9, %dma_start3A_10] : memref<10000x128xf32, #tpu.memory_space<hbm>> -> memref<10000x128xf32, #tpu.memory_space<hbm>>
    tpu.enqueue_indirect_dma source(%dma_start3A_11 : memref<10000x128xf32, #tpu.memory_space<hbm>>) target(%arg8 : memref<100x128xf32, #tpu.memory_space<vmem>>) offsets(%dma_start3A_8 : memref<100xi32, #tpu.memory_space<vmem>>) semaphore(%arg11 : memref<!tpu.dma_semaphore, #tpu.memory_space<semaphore_mem>>)
    %scan3A = arith.constant 0 : i32
    %scan3A_12 = arith.constant 49 : i32
    %scan3A_13 = arith.addi %scan3A, %scan3A_12 : i32
    %scan3A_14 = arith.constant 1 : i32
    scf.for %scan3A_44 = %scan3A to %scan3A_13 step %scan3A_14  : i32 {
      %mul3A_45 = arith.constant 2 : i32
      %mul3A_46 = arith.muli %scan3A_44, %mul3A_45 : i32
      %add3A_47 = arith.constant 0 : i32
      %add3A_48 = arith.addi %add3A_47, %mul3A_46 : i32
      %dma_start3A_49 = arith.constant 0 : i32
      %dma_start3A_50 = arith.constant 0 : i32
      %dma_start3A_51 = tpu.memref_slice %arg7[%dma_start3A_49, %dma_start3A_50] : memref<2x100xi32, #tpu.memory_space<vmem>> -> memref<1x100xi32, #tpu.memory_space<vmem>>
      %dma_start3A_52 = tpu.memref_squeeze %dma_start3A_51 : memref<1x100xi32, #tpu.memory_space<vmem>> -> memref<100xi32, #tpu.memory_space<vmem>>
      %dma_start3A_53 = arith.constant 0 : i32
      %dma_start3A_54 = arith.constant 0 : i32
      %dma_start3A_55 = tpu.memref_slice %arg2[%dma_start3A_53, %dma_start3A_54] : memref<10000x128xf32, #tpu.memory_space<hbm>> -> memref<10000x128xf32, #tpu.memory_space<hbm>>
      tpu.enqueue_indirect_dma source(%dma_start3A_55 : memref<10000x128xf32, #tpu.memory_space<hbm>>) target(%arg9 : memref<100x128xf32, #tpu.memory_space<vmem>>) offsets(%dma_start3A_52 : memref<100xi32, #tpu.memory_space<vmem>>) semaphore(%arg12 : memref<!tpu.dma_semaphore, #tpu.memory_space<semaphore_mem>>)
      %dma_wait3A_56 = arith.constant 0 : i32
      %dma_wait3A_57 = arith.constant 0 : i32
      %dma_wait3A_58 = tpu.memref_slice %arg6[%dma_wait3A_56, %dma_wait3A_57] : memref<2x100xi32, #tpu.memory_space<vmem>> -> memref<1x100xi32, #tpu.memory_space<vmem>>
      %dma_wait3A_59 = tpu.memref_squeeze %dma_wait3A_58 : memref<1x100xi32, #tpu.memory_space<vmem>> -> memref<100xi32, #tpu.memory_space<vmem>>
      %dma_wait3A_60 = arith.constant 0 : i32
      %dma_wait3A_61 = arith.constant 0 : i32
      %dma_wait3A_62 = tpu.memref_slice %arg2[%dma_wait3A_60, %dma_wait3A_61] : memref<10000x128xf32, #tpu.memory_space<hbm>> -> memref<10000x128xf32, #tpu.memory_space<hbm>>
      tpu.wait_indirect_dma semaphore(%arg11 : memref<!tpu.dma_semaphore, #tpu.memory_space<semaphore_mem>>) src(%dma_wait3A_62 : memref<10000x128xf32, #tpu.memory_space<hbm>>) dst(%arg8 : memref<100x128xf32, #tpu.memory_space<vmem>>)
      %run_scoped3A_63 = arith.constant 1 : i32
      "tpu.region"() ({
        %run_scoped3A_117 = tpu.sem_alloc : memref<!tpu.dma_semaphore, #tpu.memory_space<semaphore_mem>>
        %dma_start3A_118 = arith.constant 0 : i32
        %dma_start3A_119 = tpu.memref_slice %arg6[%run_scoped3A_63, %dma_start3A_118] : memref<2x100xi32, #tpu.memory_space<vmem>> -> memref<1x100xi32, #tpu.memory_space<vmem>>
        %dma_start3A_120 = tpu.memref_squeeze %dma_start3A_119 : memref<1x100xi32, #tpu.memory_space<vmem>> -> memref<100xi32, #tpu.memory_space<vmem>>
        %dma_start3A_121 = arith.constant 0 : i32
        %dma_start3A_122 = arith.constant 0 : i32
        %dma_start3A_123 = tpu.memref_slice %arg10[%dma_start3A_121, %dma_start3A_122] : memref<10000x128xf32, #tpu.memory_space<vmem_shared>> -> memref<10000x128xf32, #tpu.memory_space<vmem_shared>>
        tpu.enqueue_indirect_dma source(%arg8 : memref<100x128xf32, #tpu.memory_space<vmem>>) target(%dma_start3A_123 : memref<10000x128xf32, #tpu.memory_space<vmem_shared>>) offsets(%dma_start3A_120 : memref<100xi32, #tpu.memory_space<vmem>>) semaphore(%run_scoped3A_117 : memref<!tpu.dma_semaphore, #tpu.memory_space<semaphore_mem>>) {add = true}
        %dma_wait3A_124 = arith.constant 0 : i32
        %dma_wait3A_125 = tpu.memref_slice %arg6[%run_scoped3A_63, %dma_wait3A_124] : memref<2x100xi32, #tpu.memory_space<vmem>> -> memref<1x100xi32, #tpu.memory_space<vmem>>
        %dma_wait3A_126 = tpu.memref_squeeze %dma_wait3A_125 : memref<1x100xi32, #tpu.memory_space<vmem>> -> memref<100xi32, #tpu.memory_space<vmem>>
        %dma_wait3A_127 = arith.constant 0 : i32
        %dma_wait3A_128 = arith.constant 0 : i32
        %dma_wait3A_129 = tpu.memref_slice %arg10[%dma_wait3A_127, %dma_wait3A_128] : memref<10000x128xf32, #tpu.memory_space<vmem_shared>> -> memref<10000x128xf32, #tpu.memory_space<vmem_shared>>
        tpu.wait_indirect_dma semaphore(%run_scoped3A_117 : memref<!tpu.dma_semaphore, #tpu.memory_space<semaphore_mem>>) src(%arg8 : memref<100x128xf32, #tpu.memory_space<vmem>>) dst(%dma_wait3A_129 : memref<10000x128xf32, #tpu.memory_space<vmem_shared>>)
        tpu.yield
      }) : () -> ()
      %add3A_64 = arith.constant 2 : i32
      %add3A_65 = arith.addi %add3A_48, %add3A_64 : i32
      %dma_start3A_66 = arith.constant 0 : i32
      %dma_start3A_67 = arith.constant 0 : i32
      %dma_start3A_68 = tpu.memref_slice %arg3[%add3A, %add3A_65, %dma_start3A_66, %dma_start3A_67] : memref<32x100x2x100xi32, #tpu.memory_space<hbm>> -> memref<1x1x2x100xi32, #tpu.memory_space<hbm>>
      %dma_start3A_69 = tpu.memref_squeeze %dma_start3A_68 : memref<1x1x2x100xi32, #tpu.memory_space<hbm>> -> memref<2x100xi32, #tpu.memory_space<hbm>>
      %dma_start3A_70 = arith.constant 0 : i32
      %dma_start3A_71 = arith.constant 0 : i32
      %dma_start3A_72 = tpu.memref_slice %arg3[%add3A, %add3A_65, %dma_start3A_70, %dma_start3A_71] : memref<32x100x2x100xi32, #tpu.memory_space<hbm>> -> memref<1x1x2x100xi32, #tpu.memory_space<hbm>>
      %dma_start3A_73 = tpu.memref_squeeze %dma_start3A_72 : memref<1x1x2x100xi32, #tpu.memory_space<hbm>> -> memref<2x100xi32, #tpu.memory_space<hbm>>
      tpu.enqueue_dma source(%dma_start3A_73 : memref<2x100xi32, #tpu.memory_space<hbm>>) target(%arg6 : memref<2x100xi32, #tpu.memory_space<vmem>>) target_semaphore(%arg13 : memref<!tpu.dma_semaphore, #tpu.memory_space<semaphore_mem>>)
      %dma_wait3A_74 = arith.constant 0 : i32
      %dma_wait3A_75 = arith.constant 0 : i32
      %dma_wait3A_76 = arith.constant 0 : i32
      %dma_wait3A_77 = tpu.memref_slice %arg3[%add3A, %dma_wait3A_74, %dma_wait3A_75, %dma_wait3A_76] : memref<32x100x2x100xi32, #tpu.memory_space<hbm>> -> memref<1x1x2x100xi32, #tpu.memory_space<hbm>>
      %dma_wait3A_78 = tpu.memref_squeeze %dma_wait3A_77 : memref<1x1x2x100xi32, #tpu.memory_space<hbm>> -> memref<2x100xi32, #tpu.memory_space<hbm>>
      %dma_wait3A_79 = arith.constant 0 : i32
      %dma_wait3A_80 = arith.constant 0 : i32
      %dma_wait3A_81 = tpu.memref_slice %arg3[%add3A, %dma_wait3A_74, %dma_wait3A_79, %dma_wait3A_80] : memref<32x100x2x100xi32, #tpu.memory_space<hbm>> -> memref<1x1x2x100xi32, #tpu.memory_space<hbm>>
      %dma_wait3A_82 = tpu.memref_squeeze %dma_wait3A_81 : memref<1x1x2x100xi32, #tpu.memory_space<hbm>> -> memref<2x100xi32, #tpu.memory_space<hbm>>
      tpu.wait_dma2 semaphore(%arg13 : memref<!tpu.dma_semaphore, #tpu.memory_space<semaphore_mem>>) src(%dma_wait3A_82 : memref<2x100xi32, #tpu.memory_space<hbm>>) dst(%arg6 : memref<2x100xi32, #tpu.memory_space<vmem>>)
      %dma_wait3A_83 = arith.constant 0 : i32
      %dma_wait3A_84 = arith.constant 0 : i32
      %dma_wait3A_85 = tpu.memref_slice %arg6[%dma_wait3A_83, %dma_wait3A_84] : memref<2x100xi32, #tpu.memory_space<vmem>> -> memref<1x100xi32, #tpu.memory_space<vmem>>
      %dma_wait3A_86 = tpu.memref_squeeze %dma_wait3A_85 : memref<1x100xi32, #tpu.memory_space<vmem>> -> memref<100xi32, #tpu.memory_space<vmem>>
      %dma_wait3A_87 = arith.constant 0 : i32
      %dma_wait3A_88 = arith.constant 0 : i32
      %dma_wait3A_89 = tpu.memref_slice %arg2[%dma_wait3A_87, %dma_wait3A_88] : memref<10000x128xf32, #tpu.memory_space<hbm>> -> memref<10000x128xf32, #tpu.memory_space<hbm>>
      tpu.wait_indirect_dma semaphore(%arg12 : memref<!tpu.dma_semaphore, #tpu.memory_space<semaphore_mem>>) src(%dma_wait3A_89 : memref<10000x128xf32, #tpu.memory_space<hbm>>) dst(%arg9 : memref<100x128xf32, #tpu.memory_space<vmem>>)
      %dma_start3A_90 = arith.constant 0 : i32
      %dma_start3A_91 = arith.constant 0 : i32
      %dma_start3A_92 = tpu.memref_slice %arg6[%dma_start3A_90, %dma_start3A_91] : memref<2x100xi32, #tpu.memory_space<vmem>> -> memref<1x100xi32, #tpu.memory_space<vmem>>
      %dma_start3A_93 = tpu.memref_squeeze %dma_start3A_92 : memref<1x100xi32, #tpu.memory_space<vmem>> -> memref<100xi32, #tpu.memory_space<vmem>>
      %dma_start3A_94 = arith.constant 0 : i32
      %dma_start3A_95 = arith.constant 0 : i32
      %dma_start3A_96 = tpu.memref_slice %arg2[%dma_start3A_94, %dma_start3A_95] : memref<10000x128xf32, #tpu.memory_space<hbm>> -> memref<10000x128xf32, #tpu.memory_space<hbm>>
      tpu.enqueue_indirect_dma source(%dma_start3A_96 : memref<10000x128xf32, #tpu.memory_space<hbm>>) target(%arg8 : memref<100x128xf32, #tpu.memory_space<vmem>>) offsets(%dma_start3A_93 : memref<100xi32, #tpu.memory_space<vmem>>) semaphore(%arg11 : memref<!tpu.dma_semaphore, #tpu.memory_space<semaphore_mem>>)
      %run_scoped3A_97 = arith.constant 1 : i32
      "tpu.region"() ({
        %run_scoped3A_117 = tpu.sem_alloc : memref<!tpu.dma_semaphore, #tpu.memory_space<semaphore_mem>>
        %dma_start3A_118 = arith.constant 0 : i32
        %dma_start3A_119 = tpu.memref_slice %arg7[%run_scoped3A_97, %dma_start3A_118] : memref<2x100xi32, #tpu.memory_space<vmem>> -> memref<1x100xi32, #tpu.memory_space<vmem>>
        %dma_start3A_120 = tpu.memref_squeeze %dma_start3A_119 : memref<1x100xi32, #tpu.memory_space<vmem>> -> memref<100xi32, #tpu.memory_space<vmem>>
        %dma_start3A_121 = arith.constant 0 : i32
        %dma_start3A_122 = arith.constant 0 : i32
        %dma_start3A_123 = tpu.memref_slice %arg10[%dma_start3A_121, %dma_start3A_122] : memref<10000x128xf32, #tpu.memory_space<vmem_shared>> -> memref<10000x128xf32, #tpu.memory_space<vmem_shared>>
        tpu.enqueue_indirect_dma source(%arg9 : memref<100x128xf32, #tpu.memory_space<vmem>>) target(%dma_start3A_123 : memref<10000x128xf32, #tpu.memory_space<vmem_shared>>) offsets(%dma_start3A_120 : memref<100xi32, #tpu.memory_space<vmem>>) semaphore(%run_scoped3A_117 : memref<!tpu.dma_semaphore, #tpu.memory_space<semaphore_mem>>) {add = true}
        %dma_wait3A_124 = arith.constant 0 : i32
        %dma_wait3A_125 = tpu.memref_slice %arg7[%run_scoped3A_97, %dma_wait3A_124] : memref<2x100xi32, #tpu.memory_space<vmem>> -> memref<1x100xi32, #tpu.memory_space<vmem>>
        %dma_wait3A_126 = tpu.memref_squeeze %dma_wait3A_125 : memref<1x100xi32, #tpu.memory_space<vmem>> -> memref<100xi32, #tpu.memory_space<vmem>>
        %dma_wait3A_127 = arith.constant 0 : i32
        %dma_wait3A_128 = arith.constant 0 : i32
        %dma_wait3A_129 = tpu.memref_slice %arg10[%dma_wait3A_127, %dma_wait3A_128] : memref<10000x128xf32, #tpu.memory_space<vmem_shared>> -> memref<10000x128xf32, #tpu.memory_space<vmem_shared>>
        tpu.wait_indirect_dma semaphore(%run_scoped3A_117 : memref<!tpu.dma_semaphore, #tpu.memory_space<semaphore_mem>>) src(%arg9 : memref<100x128xf32, #tpu.memory_space<vmem>>) dst(%dma_wait3A_129 : memref<10000x128xf32, #tpu.memory_space<vmem_shared>>)
        tpu.yield
      }) : () -> ()
      %add3A_98 = arith.constant 3 : i32
      %add3A_99 = arith.addi %add3A_48, %add3A_98 : i32
      %dma_start3A_100 = arith.constant 0 : i32
      %dma_start3A_101 = arith.constant 0 : i32
      %dma_start3A_102 = tpu.memref_slice %arg3[%add3A, %add3A_99, %dma_start3A_100, %dma_start3A_101] : memref<32x100x2x100xi32, #tpu.memory_space<hbm>> -> memref<1x1x2x100xi32, #tpu.memory_space<hbm>>
      %dma_start3A_103 = tpu.memref_squeeze %dma_start3A_102 : memref<1x1x2x100xi32, #tpu.memory_space<hbm>> -> memref<2x100xi32, #tpu.memory_space<hbm>>
      %dma_start3A_104 = arith.constant 0 : i32
      %dma_start3A_105 = arith.constant 0 : i32
      %dma_start3A_106 = tpu.memref_slice %arg3[%add3A, %add3A_99, %dma_start3A_104, %dma_start3A_105] : memref<32x100x2x100xi32, #tpu.memory_space<hbm>> -> memref<1x1x2x100xi32, #tpu.memory_space<hbm>>
      %dma_start3A_107 = tpu.memref_squeeze %dma_start3A_106 : memref<1x1x2x100xi32, #tpu.memory_space<hbm>> -> memref<2x100xi32, #tpu.memory_space<hbm>>
      tpu.enqueue_dma source(%dma_start3A_107 : memref<2x100xi32, #tpu.memory_space<hbm>>) target(%arg7 : memref<2x100xi32, #tpu.memory_space<vmem>>) target_semaphore(%arg14 : memref<!tpu.dma_semaphore, #tpu.memory_space<semaphore_mem>>)
      %dma_wait3A_108 = arith.constant 0 : i32
      %dma_wait3A_109 = arith.constant 0 : i32
      %dma_wait3A_110 = arith.constant 0 : i32
      %dma_wait3A_111 = tpu.memref_slice %arg3[%add3A, %dma_wait3A_108, %dma_wait3A_109, %dma_wait3A_110] : memref<32x100x2x100xi32, #tpu.memory_space<hbm>> -> memref<1x1x2x100xi32, #tpu.memory_space<hbm>>
      %dma_wait3A_112 = tpu.memref_squeeze %dma_wait3A_111 : memref<1x1x2x100xi32, #tpu.memory_space<hbm>> -> memref<2x100xi32, #tpu.memory_space<hbm>>
      %dma_wait3A_113 = arith.constant 0 : i32
      %dma_wait3A_114 = arith.constant 0 : i32
      %dma_wait3A_115 = tpu.memref_slice %arg3[%add3A, %dma_wait3A_108, %dma_wait3A_113, %dma_wait3A_114] : memref<32x100x2x100xi32, #tpu.memory_space<hbm>> -> memref<1x1x2x100xi32, #tpu.memory_space<hbm>>
      %dma_wait3A_116 = tpu.memref_squeeze %dma_wait3A_115 : memref<1x1x2x100xi32, #tpu.memory_space<hbm>> -> memref<2x100xi32, #tpu.memory_space<hbm>>
      tpu.wait_dma2 semaphore(%arg14 : memref<!tpu.dma_semaphore, #tpu.memory_space<semaphore_mem>>) src(%dma_wait3A_116 : memref<2x100xi32, #tpu.memory_space<hbm>>) dst(%arg7 : memref<2x100xi32, #tpu.memory_space<vmem>>)
    }
    %scan3A_15 = arith.constant 49 : i32
    %dma_start3A_16 = arith.constant 0 : i32
    %dma_start3A_17 = arith.constant 0 : i32
    %dma_start3A_18 = tpu.memref_slice %arg7[%dma_start3A_16, %dma_start3A_17] : memref<2x100xi32, #tpu.memory_space<vmem>> -> memref<1x100xi32, #tpu.memory_space<vmem>>
    %dma_start3A_19 = tpu.memref_squeeze %dma_start3A_18 : memref<1x100xi32, #tpu.memory_space<vmem>> -> memref<100xi32, #tpu.memory_space<vmem>>
    %dma_start3A_20 = arith.constant 0 : i32
    %dma_start3A_21 = arith.constant 0 : i32
    %dma_start3A_22 = tpu.memref_slice %arg2[%dma_start3A_20, %dma_start3A_21] : memref<10000x128xf32, #tpu.memory_space<hbm>> -> memref<10000x128xf32, #tpu.memory_space<hbm>>
    tpu.enqueue_indirect_dma source(%dma_start3A_22 : memref<10000x128xf32, #tpu.memory_space<hbm>>) target(%arg9 : memref<100x128xf32, #tpu.memory_space<vmem>>) offsets(%dma_start3A_19 : memref<100xi32, #tpu.memory_space<vmem>>) semaphore(%arg12 : memref<!tpu.dma_semaphore, #tpu.memory_space<semaphore_mem>>)
    %dma_wait3A = arith.constant 0 : i32
    %dma_wait3A_23 = arith.constant 0 : i32
    %dma_wait3A_24 = tpu.memref_slice %arg6[%dma_wait3A, %dma_wait3A_23] : memref<2x100xi32, #tpu.memory_space<vmem>> -> memref<1x100xi32, #tpu.memory_space<vmem>>
    %dma_wait3A_25 = tpu.memref_squeeze %dma_wait3A_24 : memref<1x100xi32, #tpu.memory_space<vmem>> -> memref<100xi32, #tpu.memory_space<vmem>>
    %dma_wait3A_26 = arith.constant 0 : i32
    %dma_wait3A_27 = arith.constant 0 : i32
    %dma_wait3A_28 = tpu.memref_slice %arg2[%dma_wait3A_26, %dma_wait3A_27] : memref<10000x128xf32, #tpu.memory_space<hbm>> -> memref<10000x128xf32, #tpu.memory_space<hbm>>
    tpu.wait_indirect_dma semaphore(%arg11 : memref<!tpu.dma_semaphore, #tpu.memory_space<semaphore_mem>>) src(%dma_wait3A_28 : memref<10000x128xf32, #tpu.memory_space<hbm>>) dst(%arg8 : memref<100x128xf32, #tpu.memory_space<vmem>>)
    %run_scoped3A_29 = arith.constant 1 : i32
    "tpu.region"() ({
      %run_scoped3A_44 = tpu.sem_alloc : memref<!tpu.dma_semaphore, #tpu.memory_space<semaphore_mem>>
      %dma_start3A_45 = arith.constant 0 : i32
      %dma_start3A_46 = tpu.memref_slice %arg6[%run_scoped3A_29, %dma_start3A_45] : memref<2x100xi32, #tpu.memory_space<vmem>> -> memref<1x100xi32, #tpu.memory_space<vmem>>
      %dma_start3A_47 = tpu.memref_squeeze %dma_start3A_46 : memref<1x100xi32, #tpu.memory_space<vmem>> -> memref<100xi32, #tpu.memory_space<vmem>>
      %dma_start3A_48 = arith.constant 0 : i32
      %dma_start3A_49 = arith.constant 0 : i32
      %dma_start3A_50 = tpu.memref_slice %arg10[%dma_start3A_48, %dma_start3A_49] : memref<10000x128xf32, #tpu.memory_space<vmem_shared>> -> memref<10000x128xf32, #tpu.memory_space<vmem_shared>>
      tpu.enqueue_indirect_dma source(%arg8 : memref<100x128xf32, #tpu.memory_space<vmem>>) target(%dma_start3A_50 : memref<10000x128xf32, #tpu.memory_space<vmem_shared>>) offsets(%dma_start3A_47 : memref<100xi32, #tpu.memory_space<vmem>>) semaphore(%run_scoped3A_44 : memref<!tpu.dma_semaphore, #tpu.memory_space<semaphore_mem>>) {add = true}
      %dma_wait3A_51 = arith.constant 0 : i32
      %dma_wait3A_52 = tpu.memref_slice %arg6[%run_scoped3A_29, %dma_wait3A_51] : memref<2x100xi32, #tpu.memory_space<vmem>> -> memref<1x100xi32, #tpu.memory_space<vmem>>
      %dma_wait3A_53 = tpu.memref_squeeze %dma_wait3A_52 : memref<1x100xi32, #tpu.memory_space<vmem>> -> memref<100xi32, #tpu.memory_space<vmem>>
      %dma_wait3A_54 = arith.constant 0 : i32
      %dma_wait3A_55 = arith.constant 0 : i32
      %dma_wait3A_56 = tpu.memref_slice %arg10[%dma_wait3A_54, %dma_wait3A_55] : memref<10000x128xf32, #tpu.memory_space<vmem_shared>> -> memref<10000x128xf32, #tpu.memory_space<vmem_shared>>
      tpu.wait_indirect_dma semaphore(%run_scoped3A_44 : memref<!tpu.dma_semaphore, #tpu.memory_space<semaphore_mem>>) src(%arg8 : memref<100x128xf32, #tpu.memory_space<vmem>>) dst(%dma_wait3A_56 : memref<10000x128xf32, #tpu.memory_space<vmem_shared>>)
      tpu.yield
    }) : () -> ()
    %dma_wait3A_30 = arith.constant 0 : i32
    %dma_wait3A_31 = arith.constant 0 : i32
    %dma_wait3A_32 = tpu.memref_slice %arg6[%dma_wait3A_30, %dma_wait3A_31] : memref<2x100xi32, #tpu.memory_space<vmem>> -> memref<1x100xi32, #tpu.memory_space<vmem>>
    %dma_wait3A_33 = tpu.memref_squeeze %dma_wait3A_32 : memref<1x100xi32, #tpu.memory_space<vmem>> -> memref<100xi32, #tpu.memory_space<vmem>>
    %dma_wait3A_34 = arith.constant 0 : i32
    %dma_wait3A_35 = arith.constant 0 : i32
    %dma_wait3A_36 = tpu.memref_slice %arg2[%dma_wait3A_34, %dma_wait3A_35] : memref<10000x128xf32, #tpu.memory_space<hbm>> -> memref<10000x128xf32, #tpu.memory_space<hbm>>
    tpu.wait_indirect_dma semaphore(%arg12 : memref<!tpu.dma_semaphore, #tpu.memory_space<semaphore_mem>>) src(%dma_wait3A_36 : memref<10000x128xf32, #tpu.memory_space<hbm>>) dst(%arg9 : memref<100x128xf32, #tpu.memory_space<vmem>>)
    %run_scoped3A_37 = arith.constant 1 : i32
    "tpu.region"() ({
      %run_scoped3A_44 = tpu.sem_alloc : memref<!tpu.dma_semaphore, #tpu.memory_space<semaphore_mem>>
      %dma_start3A_45 = arith.constant 0 : i32
      %dma_start3A_46 = tpu.memref_slice %arg7[%run_scoped3A_37, %dma_start3A_45] : memref<2x100xi32, #tpu.memory_space<vmem>> -> memref<1x100xi32, #tpu.memory_space<vmem>>
      %dma_start3A_47 = tpu.memref_squeeze %dma_start3A_46 : memref<1x100xi32, #tpu.memory_space<vmem>> -> memref<100xi32, #tpu.memory_space<vmem>>
      %dma_start3A_48 = arith.constant 0 : i32
      %dma_start3A_49 = arith.constant 0 : i32
      %dma_start3A_50 = tpu.memref_slice %arg10[%dma_start3A_48, %dma_start3A_49] : memref<10000x128xf32, #tpu.memory_space<vmem_shared>> -> memref<10000x128xf32, #tpu.memory_space<vmem_shared>>
      tpu.enqueue_indirect_dma source(%arg9 : memref<100x128xf32, #tpu.memory_space<vmem>>) target(%dma_start3A_50 : memref<10000x128xf32, #tpu.memory_space<vmem_shared>>) offsets(%dma_start3A_47 : memref<100xi32, #tpu.memory_space<vmem>>) semaphore(%run_scoped3A_44 : memref<!tpu.dma_semaphore, #tpu.memory_space<semaphore_mem>>) {add = true}
      %dma_wait3A_51 = arith.constant 0 : i32
      %dma_wait3A_52 = tpu.memref_slice %arg7[%run_scoped3A_37, %dma_wait3A_51] : memref<2x100xi32, #tpu.memory_space<vmem>> -> memref<1x100xi32, #tpu.memory_space<vmem>>
      %dma_wait3A_53 = tpu.memref_squeeze %dma_wait3A_52 : memref<1x100xi32, #tpu.memory_space<vmem>> -> memref<100xi32, #tpu.memory_space<vmem>>
      %dma_wait3A_54 = arith.constant 0 : i32
      %dma_wait3A_55 = arith.constant 0 : i32
      %dma_wait3A_56 = tpu.memref_slice %arg10[%dma_wait3A_54, %dma_wait3A_55] : memref<10000x128xf32, #tpu.memory_space<vmem_shared>> -> memref<10000x128xf32, #tpu.memory_space<vmem_shared>>
      tpu.wait_indirect_dma semaphore(%run_scoped3A_44 : memref<!tpu.dma_semaphore, #tpu.memory_space<semaphore_mem>>) src(%arg9 : memref<100x128xf32, #tpu.memory_space<vmem>>) dst(%dma_wait3A_56 : memref<10000x128xf32, #tpu.memory_space<vmem_shared>>)
      tpu.yield
    }) : () -> ()
    %barrier3A_38 = arith.constant 0 : index
    tpu.barrier barrier_id(%barrier3A_38)
    "tpu.region"() ({
      %run_scoped3A_44 = tpu.sem_alloc : memref<!tpu.dma_semaphore, #tpu.memory_space<semaphore_mem>>
      %dma_start3A_45 = arith.constant 0 : i32
      %dma_start3A_46 = tpu.memref_slice %arg5[%arg0, %mul3A_2, %dma_start3A_45] : memref<2x10000x128xf32, #tpu.memory_space<hbm>> -> memref<1x624x128xf32, #tpu.memory_space<hbm>>
      %dma_start3A_47 = tpu.memref_squeeze %dma_start3A_46 : memref<1x624x128xf32, #tpu.memory_space<hbm>> -> memref<624x128xf32, #tpu.memory_space<hbm>>
      %dma_start3A_48 = arith.constant 0 : i32
      %dma_start3A_49 = tpu.memref_slice %arg10[%mul3A_2, %dma_start3A_48] : memref<10000x128xf32, #tpu.memory_space<vmem_shared>> -> memref<624x128xf32, #tpu.memory_space<vmem_shared>>
      tpu.enqueue_dma source(%dma_start3A_49 : memref<624x128xf32, #tpu.memory_space<vmem_shared>>) target(%dma_start3A_47 : memref<624x128xf32, #tpu.memory_space<hbm>>) target_semaphore(%run_scoped3A_44 : memref<!tpu.dma_semaphore, #tpu.memory_space<semaphore_mem>>)
      %dma_wait3A_50 = arith.constant 0 : i32
      %dma_wait3A_51 = tpu.memref_slice %arg5[%arg0, %mul3A_2, %dma_wait3A_50] : memref<2x10000x128xf32, #tpu.memory_space<hbm>> -> memref<1x624x128xf32, #tpu.memory_space<hbm>>
      %dma_wait3A_52 = tpu.memref_squeeze %dma_wait3A_51 : memref<1x624x128xf32, #tpu.memory_space<hbm>> -> memref<624x128xf32, #tpu.memory_space<hbm>>
      %dma_wait3A_53 = arith.constant 0 : i32
      %dma_wait3A_54 = tpu.memref_slice %arg10[%mul3A_2, %dma_wait3A_53] : memref<10000x128xf32, #tpu.memory_space<vmem_shared>> -> memref<624x128xf32, #tpu.memory_space<vmem_shared>>
      tpu.wait_dma2 semaphore(%run_scoped3A_44 : memref<!tpu.dma_semaphore, #tpu.memory_space<semaphore_mem>>) src(%dma_wait3A_54 : memref<624x128xf32, #tpu.memory_space<vmem_shared>>) dst(%dma_wait3A_52 : memref<624x128xf32, #tpu.memory_space<hbm>>)
      tpu.yield
    }) : () -> ()
    %eq3A_39 = arith.constant 0 : i32
    %eq3A_40 = arith.cmpi eq, %arg1, %eq3A_39 : i32
    %convert_element_type3A_41 = arith.extui %eq3A_40 : i1 to i32
    %cond3A_42 = arith.constant 0 : i32
    %cond3A_43 = arith.cmpi ne, %convert_element_type3A_41, %cond3A_42 : i32
    scf.if %cond3A_43 {
      "tpu.region"() ({
        %run_scoped3A_44 = tpu.sem_alloc : memref<!tpu.dma_semaphore, #tpu.memory_space<semaphore_mem>>
        %dma_start3A_45 = arith.constant 9984 : i32
        %dma_start3A_46 = arith.constant 0 : i32
        %dma_start3A_47 = tpu.memref_slice %arg5[%arg0, %dma_start3A_45, %dma_start3A_46] : memref<2x10000x128xf32, #tpu.memory_space<hbm>> -> memref<1x16x128xf32, #tpu.memory_space<hbm>>
        %dma_start3A_48 = tpu.memref_squeeze %dma_start3A_47 : memref<1x16x128xf32, #tpu.memory_space<hbm>> -> memref<16x128xf32, #tpu.memory_space<hbm>>
        %dma_start3A_49 = arith.constant 9984 : i32
        %dma_start3A_50 = arith.constant 0 : i32
        %dma_start3A_51 = tpu.memref_slice %arg10[%dma_start3A_49, %dma_start3A_50] : memref<10000x128xf32, #tpu.memory_space<vmem_shared>> -> memref<16x128xf32, #tpu.memory_space<vmem_shared>>
        tpu.enqueue_dma source(%dma_start3A_51 : memref<16x128xf32, #tpu.memory_space<vmem_shared>>) target(%dma_start3A_48 : memref<16x128xf32, #tpu.memory_space<hbm>>) target_semaphore(%run_scoped3A_44 : memref<!tpu.dma_semaphore, #tpu.memory_space<semaphore_mem>>)
        %dma_wait3A_52 = arith.constant 9984 : i32
        %dma_wait3A_53 = arith.constant 0 : i32
        %dma_wait3A_54 = tpu.memref_slice %arg5[%arg0, %dma_wait3A_52, %dma_wait3A_53] : memref<2x10000x128xf32, #tpu.memory_space<hbm>> -> memref<1x16x128xf32, #tpu.memory_space<hbm>>
        %dma_wait3A_55 = tpu.memref_squeeze %dma_wait3A_54 : memref<1x16x128xf32, #tpu.memory_space<hbm>> -> memref<16x128xf32, #tpu.memory_space<hbm>>
        %dma_wait3A_56 = arith.constant 9984 : i32
        %dma_wait3A_57 = arith.constant 0 : i32
        %dma_wait3A_58 = tpu.memref_slice %arg10[%dma_wait3A_56, %dma_wait3A_57] : memref<10000x128xf32, #tpu.memory_space<vmem_shared>> -> memref<16x128xf32, #tpu.memory_space<vmem_shared>>
        tpu.wait_dma2 semaphore(%run_scoped3A_44 : memref<!tpu.dma_semaphore, #tpu.memory_space<semaphore_mem>>) src(%dma_wait3A_58 : memref<16x128xf32, #tpu.memory_space<vmem_shared>>) dst(%dma_wait3A_55 : memref<16x128xf32, #tpu.memory_space<hbm>>)
        tpu.yield
      }) : () -> ()
    } else {
    }
    return
  }
}

#map = affine_map<(d0, d1) -> (0, 0)>
#map1 = affine_map<(d0, d1) -> (0, 0, 0, 0)>
#map2 = affine_map<(d0, d1) -> (0, 0, 0)>
module attributes {stable_mosaic.version = 14 : i64} {
  func.func @k(%arg0: i32, %arg1: i32, %arg2: memref<10000x128xf32, #tpu.memory_space<hbm>>, %arg3: memref<32x100x2x100xi32, #tpu.memory_space<hbm>>, %arg4: memref<624x128xf32, #tpu.memory_space<hbm>>, %arg5: memref<2x10000x128xf32, #tpu.memory_space<hbm>>, %arg6: memref<2x100xi32, #tpu.memory_space<vmem>>, %arg7: memref<2x100xi32, #tpu.memory_space<vmem>>, %arg8: memref<100x128xf32, #tpu.memory_space<vmem>>, %arg9: memref<100x128xf32, #tpu.memory_space<vmem>>, %arg10: memref<10000x128xf32, #tpu.memory_space<vmem_shared>>, %arg11: memref<!tpu.dma_semaphore, #tpu.memory_space<semaphore_mem>>, %arg12: memref<!tpu.dma_semaphore, #tpu.memory_space<semaphore_mem>>, %arg13: memref<!tpu.dma_semaphore, #tpu.memory_space<semaphore_mem>>, %arg14: memref<!tpu.dma_semaphore, #tpu.memory_space<semaphore_mem>>) attributes {dimension_semantics = [#tpu.dimension_semantics<core_parallel>, #tpu.dimension_semantics<subcore_parallel>], iteration_bounds = array<i64: 2, 16>, scalar_prefetch = 0 : i64, scratch_operands = 9 : i64, tpu.core_type = #tpu.core_type<sc_vector_subcore>, window_params = [{transform_indices = #map}, {transform_indices = #map1}, {transform_indices = #map}, {transform_indices = #map2}]} {
    %mul3A = arith.constant 16 : i32
    %mul3A_0 = arith.muli %arg0, %mul3A : i32
    %add3A = arith.addi %mul3A_0, %arg1 : i32
    %mul3A_1 = arith.constant 624 : i32
    %mul3A_2 = arith.muli %arg1, %mul3A_1 : i32
    "tpu.region"() ({
      %run_scoped3A_44 = tpu.sem_alloc : memref<!tpu.dma_semaphore, #tpu.memory_space<semaphore_mem>>
      %dma_start3A_45 = arith.constant 0 : i32
      %dma_start3A_46 = tpu.memref_slice %arg10[%mul3A_2, %dma_start3A_45] : memref<10000x128xf32, #tpu.memory_space<vmem_shared>> -> memref<624x128xf32, #tpu.memory_space<vmem_shared>>
      tpu.enqueue_dma source(%arg4 : memref<624x128xf32, #tpu.memory_space<hbm>>) target(%dma_start3A_46 : memref<624x128xf32, #tpu.memory_space<vmem_shared>>) target_semaphore(%run_scoped3A_44 : memref<!tpu.dma_semaphore, #tpu.memory_space<semaphore_mem>>)
      %dma_wait3A_47 = arith.constant 0 : i32
      %dma_wait3A_48 = tpu.memref_slice %arg10[%mul3A_2, %dma_wait3A_47] : memref<10000x128xf32, #tpu.memory_space<vmem_shared>> -> memref<624x128xf32, #tpu.memory_space<vmem_shared>>
      tpu.wait_dma2 semaphore(%run_scoped3A_44 : memref<!tpu.dma_semaphore, #tpu.memory_space<semaphore_mem>>) src(%arg4 : memref<624x128xf32, #tpu.memory_space<hbm>>) dst(%dma_wait3A_48 : memref<624x128xf32, #tpu.memory_space<vmem_shared>>)
      tpu.yield
    }) : () -> ()
    %eq3A = arith.constant 0 : i32
    %eq3A_3 = arith.cmpi eq, %arg1, %eq3A : i32
    %convert_element_type3A = arith.extui %eq3A_3 : i1 to i32
    %cond3A = arith.constant 0 : i32
    %cond3A_4 = arith.cmpi ne, %convert_element_type3A, %cond3A : i32
    scf.if %cond3A_4 {
      "tpu.region"() ({
        %run_scoped3A_44 = tpu.sem_alloc : memref<!tpu.dma_semaphore, #tpu.memory_space<semaphore_mem>>
        %dma_start3A_45 = arith.constant 9984 : i32
        %dma_start3A_46 = arith.constant 0 : i32
        %dma_start3A_47 = tpu.memref_slice %arg10[%dma_start3A_45, %dma_start3A_46] : memref<10000x128xf32, #tpu.memory_space<vmem_shared>> -> memref<16x128xf32, #tpu.memory_space<vmem_shared>>
        %dma_start3A_48 = arith.constant 0 : i32
        %dma_start3A_49 = arith.constant 0 : i32
        %dma_start3A_50 = tpu.memref_slice %arg4[%dma_start3A_48, %dma_start3A_49] : memref<624x128xf32, #tpu.memory_space<hbm>> -> memref<16x128xf32, #tpu.memory_space<hbm>>
        tpu.enqueue_dma source(%dma_start3A_50 : memref<16x128xf32, #tpu.memory_space<hbm>>) target(%dma_start3A_47 : memref<16x128xf32, #tpu.memory_space<vmem_shared>>) target_semaphore(%run_scoped3A_44 : memref<!tpu.dma_semaphore, #tpu.memory_space<semaphore_mem>>)
        %dma_wait3A_51 = arith.constant 9984 : i32
        %dma_wait3A_52 = arith.constant 0 : i32
        %dma_wait3A_53 = tpu.memref_slice %arg10[%dma_wait3A_51, %dma_wait3A_52] : memref<10000x128xf32, #tpu.memory_space<vmem_shared>> -> memref<16x128xf32, #tpu.memory_space<vmem_shared>>
        %dma_wait3A_54 = arith.constant 0 : i32
        %dma_wait3A_55 = arith.constant 0 : i32
        %dma_wait3A_56 = tpu.memref_slice %arg4[%dma_wait3A_54, %dma_wait3A_55] : memref<624x128xf32, #tpu.memory_space<hbm>> -> memref<16x128xf32, #tpu.memory_space<hbm>>
        tpu.wait_dma2 semaphore(%run_scoped3A_44 : memref<!tpu.dma_semaphore, #tpu.memory_space<semaphore_mem>>) src(%dma_wait3A_56 : memref<16x128xf32, #tpu.memory_space<hbm>>) dst(%dma_wait3A_53 : memref<16x128xf32, #tpu.memory_space<vmem_shared>>)
        tpu.yield
      }) : () -> ()
    } else {
    }
    %run_scoped3A = arith.constant 0 : i32
    "tpu.region"() ({
      %run_scoped3A_44 = tpu.sem_alloc : memref<!tpu.dma_semaphore, #tpu.memory_space<semaphore_mem>>
      %dma_start3A_45 = arith.constant 0 : i32
      %dma_start3A_46 = arith.constant 0 : i32
      %dma_start3A_47 = tpu.memref_slice %arg3[%add3A, %run_scoped3A, %dma_start3A_45, %dma_start3A_46] : memref<32x100x2x100xi32, #tpu.memory_space<hbm>> -> memref<1x1x2x100xi32, #tpu.memory_space<hbm>>
      %dma_start3A_48 = tpu.memref_squeeze %dma_start3A_47 : memref<1x1x2x100xi32, #tpu.memory_space<hbm>> -> memref<2x100xi32, #tpu.memory_space<hbm>>
      %dma_start3A_49 = arith.constant 0 : i32
      %dma_start3A_50 = arith.constant 0 : i32
      %dma_start3A_51 = tpu.memref_slice %arg3[%add3A, %run_scoped3A, %dma_start3A_49, %dma_start3A_50] : memref<32x100x2x100xi32, #tpu.memory_space<hbm>> -> memref<1x1x2x100xi32, #tpu.memory_space<hbm>>
      %dma_start3A_52 = tpu.memref_squeeze %dma_start3A_51 : memref<1x1x2x100xi32, #tpu.memory_space<hbm>> -> memref<2x100xi32, #tpu.memory_space<hbm>>
      tpu.enqueue_dma source(%dma_start3A_52 : memref<2x100xi32, #tpu.memory_space<hbm>>) target(%arg6 : memref<2x100xi32, #tpu.memory_space<vmem>>) target_semaphore(%run_scoped3A_44 : memref<!tpu.dma_semaphore, #tpu.memory_space<semaphore_mem>>)
      %dma_wait3A_53 = arith.constant 0 : i32
      %dma_wait3A_54 = arith.constant 0 : i32
      %dma_wait3A_55 = tpu.memref_slice %arg3[%add3A, %run_scoped3A, %dma_wait3A_53, %dma_wait3A_54] : memref<32x100x2x100xi32, #tpu.memory_space<hbm>> -> memref<1x1x2x100xi32, #tpu.memory_space<hbm>>
      %dma_wait3A_56 = tpu.memref_squeeze %dma_wait3A_55 : memref<1x1x2x100xi32, #tpu.memory_space<hbm>> -> memref<2x100xi32, #tpu.memory_space<hbm>>
      %dma_wait3A_57 = arith.constant 0 : i32
      %dma_wait3A_58 = arith.constant 0 : i32
      %dma_wait3A_59 = tpu.memref_slice %arg3[%add3A, %run_scoped3A, %dma_wait3A_57, %dma_wait3A_58] : memref<32x100x2x100xi32, #tpu.memory_space<hbm>> -> memref<1x1x2x100xi32, #tpu.memory_space<hbm>>
      %dma_wait3A_60 = tpu.memref_squeeze %dma_wait3A_59 : memref<1x1x2x100xi32, #tpu.memory_space<hbm>> -> memref<2x100xi32, #tpu.memory_space<hbm>>
      tpu.wait_dma2 semaphore(%run_scoped3A_44 : memref<!tpu.dma_semaphore, #tpu.memory_space<semaphore_mem>>) src(%dma_wait3A_60 : memref<2x100xi32, #tpu.memory_space<hbm>>) dst(%arg6 : memref<2x100xi32, #tpu.memory_space<vmem>>)
      tpu.yield
    }) : () -> ()
    %run_scoped3A_5 = arith.constant 1 : i32
    "tpu.region"() ({
      %run_scoped3A_44 = tpu.sem_alloc : memref<!tpu.dma_semaphore, #tpu.memory_space<semaphore_mem>>
      %dma_start3A_45 = arith.constant 0 : i32
      %dma_start3A_46 = arith.constant 0 : i32
      %dma_start3A_47 = tpu.memref_slice %arg3[%add3A, %run_scoped3A_5, %dma_start3A_45, %dma_start3A_46] : memref<32x100x2x100xi32, #tpu.memory_space<hbm>> -> memref<1x1x2x100xi32, #tpu.memory_space<hbm>>
      %dma_start3A_48 = tpu.memref_squeeze %dma_start3A_47 : memref<1x1x2x100xi32, #tpu.memory_space<hbm>> -> memref<2x100xi32, #tpu.memory_space<hbm>>
      %dma_start3A_49 = arith.constant 0 : i32
      %dma_start3A_50 = arith.constant 0 : i32
      %dma_start3A_51 = tpu.memref_slice %arg3[%add3A, %run_scoped3A_5, %dma_start3A_49, %dma_start3A_50] : memref<32x100x2x100xi32, #tpu.memory_space<hbm>> -> memref<1x1x2x100xi32, #tpu.memory_space<hbm>>
      %dma_start3A_52 = tpu.memref_squeeze %dma_start3A_51 : memref<1x1x2x100xi32, #tpu.memory_space<hbm>> -> memref<2x100xi32, #tpu.memory_space<hbm>>
      tpu.enqueue_dma source(%dma_start3A_52 : memref<2x100xi32, #tpu.memory_space<hbm>>) target(%arg7 : memref<2x100xi32, #tpu.memory_space<vmem>>) target_semaphore(%run_scoped3A_44 : memref<!tpu.dma_semaphore, #tpu.memory_space<semaphore_mem>>)
      %dma_wait3A_53 = arith.constant 0 : i32
      %dma_wait3A_54 = arith.constant 0 : i32
      %dma_wait3A_55 = tpu.memref_slice %arg3[%add3A, %run_scoped3A_5, %dma_wait3A_53, %dma_wait3A_54] : memref<32x100x2x100xi32, #tpu.memory_space<hbm>> -> memref<1x1x2x100xi32, #tpu.memory_space<hbm>>
      %dma_wait3A_56 = tpu.memref_squeeze %dma_wait3A_55 : memref<1x1x2x100xi32, #tpu.memory_space<hbm>> -> memref<2x100xi32, #tpu.memory_space<hbm>>
      %dma_wait3A_57 = arith.constant 0 : i32
      %dma_wait3A_58 = arith.constant 0 : i32
      %dma_wait3A_59 = tpu.memref_slice %arg3[%add3A, %run_scoped3A_5, %dma_wait3A_57, %dma_wait3A_58] : memref<32x100x2x100xi32, #tpu.memory_space<hbm>> -> memref<1x1x2x100xi32, #tpu.memory_space<hbm>>
      %dma_wait3A_60 = tpu.memref_squeeze %dma_wait3A_59 : memref<1x1x2x100xi32, #tpu.memory_space<hbm>> -> memref<2x100xi32, #tpu.memory_space<hbm>>
      tpu.wait_dma2 semaphore(%run_scoped3A_44 : memref<!tpu.dma_semaphore, #tpu.memory_space<semaphore_mem>>) src(%dma_wait3A_60 : memref<2x100xi32, #tpu.memory_space<hbm>>) dst(%arg7 : memref<2x100xi32, #tpu.memory_space<vmem>>)
      tpu.yield
    }) : () -> ()
    %barrier3A = arith.constant 0 : index
    tpu.barrier barrier_id(%barrier3A)
    %dma_start3A = arith.constant 0 : i32
    %dma_start3A_6 = arith.constant 0 : i32
    %dma_start3A_7 = tpu.memref_slice %arg6[%dma_start3A, %dma_start3A_6] : memref<2x100xi32, #tpu.memory_space<vmem>> -> memref<1x100xi32, #tpu.memory_space<vmem>>
    %dma_start3A_8 = tpu.memref_squeeze %dma_start3A_7 : memref<1x100xi32, #tpu.memory_space<vmem>> -> memref<100xi32, #tpu.memory_space<vmem>>
    %dma_start3A_9 = arith.constant 0 : i32
    %dma_start3A_10 = arith.constant 0 : i32
    %dma_start3A_11 = tpu.memref_slice %arg2[%dma_start3A_9, %dma_start3A_10] : memref<10000x128xf32, #tpu.memory_space<hbm>> -> memref<10000x128xf32, #tpu.memory_space<hbm>>
    tpu.enqueue_indirect_dma source(%dma_start3A_11 : memref<10000x128xf32, #tpu.memory_space<hbm>>) target(%arg8 : memref<100x128xf32, #tpu.memory_space<vmem>>) offsets(%dma_start3A_8 : memref<100xi32, #tpu.memory_space<vmem>>) semaphore(%arg11 : memref<!tpu.dma_semaphore, #tpu.memory_space<semaphore_mem>>)
    %scan3A = arith.constant 0 : i32
    %scan3A_12 = arith.constant 49 : i32
    %scan3A_13 = arith.addi %scan3A, %scan3A_12 : i32
    %scan3A_14 = arith.constant 1 : i32
    scf.for %scan3A_44 = %scan3A to %scan3A_13 step %scan3A_14  : i32 {
      %mul3A_45 = arith.constant 2 : i32
      %mul3A_46 = arith.muli %scan3A_44, %mul3A_45 : i32
      %add3A_47 = arith.constant 0 : i32
      %add3A_48 = arith.addi %add3A_47, %mul3A_46 : i32
      %dma_start3A_49 = arith.constant 0 : i32
      %dma_start3A_50 = arith.constant 0 : i32
      %dma_start3A_51 = tpu.memref_slice %arg7[%dma_start3A_49, %dma_start3A_50] : memref<2x100xi32, #tpu.memory_space<vmem>> -> memref<1x100xi32, #tpu.memory_space<vmem>>
      %dma_start3A_52 = tpu.memref_squeeze %dma_start3A_51 : memref<1x100xi32, #tpu.memory_space<vmem>> -> memref<100xi32, #tpu.memory_space<vmem>>
      %dma_start3A_53 = arith.constant 0 : i32
      %dma_start3A_54 = arith.constant 0 : i32
      %dma_start3A_55 = tpu.memref_slice %arg2[%dma_start3A_53, %dma_start3A_54] : memref<10000x128xf32, #tpu.memory_space<hbm>> -> memref<10000x128xf32, #tpu.memory_space<hbm>>
      tpu.enqueue_indirect_dma source(%dma_start3A_55 : memref<10000x128xf32, #tpu.memory_space<hbm>>) target(%arg9 : memref<100x128xf32, #tpu.memory_space<vmem>>) offsets(%dma_start3A_52 : memref<100xi32, #tpu.memory_space<vmem>>) semaphore(%arg12 : memref<!tpu.dma_semaphore, #tpu.memory_space<semaphore_mem>>)
      %dma_wait3A_56 = arith.constant 0 : i32
      %dma_wait3A_57 = arith.constant 0 : i32
      %dma_wait3A_58 = tpu.memref_slice %arg6[%dma_wait3A_56, %dma_wait3A_57] : memref<2x100xi32, #tpu.memory_space<vmem>> -> memref<1x100xi32, #tpu.memory_space<vmem>>
      %dma_wait3A_59 = tpu.memref_squeeze %dma_wait3A_58 : memref<1x100xi32, #tpu.memory_space<vmem>> -> memref<100xi32, #tpu.memory_space<vmem>>
      %dma_wait3A_60 = arith.constant 0 : i32
      %dma_wait3A_61 = arith.constant 0 : i32
      %dma_wait3A_62 = tpu.memref_slice %arg2[%dma_wait3A_60, %dma_wait3A_61] : memref<10000x128xf32, #tpu.memory_space<hbm>> -> memref<10000x128xf32, #tpu.memory_space<hbm>>
      tpu.wait_indirect_dma semaphore(%arg11 : memref<!tpu.dma_semaphore, #tpu.memory_space<semaphore_mem>>) src(%dma_wait3A_62 : memref<10000x128xf32, #tpu.memory_space<hbm>>) dst(%arg8 : memref<100x128xf32, #tpu.memory_space<vmem>>)
      %run_scoped3A_63 = arith.constant 1 : i32
      "tpu.region"() ({
        %run_scoped3A_117 = tpu.sem_alloc : memref<!tpu.dma_semaphore, #tpu.memory_space<semaphore_mem>>
        %dma_start3A_118 = arith.constant 0 : i32
        %dma_start3A_119 = tpu.memref_slice %arg6[%run_scoped3A_63, %dma_start3A_118] : memref<2x100xi32, #tpu.memory_space<vmem>> -> memref<1x100xi32, #tpu.memory_space<vmem>>
        %dma_start3A_120 = tpu.memref_squeeze %dma_start3A_119 : memref<1x100xi32, #tpu.memory_space<vmem>> -> memref<100xi32, #tpu.memory_space<vmem>>
        %dma_start3A_121 = arith.constant 0 : i32
        %dma_start3A_122 = arith.constant 0 : i32
        %dma_start3A_123 = tpu.memref_slice %arg10[%dma_start3A_121, %dma_start3A_122] : memref<10000x128xf32, #tpu.memory_space<vmem_shared>> -> memref<10000x128xf32, #tpu.memory_space<vmem_shared>>
        tpu.enqueue_indirect_dma source(%arg8 : memref<100x128xf32, #tpu.memory_space<vmem>>) target(%dma_start3A_123 : memref<10000x128xf32, #tpu.memory_space<vmem_shared>>) offsets(%dma_start3A_120 : memref<100xi32, #tpu.memory_space<vmem>>) semaphore(%run_scoped3A_117 : memref<!tpu.dma_semaphore, #tpu.memory_space<semaphore_mem>>) {add = true}
        %dma_wait3A_124 = arith.constant 0 : i32
        %dma_wait3A_125 = tpu.memref_slice %arg6[%run_scoped3A_63, %dma_wait3A_124] : memref<2x100xi32, #tpu.memory_space<vmem>> -> memref<1x100xi32, #tpu.memory_space<vmem>>
        %dma_wait3A_126 = tpu.memref_squeeze %dma_wait3A_125 : memref<1x100xi32, #tpu.memory_space<vmem>> -> memref<100xi32, #tpu.memory_space<vmem>>
        %dma_wait3A_127 = arith.constant 0 : i32
        %dma_wait3A_128 = arith.constant 0 : i32
        %dma_wait3A_129 = tpu.memref_slice %arg10[%dma_wait3A_127, %dma_wait3A_128] : memref<10000x128xf32, #tpu.memory_space<vmem_shared>> -> memref<10000x128xf32, #tpu.memory_space<vmem_shared>>
        tpu.wait_indirect_dma semaphore(%run_scoped3A_117 : memref<!tpu.dma_semaphore, #tpu.memory_space<semaphore_mem>>) src(%arg8 : memref<100x128xf32, #tpu.memory_space<vmem>>) dst(%dma_wait3A_129 : memref<10000x128xf32, #tpu.memory_space<vmem_shared>>)
        tpu.yield
      }) : () -> ()
      %add3A_64 = arith.constant 2 : i32
      %add3A_65 = arith.addi %add3A_48, %add3A_64 : i32
      %dma_start3A_66 = arith.constant 0 : i32
      %dma_start3A_67 = arith.constant 0 : i32
      %dma_start3A_68 = tpu.memref_slice %arg3[%add3A, %add3A_65, %dma_start3A_66, %dma_start3A_67] : memref<32x100x2x100xi32, #tpu.memory_space<hbm>> -> memref<1x1x2x100xi32, #tpu.memory_space<hbm>>
      %dma_start3A_69 = tpu.memref_squeeze %dma_start3A_68 : memref<1x1x2x100xi32, #tpu.memory_space<hbm>> -> memref<2x100xi32, #tpu.memory_space<hbm>>
      %dma_start3A_70 = arith.constant 0 : i32
      %dma_start3A_71 = arith.constant 0 : i32
      %dma_start3A_72 = tpu.memref_slice %arg3[%add3A, %add3A_65, %dma_start3A_70, %dma_start3A_71] : memref<32x100x2x100xi32, #tpu.memory_space<hbm>> -> memref<1x1x2x100xi32, #tpu.memory_space<hbm>>
      %dma_start3A_73 = tpu.memref_squeeze %dma_start3A_72 : memref<1x1x2x100xi32, #tpu.memory_space<hbm>> -> memref<2x100xi32, #tpu.memory_space<hbm>>
      tpu.enqueue_dma source(%dma_start3A_73 : memref<2x100xi32, #tpu.memory_space<hbm>>) target(%arg6 : memref<2x100xi32, #tpu.memory_space<vmem>>) target_semaphore(%arg13 : memref<!tpu.dma_semaphore, #tpu.memory_space<semaphore_mem>>)
      %dma_wait3A_74 = arith.constant 0 : i32
      %dma_wait3A_75 = arith.constant 0 : i32
      %dma_wait3A_76 = arith.constant 0 : i32
      %dma_wait3A_77 = tpu.memref_slice %arg3[%add3A, %dma_wait3A_74, %dma_wait3A_75, %dma_wait3A_76] : memref<32x100x2x100xi32, #tpu.memory_space<hbm>> -> memref<1x1x2x100xi32, #tpu.memory_space<hbm>>
      %dma_wait3A_78 = tpu.memref_squeeze %dma_wait3A_77 : memref<1x1x2x100xi32, #tpu.memory_space<hbm>> -> memref<2x100xi32, #tpu.memory_space<hbm>>
      %dma_wait3A_79 = arith.constant 0 : i32
      %dma_wait3A_80 = arith.constant 0 : i32
      %dma_wait3A_81 = tpu.memref_slice %arg3[%add3A, %dma_wait3A_74, %dma_wait3A_79, %dma_wait3A_80] : memref<32x100x2x100xi32, #tpu.memory_space<hbm>> -> memref<1x1x2x100xi32, #tpu.memory_space<hbm>>
      %dma_wait3A_82 = tpu.memref_squeeze %dma_wait3A_81 : memref<1x1x2x100xi32, #tpu.memory_space<hbm>> -> memref<2x100xi32, #tpu.memory_space<hbm>>
      tpu.wait_dma2 semaphore(%arg13 : memref<!tpu.dma_semaphore, #tpu.memory_space<semaphore_mem>>) src(%dma_wait3A_82 : memref<2x100xi32, #tpu.memory_space<hbm>>) dst(%arg6 : memref<2x100xi32, #tpu.memory_space<vmem>>)
      %dma_wait3A_83 = arith.constant 0 : i32
      %dma_wait3A_84 = arith.constant 0 : i32
      %dma_wait3A_85 = tpu.memref_slice %arg6[%dma_wait3A_83, %dma_wait3A_84] : memref<2x100xi32, #tpu.memory_space<vmem>> -> memref<1x100xi32, #tpu.memory_space<vmem>>
      %dma_wait3A_86 = tpu.memref_squeeze %dma_wait3A_85 : memref<1x100xi32, #tpu.memory_space<vmem>> -> memref<100xi32, #tpu.memory_space<vmem>>
      %dma_wait3A_87 = arith.constant 0 : i32
      %dma_wait3A_88 = arith.constant 0 : i32
      %dma_wait3A_89 = tpu.memref_slice %arg2[%dma_wait3A_87, %dma_wait3A_88] : memref<10000x128xf32, #tpu.memory_space<hbm>> -> memref<10000x128xf32, #tpu.memory_space<hbm>>
      tpu.wait_indirect_dma semaphore(%arg12 : memref<!tpu.dma_semaphore, #tpu.memory_space<semaphore_mem>>) src(%dma_wait3A_89 : memref<10000x128xf32, #tpu.memory_space<hbm>>) dst(%arg9 : memref<100x128xf32, #tpu.memory_space<vmem>>)
      %dma_start3A_90 = arith.constant 0 : i32
      %dma_start3A_91 = arith.constant 0 : i32
      %dma_start3A_92 = tpu.memref_slice %arg6[%dma_start3A_90, %dma_start3A_91] : memref<2x100xi32, #tpu.memory_space<vmem>> -> memref<1x100xi32, #tpu.memory_space<vmem>>
      %dma_start3A_93 = tpu.memref_squeeze %dma_start3A_92 : memref<1x100xi32, #tpu.memory_space<vmem>> -> memref<100xi32, #tpu.memory_space<vmem>>
      %dma_start3A_94 = arith.constant 0 : i32
      %dma_start3A_95 = arith.constant 0 : i32
      %dma_start3A_96 = tpu.memref_slice %arg2[%dma_start3A_94, %dma_start3A_95] : memref<10000x128xf32, #tpu.memory_space<hbm>> -> memref<10000x128xf32, #tpu.memory_space<hbm>>
      tpu.enqueue_indirect_dma source(%dma_start3A_96 : memref<10000x128xf32, #tpu.memory_space<hbm>>) target(%arg8 : memref<100x128xf32, #tpu.memory_space<vmem>>) offsets(%dma_start3A_93 : memref<100xi32, #tpu.memory_space<vmem>>) semaphore(%arg11 : memref<!tpu.dma_semaphore, #tpu.memory_space<semaphore_mem>>)
      %run_scoped3A_97 = arith.constant 1 : i32
      "tpu.region"() ({
        %run_scoped3A_117 = tpu.sem_alloc : memref<!tpu.dma_semaphore, #tpu.memory_space<semaphore_mem>>
        %dma_start3A_118 = arith.constant 0 : i32
        %dma_start3A_119 = tpu.memref_slice %arg7[%run_scoped3A_97, %dma_start3A_118] : memref<2x100xi32, #tpu.memory_space<vmem>> -> memref<1x100xi32, #tpu.memory_space<vmem>>
        %dma_start3A_120 = tpu.memref_squeeze %dma_start3A_119 : memref<1x100xi32, #tpu.memory_space<vmem>> -> memref<100xi32, #tpu.memory_space<vmem>>
        %dma_start3A_121 = arith.constant 0 : i32
        %dma_start3A_122 = arith.constant 0 : i32
        %dma_start3A_123 = tpu.memref_slice %arg10[%dma_start3A_121, %dma_start3A_122] : memref<10000x128xf32, #tpu.memory_space<vmem_shared>> -> memref<10000x128xf32, #tpu.memory_space<vmem_shared>>
        tpu.enqueue_indirect_dma source(%arg9 : memref<100x128xf32, #tpu.memory_space<vmem>>) target(%dma_start3A_123 : memref<10000x128xf32, #tpu.memory_space<vmem_shared>>) offsets(%dma_start3A_120 : memref<100xi32, #tpu.memory_space<vmem>>) semaphore(%run_scoped3A_117 : memref<!tpu.dma_semaphore, #tpu.memory_space<semaphore_mem>>) {add = true}
        %dma_wait3A_124 = arith.constant 0 : i32
        %dma_wait3A_125 = tpu.memref_slice %arg7[%run_scoped3A_97, %dma_wait3A_124] : memref<2x100xi32, #tpu.memory_space<vmem>> -> memref<1x100xi32, #tpu.memory_space<vmem>>
        %dma_wait3A_126 = tpu.memref_squeeze %dma_wait3A_125 : memref<1x100xi32, #tpu.memory_space<vmem>> -> memref<100xi32, #tpu.memory_space<vmem>>
        %dma_wait3A_127 = arith.constant 0 : i32
        %dma_wait3A_128 = arith.constant 0 : i32
        %dma_wait3A_129 = tpu.memref_slice %arg10[%dma_wait3A_127, %dma_wait3A_128] : memref<10000x128xf32, #tpu.memory_space<vmem_shared>> -> memref<10000x128xf32, #tpu.memory_space<vmem_shared>>
        tpu.wait_indirect_dma semaphore(%run_scoped3A_117 : memref<!tpu.dma_semaphore, #tpu.memory_space<semaphore_mem>>) src(%arg9 : memref<100x128xf32, #tpu.memory_space<vmem>>) dst(%dma_wait3A_129 : memref<10000x128xf32, #tpu.memory_space<vmem_shared>>)
        tpu.yield
      }) : () -> ()
      %add3A_98 = arith.constant 3 : i32
      %add3A_99 = arith.addi %add3A_48, %add3A_98 : i32
      %dma_start3A_100 = arith.constant 0 : i32
      %dma_start3A_101 = arith.constant 0 : i32
      %dma_start3A_102 = tpu.memref_slice %arg3[%add3A, %add3A_99, %dma_start3A_100, %dma_start3A_101] : memref<32x100x2x100xi32, #tpu.memory_space<hbm>> -> memref<1x1x2x100xi32, #tpu.memory_space<hbm>>
      %dma_start3A_103 = tpu.memref_squeeze %dma_start3A_102 : memref<1x1x2x100xi32, #tpu.memory_space<hbm>> -> memref<2x100xi32, #tpu.memory_space<hbm>>
      %dma_start3A_104 = arith.constant 0 : i32
      %dma_start3A_105 = arith.constant 0 : i32
      %dma_start3A_106 = tpu.memref_slice %arg3[%add3A, %add3A_99, %dma_start3A_104, %dma_start3A_105] : memref<32x100x2x100xi32, #tpu.memory_space<hbm>> -> memref<1x1x2x100xi32, #tpu.memory_space<hbm>>
      %dma_start3A_107 = tpu.memref_squeeze %dma_start3A_106 : memref<1x1x2x100xi32, #tpu.memory_space<hbm>> -> memref<2x100xi32, #tpu.memory_space<hbm>>
      tpu.enqueue_dma source(%dma_start3A_107 : memref<2x100xi32, #tpu.memory_space<hbm>>) target(%arg7 : memref<2x100xi32, #tpu.memory_space<vmem>>) target_semaphore(%arg14 : memref<!tpu.dma_semaphore, #tpu.memory_space<semaphore_mem>>)
      %dma_wait3A_108 = arith.constant 0 : i32
      %dma_wait3A_109 = arith.constant 0 : i32
      %dma_wait3A_110 = arith.constant 0 : i32
      %dma_wait3A_111 = tpu.memref_slice %arg3[%add3A, %dma_wait3A_108, %dma_wait3A_109, %dma_wait3A_110] : memref<32x100x2x100xi32, #tpu.memory_space<hbm>> -> memref<1x1x2x100xi32, #tpu.memory_space<hbm>>
      %dma_wait3A_112 = tpu.memref_squeeze %dma_wait3A_111 : memref<1x1x2x100xi32, #tpu.memory_space<hbm>> -> memref<2x100xi32, #tpu.memory_space<hbm>>
      %dma_wait3A_113 = arith.constant 0 : i32
      %dma_wait3A_114 = arith.constant 0 : i32
      %dma_wait3A_115 = tpu.memref_slice %arg3[%add3A, %dma_wait3A_108, %dma_wait3A_113, %dma_wait3A_114] : memref<32x100x2x100xi32, #tpu.memory_space<hbm>> -> memref<1x1x2x100xi32, #tpu.memory_space<hbm>>
      %dma_wait3A_116 = tpu.memref_squeeze %dma_wait3A_115 : memref<1x1x2x100xi32, #tpu.memory_space<hbm>> -> memref<2x100xi32, #tpu.memory_space<hbm>>
      tpu.wait_dma2 semaphore(%arg14 : memref<!tpu.dma_semaphore, #tpu.memory_space<semaphore_mem>>) src(%dma_wait3A_116 : memref<2x100xi32, #tpu.memory_space<hbm>>) dst(%arg7 : memref<2x100xi32, #tpu.memory_space<vmem>>)
    }
    %scan3A_15 = arith.constant 49 : i32
    %dma_start3A_16 = arith.constant 0 : i32
    %dma_start3A_17 = arith.constant 0 : i32
    %dma_start3A_18 = tpu.memref_slice %arg7[%dma_start3A_16, %dma_start3A_17] : memref<2x100xi32, #tpu.memory_space<vmem>> -> memref<1x100xi32, #tpu.memory_space<vmem>>
    %dma_start3A_19 = tpu.memref_squeeze %dma_start3A_18 : memref<1x100xi32, #tpu.memory_space<vmem>> -> memref<100xi32, #tpu.memory_space<vmem>>
    %dma_start3A_20 = arith.constant 0 : i32
    %dma_start3A_21 = arith.constant 0 : i32
    %dma_start3A_22 = tpu.memref_slice %arg2[%dma_start3A_20, %dma_start3A_21] : memref<10000x128xf32, #tpu.memory_space<hbm>> -> memref<10000x128xf32, #tpu.memory_space<hbm>>
    tpu.enqueue_indirect_dma source(%dma_start3A_22 : memref<10000x128xf32, #tpu.memory_space<hbm>>) target(%arg9 : memref<100x128xf32, #tpu.memory_space<vmem>>) offsets(%dma_start3A_19 : memref<100xi32, #tpu.memory_space<vmem>>) semaphore(%arg12 : memref<!tpu.dma_semaphore, #tpu.memory_space<semaphore_mem>>)
    %dma_wait3A = arith.constant 0 : i32
    %dma_wait3A_23 = arith.constant 0 : i32
    %dma_wait3A_24 = tpu.memref_slice %arg6[%dma_wait3A, %dma_wait3A_23] : memref<2x100xi32, #tpu.memory_space<vmem>> -> memref<1x100xi32, #tpu.memory_space<vmem>>
    %dma_wait3A_25 = tpu.memref_squeeze %dma_wait3A_24 : memref<1x100xi32, #tpu.memory_space<vmem>> -> memref<100xi32, #tpu.memory_space<vmem>>
    %dma_wait3A_26 = arith.constant 0 : i32
    %dma_wait3A_27 = arith.constant 0 : i32
    %dma_wait3A_28 = tpu.memref_slice %arg2[%dma_wait3A_26, %dma_wait3A_27] : memref<10000x128xf32, #tpu.memory_space<hbm>> -> memref<10000x128xf32, #tpu.memory_space<hbm>>
    tpu.wait_indirect_dma semaphore(%arg11 : memref<!tpu.dma_semaphore, #tpu.memory_space<semaphore_mem>>) src(%dma_wait3A_28 : memref<10000x128xf32, #tpu.memory_space<hbm>>) dst(%arg8 : memref<100x128xf32, #tpu.memory_space<vmem>>)
    %run_scoped3A_29 = arith.constant 1 : i32
    "tpu.region"() ({
      %run_scoped3A_44 = tpu.sem_alloc : memref<!tpu.dma_semaphore, #tpu.memory_space<semaphore_mem>>
      %dma_start3A_45 = arith.constant 0 : i32
      %dma_start3A_46 = tpu.memref_slice %arg6[%run_scoped3A_29, %dma_start3A_45] : memref<2x100xi32, #tpu.memory_space<vmem>> -> memref<1x100xi32, #tpu.memory_space<vmem>>
      %dma_start3A_47 = tpu.memref_squeeze %dma_start3A_46 : memref<1x100xi32, #tpu.memory_space<vmem>> -> memref<100xi32, #tpu.memory_space<vmem>>
      %dma_start3A_48 = arith.constant 0 : i32
      %dma_start3A_49 = arith.constant 0 : i32
      %dma_start3A_50 = tpu.memref_slice %arg10[%dma_start3A_48, %dma_start3A_49] : memref<10000x128xf32, #tpu.memory_space<vmem_shared>> -> memref<10000x128xf32, #tpu.memory_space<vmem_shared>>
      tpu.enqueue_indirect_dma source(%arg8 : memref<100x128xf32, #tpu.memory_space<vmem>>) target(%dma_start3A_50 : memref<10000x128xf32, #tpu.memory_space<vmem_shared>>) offsets(%dma_start3A_47 : memref<100xi32, #tpu.memory_space<vmem>>) semaphore(%run_scoped3A_44 : memref<!tpu.dma_semaphore, #tpu.memory_space<semaphore_mem>>) {add = true}
      %dma_wait3A_51 = arith.constant 0 : i32
      %dma_wait3A_52 = tpu.memref_slice %arg6[%run_scoped3A_29, %dma_wait3A_51] : memref<2x100xi32, #tpu.memory_space<vmem>> -> memref<1x100xi32, #tpu.memory_space<vmem>>
      %dma_wait3A_53 = tpu.memref_squeeze %dma_wait3A_52 : memref<1x100xi32, #tpu.memory_space<vmem>> -> memref<100xi32, #tpu.memory_space<vmem>>
      %dma_wait3A_54 = arith.constant 0 : i32
      %dma_wait3A_55 = arith.constant 0 : i32
      %dma_wait3A_56 = tpu.memref_slice %arg10[%dma_wait3A_54, %dma_wait3A_55] : memref<10000x128xf32, #tpu.memory_space<vmem_shared>> -> memref<10000x128xf32, #tpu.memory_space<vmem_shared>>
      tpu.wait_indirect_dma semaphore(%run_scoped3A_44 : memref<!tpu.dma_semaphore, #tpu.memory_space<semaphore_mem>>) src(%arg8 : memref<100x128xf32, #tpu.memory_space<vmem>>) dst(%dma_wait3A_56 : memref<10000x128xf32, #tpu.memory_space<vmem_shared>>)
      tpu.yield
    }) : () -> ()
    %dma_wait3A_30 = arith.constant 0 : i32
    %dma_wait3A_31 = arith.constant 0 : i32
    %dma_wait3A_32 = tpu.memref_slice %arg6[%dma_wait3A_30, %dma_wait3A_31] : memref<2x100xi32, #tpu.memory_space<vmem>> -> memref<1x100xi32, #tpu.memory_space<vmem>>
    %dma_wait3A_33 = tpu.memref_squeeze %dma_wait3A_32 : memref<1x100xi32, #tpu.memory_space<vmem>> -> memref<100xi32, #tpu.memory_space<vmem>>
    %dma_wait3A_34 = arith.constant 0 : i32
    %dma_wait3A_35 = arith.constant 0 : i32
    %dma_wait3A_36 = tpu.memref_slice %arg2[%dma_wait3A_34, %dma_wait3A_35] : memref<10000x128xf32, #tpu.memory_space<hbm>> -> memref<10000x128xf32, #tpu.memory_space<hbm>>
    tpu.wait_indirect_dma semaphore(%arg12 : memref<!tpu.dma_semaphore, #tpu.memory_space<semaphore_mem>>) src(%dma_wait3A_36 : memref<10000x128xf32, #tpu.memory_space<hbm>>) dst(%arg9 : memref<100x128xf32, #tpu.memory_space<vmem>>)
    %run_scoped3A_37 = arith.constant 1 : i32
    "tpu.region"() ({
      %run_scoped3A_44 = tpu.sem_alloc : memref<!tpu.dma_semaphore, #tpu.memory_space<semaphore_mem>>
      %dma_start3A_45 = arith.constant 0 : i32
      %dma_start3A_46 = tpu.memref_slice %arg7[%run_scoped3A_37, %dma_start3A_45] : memref<2x100xi32, #tpu.memory_space<vmem>> -> memref<1x100xi32, #tpu.memory_space<vmem>>
      %dma_start3A_47 = tpu.memref_squeeze %dma_start3A_46 : memref<1x100xi32, #tpu.memory_space<vmem>> -> memref<100xi32, #tpu.memory_space<vmem>>
      %dma_start3A_48 = arith.constant 0 : i32
      %dma_start3A_49 = arith.constant 0 : i32
      %dma_start3A_50 = tpu.memref_slice %arg10[%dma_start3A_48, %dma_start3A_49] : memref<10000x128xf32, #tpu.memory_space<vmem_shared>> -> memref<10000x128xf32, #tpu.memory_space<vmem_shared>>
      tpu.enqueue_indirect_dma source(%arg9 : memref<100x128xf32, #tpu.memory_space<vmem>>) target(%dma_start3A_50 : memref<10000x128xf32, #tpu.memory_space<vmem_shared>>) offsets(%dma_start3A_47 : memref<100xi32, #tpu.memory_space<vmem>>) semaphore(%run_scoped3A_44 : memref<!tpu.dma_semaphore, #tpu.memory_space<semaphore_mem>>) {add = true}
      %dma_wait3A_51 = arith.constant 0 : i32
      %dma_wait3A_52 = tpu.memref_slice %arg7[%run_scoped3A_37, %dma_wait3A_51] : memref<2x100xi32, #tpu.memory_space<vmem>> -> memref<1x100xi32, #tpu.memory_space<vmem>>
      %dma_wait3A_53 = tpu.memref_squeeze %dma_wait3A_52 : memref<1x100xi32, #tpu.memory_space<vmem>> -> memref<100xi32, #tpu.memory_space<vmem>>
      %dma_wait3A_54 = arith.constant 0 : i32
      %dma_wait3A_55 = arith.constant 0 : i32
      %dma_wait3A_56 = tpu.memref_slice %arg10[%dma_wait3A_54, %dma_wait3A_55] : memref<10000x128xf32, #tpu.memory_space<vmem_shared>> -> memref<10000x128xf32, #tpu.memory_space<vmem_shared>>
      tpu.wait_indirect_dma semaphore(%run_scoped3A_44 : memref<!tpu.dma_semaphore, #tpu.memory_space<semaphore_mem>>) src(%arg9 : memref<100x128xf32, #tpu.memory_space<vmem>>) dst(%dma_wait3A_56 : memref<10000x128xf32, #tpu.memory_space<vmem_shared>>)
      tpu.yield
    }) : () -> ()
    %barrier3A_38 = arith.constant 0 : index
    tpu.barrier barrier_id(%barrier3A_38)
    "tpu.region"() ({
      %run_scoped3A_44 = tpu.sem_alloc : memref<!tpu.dma_semaphore, #tpu.memory_space<semaphore_mem>>
      %dma_start3A_45 = arith.constant 0 : i32
      %dma_start3A_46 = tpu.memref_slice %arg5[%arg0, %mul3A_2, %dma_start3A_45] : memref<2x10000x128xf32, #tpu.memory_space<hbm>> -> memref<1x624x128xf32, #tpu.memory_space<hbm>>
      %dma_start3A_47 = tpu.memref_squeeze %dma_start3A_46 : memref<1x624x128xf32, #tpu.memory_space<hbm>> -> memref<624x128xf32, #tpu.memory_space<hbm>>
      %dma_start3A_48 = arith.constant 0 : i32
      %dma_start3A_49 = tpu.memref_slice %arg10[%mul3A_2, %dma_start3A_48] : memref<10000x128xf32, #tpu.memory_space<vmem_shared>> -> memref<624x128xf32, #tpu.memory_space<vmem_shared>>
      tpu.enqueue_dma source(%dma_start3A_49 : memref<624x128xf32, #tpu.memory_space<vmem_shared>>) target(%dma_start3A_47 : memref<624x128xf32, #tpu.memory_space<hbm>>) target_semaphore(%run_scoped3A_44 : memref<!tpu.dma_semaphore, #tpu.memory_space<semaphore_mem>>)
      %dma_wait3A_50 = arith.constant 0 : i32
      %dma_wait3A_51 = tpu.memref_slice %arg5[%arg0, %mul3A_2, %dma_wait3A_50] : memref<2x10000x128xf32, #tpu.memory_space<hbm>> -> memref<1x624x128xf32, #tpu.memory_space<hbm>>
      %dma_wait3A_52 = tpu.memref_squeeze %dma_wait3A_51 : memref<1x624x128xf32, #tpu.memory_space<hbm>> -> memref<624x128xf32, #tpu.memory_space<hbm>>
      %dma_wait3A_53 = arith.constant 0 : i32
      %dma_wait3A_54 = tpu.memref_slice %arg10[%mul3A_2, %dma_wait3A_53] : memref<10000x128xf32, #tpu.memory_space<vmem_shared>> -> memref<624x128xf32, #tpu.memory_space<vmem_shared>>
      tpu.wait_dma2 semaphore(%run_scoped3A_44 : memref<!tpu.dma_semaphore, #tpu.memory_space<semaphore_mem>>) src(%dma_wait3A_54 : memref<624x128xf32, #tpu.memory_space<vmem_shared>>) dst(%dma_wait3A_52 : memref<624x128xf32, #tpu.memory_space<hbm>>)
      tpu.yield
    }) : () -> ()
    %eq3A_39 = arith.constant 0 : i32
    %eq3A_40 = arith.cmpi eq, %arg1, %eq3A_39 : i32
    %convert_element_type3A_41 = arith.extui %eq3A_40 : i1 to i32
    %cond3A_42 = arith.constant 0 : i32
    %cond3A_43 = arith.cmpi ne, %convert_element_type3A_41, %cond3A_42 : i32
    scf.if %cond3A_43 {
      "tpu.region"() ({
        %run_scoped3A_44 = tpu.sem_alloc : memref<!tpu.dma_semaphore, #tpu.memory_space<semaphore_mem>>
        %dma_start3A_45 = arith.constant 9984 : i32
        %dma_start3A_46 = arith.constant 0 : i32
        %dma_start3A_47 = tpu.memref_slice %arg5[%arg0, %dma_start3A_45, %dma_start3A_46] : memref<2x10000x128xf32, #tpu.memory_space<hbm>> -> memref<1x16x128xf32, #tpu.memory_space<hbm>>
        %dma_start3A_48 = tpu.memref_squeeze %dma_start3A_47 : memref<1x16x128xf32, #tpu.memory_space<hbm>> -> memref<16x128xf32, #tpu.memory_space<hbm>>
        %dma_start3A_49 = arith.constant 9984 : i32
        %dma_start3A_50 = arith.constant 0 : i32
        %dma_start3A_51 = tpu.memref_slice %arg10[%dma_start3A_49, %dma_start3A_50] : memref<10000x128xf32, #tpu.memory_space<vmem_shared>> -> memref<16x128xf32, #tpu.memory_space<vmem_shared>>
        tpu.enqueue_dma source(%dma_start3A_51 : memref<16x128xf32, #tpu.memory_space<vmem_shared>>) target(%dma_start3A_48 : memref<16x128xf32, #tpu.memory_space<hbm>>) target_semaphore(%run_scoped3A_44 : memref<!tpu.dma_semaphore, #tpu.memory_space<semaphore_mem>>)
        %dma_wait3A_52 = arith.constant 9984 : i32
        %dma_wait3A_53 = arith.constant 0 : i32
        %dma_wait3A_54 = tpu.memref_slice %arg5[%arg0, %dma_wait3A_52, %dma_wait3A_53] : memref<2x10000x128xf32, #tpu.memory_space<hbm>> -> memref<1x16x128xf32, #tpu.memory_space<hbm>>
        %dma_wait3A_55 = tpu.memref_squeeze %dma_wait3A_54 : memref<1x16x128xf32, #tpu.memory_space<hbm>> -> memref<16x128xf32, #tpu.memory_space<hbm>>
        %dma_wait3A_56 = arith.constant 9984 : i32
        %dma_wait3A_57 = arith.constant 0 : i32
        %dma_wait3A_58 = tpu.memref_slice %arg10[%dma_wait3A_56, %dma_wait3A_57] : memref<10000x128xf32, #tpu.memory_space<vmem_shared>> -> memref<16x128xf32, #tpu.memory_space<vmem_shared>>
        tpu.wait_dma2 semaphore(%run_scoped3A_44 : memref<!tpu.dma_semaphore, #tpu.memory_space<semaphore_mem>>) src(%dma_wait3A_58 : memref<16x128xf32, #tpu.memory_space<vmem_shared>>) dst(%dma_wait3A_55 : memref<16x128xf32, #tpu.memory_space<hbm>>)
        tpu.yield
      }) : () -> ()
    } else {
    }
    return
  }
}

#map = affine_map<(d0, d1) -> (0, 0, 0)>
#map1 = affine_map<(d0, d1) -> (0, 0)>
module attributes {stable_mosaic.version = 14 : i64} {
  func.func @k(%arg0: i32, %arg1: i32, %arg2: memref<32x100x100xi32, #tpu.memory_space<hbm>>, %arg3: memref<100x128xf32, #tpu.memory_space<hbm>>, %arg4: memref<624x128xf32, #tpu.memory_space<hbm>>, %arg5: memref<2x10000x128xf32, #tpu.memory_space<hbm>>, %arg6: memref<100x100xi32, #tpu.memory_space<vmem>>, %arg7: memref<100x128xf32, #tpu.memory_space<vmem>>, %arg8: memref<10000x128xf32, #tpu.memory_space<vmem_shared>>, %arg9: memref<!tpu.dma_semaphore, #tpu.memory_space<semaphore_mem>>) attributes {dimension_semantics = [#tpu.dimension_semantics<core_parallel>, #tpu.dimension_semantics<subcore_parallel>], iteration_bounds = array<i64: 2, 16>, scalar_prefetch = 0 : i64, scratch_operands = 4 : i64, tpu.core_type = #tpu.core_type<sc_vector_subcore>, window_params = [{transform_indices = #map}, {transform_indices = #map1}, {transform_indices = #map1}, {transform_indices = #map}]} {
    %mul3A = arith.constant 16 : i32
    %mul3A_0 = arith.muli %arg0, %mul3A : i32
    %add3A = arith.addi %mul3A_0, %arg1 : i32
    %mul3A_1 = arith.constant 624 : i32
    %mul3A_2 = arith.muli %arg1, %mul3A_1 : i32
    "tpu.region"() ({
      %run_scoped3A = tpu.sem_alloc : memref<!tpu.dma_semaphore, #tpu.memory_space<semaphore_mem>>
      %dma_start3A_27 = arith.constant 0 : i32
      %dma_start3A_28 = tpu.memref_slice %arg8[%mul3A_2, %dma_start3A_27] : memref<10000x128xf32, #tpu.memory_space<vmem_shared>> -> memref<624x128xf32, #tpu.memory_space<vmem_shared>>
      tpu.enqueue_dma source(%arg4 : memref<624x128xf32, #tpu.memory_space<hbm>>) target(%dma_start3A_28 : memref<624x128xf32, #tpu.memory_space<vmem_shared>>) target_semaphore(%run_scoped3A : memref<!tpu.dma_semaphore, #tpu.memory_space<semaphore_mem>>)
      %dma_wait3A_29 = arith.constant 0 : i32
      %dma_wait3A_30 = tpu.memref_slice %arg8[%mul3A_2, %dma_wait3A_29] : memref<10000x128xf32, #tpu.memory_space<vmem_shared>> -> memref<624x128xf32, #tpu.memory_space<vmem_shared>>
      tpu.wait_dma2 semaphore(%run_scoped3A : memref<!tpu.dma_semaphore, #tpu.memory_space<semaphore_mem>>) src(%arg4 : memref<624x128xf32, #tpu.memory_space<hbm>>) dst(%dma_wait3A_30 : memref<624x128xf32, #tpu.memory_space<vmem_shared>>)
      tpu.yield
    }) : () -> ()
    %eq3A = arith.constant 0 : i32
    %eq3A_3 = arith.cmpi eq, %arg1, %eq3A : i32
    %convert_element_type3A = arith.extui %eq3A_3 : i1 to i32
    %cond3A = arith.constant 0 : i32
    %cond3A_4 = arith.cmpi ne, %convert_element_type3A, %cond3A : i32
    scf.if %cond3A_4 {
      "tpu.region"() ({
        %run_scoped3A = tpu.sem_alloc : memref<!tpu.dma_semaphore, #tpu.memory_space<semaphore_mem>>
        %dma_start3A_27 = arith.constant 9984 : i32
        %dma_start3A_28 = arith.constant 0 : i32
        %dma_start3A_29 = tpu.memref_slice %arg8[%dma_start3A_27, %dma_start3A_28] : memref<10000x128xf32, #tpu.memory_space<vmem_shared>> -> memref<16x128xf32, #tpu.memory_space<vmem_shared>>
        %dma_start3A_30 = arith.constant 0 : i32
        %dma_start3A_31 = arith.constant 0 : i32
        %dma_start3A_32 = tpu.memref_slice %arg4[%dma_start3A_30, %dma_start3A_31] : memref<624x128xf32, #tpu.memory_space<hbm>> -> memref<16x128xf32, #tpu.memory_space<hbm>>
        tpu.enqueue_dma source(%dma_start3A_32 : memref<16x128xf32, #tpu.memory_space<hbm>>) target(%dma_start3A_29 : memref<16x128xf32, #tpu.memory_space<vmem_shared>>) target_semaphore(%run_scoped3A : memref<!tpu.dma_semaphore, #tpu.memory_space<semaphore_mem>>)
        %dma_wait3A_33 = arith.constant 9984 : i32
        %dma_wait3A_34 = arith.constant 0 : i32
        %dma_wait3A_35 = tpu.memref_slice %arg8[%dma_wait3A_33, %dma_wait3A_34] : memref<10000x128xf32, #tpu.memory_space<vmem_shared>> -> memref<16x128xf32, #tpu.memory_space<vmem_shared>>
        %dma_wait3A_36 = arith.constant 0 : i32
        %dma_wait3A_37 = arith.constant 0 : i32
        %dma_wait3A_38 = tpu.memref_slice %arg4[%dma_wait3A_36, %dma_wait3A_37] : memref<624x128xf32, #tpu.memory_space<hbm>> -> memref<16x128xf32, #tpu.memory_space<hbm>>
        tpu.wait_dma2 semaphore(%run_scoped3A : memref<!tpu.dma_semaphore, #tpu.memory_space<semaphore_mem>>) src(%dma_wait3A_38 : memref<16x128xf32, #tpu.memory_space<hbm>>) dst(%dma_wait3A_35 : memref<16x128xf32, #tpu.memory_space<vmem_shared>>)
        tpu.yield
      }) : () -> ()
    } else {
    }
    "tpu.region"() ({
      %run_scoped3A = tpu.sem_alloc : memref<!tpu.dma_semaphore, #tpu.memory_space<semaphore_mem>>
      tpu.enqueue_dma source(%arg3 : memref<100x128xf32, #tpu.memory_space<hbm>>) target(%arg7 : memref<100x128xf32, #tpu.memory_space<vmem>>) target_semaphore(%run_scoped3A : memref<!tpu.dma_semaphore, #tpu.memory_space<semaphore_mem>>)
      tpu.wait_dma2 semaphore(%run_scoped3A : memref<!tpu.dma_semaphore, #tpu.memory_space<semaphore_mem>>) src(%arg3 : memref<100x128xf32, #tpu.memory_space<hbm>>) dst(%arg7 : memref<100x128xf32, #tpu.memory_space<vmem>>)
      tpu.yield
    }) : () -> ()
    "tpu.region"() ({
      %run_scoped3A = tpu.sem_alloc : memref<!tpu.dma_semaphore, #tpu.memory_space<semaphore_mem>>
      %dma_start3A_27 = arith.constant 0 : i32
      %dma_start3A_28 = arith.constant 0 : i32
      %dma_start3A_29 = tpu.memref_slice %arg2[%add3A, %dma_start3A_27, %dma_start3A_28] : memref<32x100x100xi32, #tpu.memory_space<hbm>> -> memref<1x100x100xi32, #tpu.memory_space<hbm>>
      %dma_start3A_30 = tpu.memref_squeeze %dma_start3A_29 : memref<1x100x100xi32, #tpu.memory_space<hbm>> -> memref<100x100xi32, #tpu.memory_space<hbm>>
      %dma_start3A_31 = arith.constant 0 : i32
      %dma_start3A_32 = arith.constant 0 : i32
      %dma_start3A_33 = tpu.memref_slice %arg2[%add3A, %dma_start3A_31, %dma_start3A_32] : memref<32x100x100xi32, #tpu.memory_space<hbm>> -> memref<1x100x100xi32, #tpu.memory_space<hbm>>
      %dma_start3A_34 = tpu.memref_squeeze %dma_start3A_33 : memref<1x100x100xi32, #tpu.memory_space<hbm>> -> memref<100x100xi32, #tpu.memory_space<hbm>>
      tpu.enqueue_dma source(%dma_start3A_34 : memref<100x100xi32, #tpu.memory_space<hbm>>) target(%arg6 : memref<100x100xi32, #tpu.memory_space<vmem>>) target_semaphore(%run_scoped3A : memref<!tpu.dma_semaphore, #tpu.memory_space<semaphore_mem>>)
      %dma_wait3A_35 = arith.constant 0 : i32
      %dma_wait3A_36 = arith.constant 0 : i32
      %dma_wait3A_37 = tpu.memref_slice %arg2[%add3A, %dma_wait3A_35, %dma_wait3A_36] : memref<32x100x100xi32, #tpu.memory_space<hbm>> -> memref<1x100x100xi32, #tpu.memory_space<hbm>>
      %dma_wait3A_38 = tpu.memref_squeeze %dma_wait3A_37 : memref<1x100x100xi32, #tpu.memory_space<hbm>> -> memref<100x100xi32, #tpu.memory_space<hbm>>
      %dma_wait3A_39 = arith.constant 0 : i32
      %dma_wait3A_40 = arith.constant 0 : i32
      %dma_wait3A_41 = tpu.memref_slice %arg2[%add3A, %dma_wait3A_39, %dma_wait3A_40] : memref<32x100x100xi32, #tpu.memory_space<hbm>> -> memref<1x100x100xi32, #tpu.memory_space<hbm>>
      %dma_wait3A_42 = tpu.memref_squeeze %dma_wait3A_41 : memref<1x100x100xi32, #tpu.memory_space<hbm>> -> memref<100x100xi32, #tpu.memory_space<hbm>>
      tpu.wait_dma2 semaphore(%run_scoped3A : memref<!tpu.dma_semaphore, #tpu.memory_space<semaphore_mem>>) src(%dma_wait3A_42 : memref<100x100xi32, #tpu.memory_space<hbm>>) dst(%arg6 : memref<100x100xi32, #tpu.memory_space<vmem>>)
      tpu.yield
    }) : () -> ()
    %barrier3A = arith.constant 0 : index
    tpu.barrier barrier_id(%barrier3A)
    %dma_start3A = arith.constant 0 : i32
    %dma_start3A_5 = arith.constant 0 : i32
    %dma_start3A_6 = tpu.memref_slice %arg6[%dma_start3A, %dma_start3A_5] : memref<100x100xi32, #tpu.memory_space<vmem>> -> memref<1x100xi32, #tpu.memory_space<vmem>>
    %dma_start3A_7 = tpu.memref_squeeze %dma_start3A_6 : memref<1x100xi32, #tpu.memory_space<vmem>> -> memref<100xi32, #tpu.memory_space<vmem>>
    %dma_start3A_8 = arith.constant 0 : i32
    %dma_start3A_9 = arith.constant 0 : i32
    %dma_start3A_10 = tpu.memref_slice %arg8[%dma_start3A_8, %dma_start3A_9] : memref<10000x128xf32, #tpu.memory_space<vmem_shared>> -> memref<10000x128xf32, #tpu.memory_space<vmem_shared>>
    tpu.enqueue_indirect_dma source(%arg7 : memref<100x128xf32, #tpu.memory_space<vmem>>) target(%dma_start3A_10 : memref<10000x128xf32, #tpu.memory_space<vmem_shared>>) offsets(%dma_start3A_7 : memref<100xi32, #tpu.memory_space<vmem>>) semaphore(%arg9 : memref<!tpu.dma_semaphore, #tpu.memory_space<semaphore_mem>>) {add = true}
    %scan3A = arith.constant 0 : i32
    %scan3A_11 = arith.constant 99 : i32
    %scan3A_12 = arith.addi %scan3A, %scan3A_11 : i32
    %scan3A_13 = arith.constant 1 : i32
    scf.for %scan3A_27 = %scan3A to %scan3A_12 step %scan3A_13  : i32 {
      %mul3A_28 = arith.constant 1 : i32
      %mul3A_29 = arith.muli %scan3A_27, %mul3A_28 : i32
      %add3A_30 = arith.constant 1 : i32
      %add3A_31 = arith.addi %add3A_30, %mul3A_29 : i32
      %dma_start3A_32 = arith.constant 0 : i32
      %dma_start3A_33 = tpu.memref_slice %arg6[%add3A_31, %dma_start3A_32] : memref<100x100xi32, #tpu.memory_space<vmem>> -> memref<1x100xi32, #tpu.memory_space<vmem>>
      %dma_start3A_34 = tpu.memref_squeeze %dma_start3A_33 : memref<1x100xi32, #tpu.memory_space<vmem>> -> memref<100xi32, #tpu.memory_space<vmem>>
      %dma_start3A_35 = arith.constant 0 : i32
      %dma_start3A_36 = arith.constant 0 : i32
      %dma_start3A_37 = tpu.memref_slice %arg8[%dma_start3A_35, %dma_start3A_36] : memref<10000x128xf32, #tpu.memory_space<vmem_shared>> -> memref<10000x128xf32, #tpu.memory_space<vmem_shared>>
      tpu.enqueue_indirect_dma source(%arg7 : memref<100x128xf32, #tpu.memory_space<vmem>>) target(%dma_start3A_37 : memref<10000x128xf32, #tpu.memory_space<vmem_shared>>) offsets(%dma_start3A_34 : memref<100xi32, #tpu.memory_space<vmem>>) semaphore(%arg9 : memref<!tpu.dma_semaphore, #tpu.memory_space<semaphore_mem>>) {add = true}
      %dma_wait3A_38 = arith.constant 0 : i32
      %dma_wait3A_39 = arith.constant 0 : i32
      %dma_wait3A_40 = tpu.memref_slice %arg6[%dma_wait3A_38, %dma_wait3A_39] : memref<100x100xi32, #tpu.memory_space<vmem>> -> memref<1x100xi32, #tpu.memory_space<vmem>>
      %dma_wait3A_41 = tpu.memref_squeeze %dma_wait3A_40 : memref<1x100xi32, #tpu.memory_space<vmem>> -> memref<100xi32, #tpu.memory_space<vmem>>
      %dma_wait3A_42 = arith.constant 0 : i32
      %dma_wait3A_43 = arith.constant 0 : i32
      %dma_wait3A_44 = tpu.memref_slice %arg8[%dma_wait3A_42, %dma_wait3A_43] : memref<10000x128xf32, #tpu.memory_space<vmem_shared>> -> memref<10000x128xf32, #tpu.memory_space<vmem_shared>>
      tpu.wait_indirect_dma semaphore(%arg9 : memref<!tpu.dma_semaphore, #tpu.memory_space<semaphore_mem>>) src(%arg7 : memref<100x128xf32, #tpu.memory_space<vmem>>) dst(%dma_wait3A_44 : memref<10000x128xf32, #tpu.memory_space<vmem_shared>>)
    }
    %scan3A_14 = arith.constant 99 : i32
    %dma_wait3A = arith.constant 0 : i32
    %dma_wait3A_15 = arith.constant 0 : i32
    %dma_wait3A_16 = tpu.memref_slice %arg6[%dma_wait3A, %dma_wait3A_15] : memref<100x100xi32, #tpu.memory_space<vmem>> -> memref<1x100xi32, #tpu.memory_space<vmem>>
    %dma_wait3A_17 = tpu.memref_squeeze %dma_wait3A_16 : memref<1x100xi32, #tpu.memory_space<vmem>> -> memref<100xi32, #tpu.memory_space<vmem>>
    %dma_wait3A_18 = arith.constant 0 : i32
    %dma_wait3A_19 = arith.constant 0 : i32
    %dma_wait3A_20 = tpu.memref_slice %arg8[%dma_wait3A_18, %dma_wait3A_19] : memref<10000x128xf32, #tpu.memory_space<vmem_shared>> -> memref<10000x128xf32, #tpu.memory_space<vmem_shared>>
    tpu.wait_indirect_dma semaphore(%arg9 : memref<!tpu.dma_semaphore, #tpu.memory_space<semaphore_mem>>) src(%arg7 : memref<100x128xf32, #tpu.memory_space<vmem>>) dst(%dma_wait3A_20 : memref<10000x128xf32, #tpu.memory_space<vmem_shared>>)
    %barrier3A_21 = arith.constant 0 : index
    tpu.barrier barrier_id(%barrier3A_21)
    "tpu.region"() ({
      %run_scoped3A = tpu.sem_alloc : memref<!tpu.dma_semaphore, #tpu.memory_space<semaphore_mem>>
      %dma_start3A_27 = arith.constant 0 : i32
      %dma_start3A_28 = tpu.memref_slice %arg5[%arg0, %mul3A_2, %dma_start3A_27] : memref<2x10000x128xf32, #tpu.memory_space<hbm>> -> memref<1x624x128xf32, #tpu.memory_space<hbm>>
      %dma_start3A_29 = tpu.memref_squeeze %dma_start3A_28 : memref<1x624x128xf32, #tpu.memory_space<hbm>> -> memref<624x128xf32, #tpu.memory_space<hbm>>
      %dma_start3A_30 = arith.constant 0 : i32
      %dma_start3A_31 = tpu.memref_slice %arg8[%mul3A_2, %dma_start3A_30] : memref<10000x128xf32, #tpu.memory_space<vmem_shared>> -> memref<624x128xf32, #tpu.memory_space<vmem_shared>>
      tpu.enqueue_dma source(%dma_start3A_31 : memref<624x128xf32, #tpu.memory_space<vmem_shared>>) target(%dma_start3A_29 : memref<624x128xf32, #tpu.memory_space<hbm>>) target_semaphore(%run_scoped3A : memref<!tpu.dma_semaphore, #tpu.memory_space<semaphore_mem>>)
      %dma_wait3A_32 = arith.constant 0 : i32
      %dma_wait3A_33 = tpu.memref_slice %arg5[%arg0, %mul3A_2, %dma_wait3A_32] : memref<2x10000x128xf32, #tpu.memory_space<hbm>> -> memref<1x624x128xf32, #tpu.memory_space<hbm>>
      %dma_wait3A_34 = tpu.memref_squeeze %dma_wait3A_33 : memref<1x624x128xf32, #tpu.memory_space<hbm>> -> memref<624x128xf32, #tpu.memory_space<hbm>>
      %dma_wait3A_35 = arith.constant 0 : i32
      %dma_wait3A_36 = tpu.memref_slice %arg8[%mul3A_2, %dma_wait3A_35] : memref<10000x128xf32, #tpu.memory_space<vmem_shared>> -> memref<624x128xf32, #tpu.memory_space<vmem_shared>>
      tpu.wait_dma2 semaphore(%run_scoped3A : memref<!tpu.dma_semaphore, #tpu.memory_space<semaphore_mem>>) src(%dma_wait3A_36 : memref<624x128xf32, #tpu.memory_space<vmem_shared>>) dst(%dma_wait3A_34 : memref<624x128xf32, #tpu.memory_space<hbm>>)
      tpu.yield
    }) : () -> ()
    %eq3A_22 = arith.constant 0 : i32
    %eq3A_23 = arith.cmpi eq, %arg1, %eq3A_22 : i32
    %convert_element_type3A_24 = arith.extui %eq3A_23 : i1 to i32
    %cond3A_25 = arith.constant 0 : i32
    %cond3A_26 = arith.cmpi ne, %convert_element_type3A_24, %cond3A_25 : i32
    scf.if %cond3A_26 {
      "tpu.region"() ({
        %run_scoped3A = tpu.sem_alloc : memref<!tpu.dma_semaphore, #tpu.memory_space<semaphore_mem>>
        %dma_start3A_27 = arith.constant 9984 : i32
        %dma_start3A_28 = arith.constant 0 : i32
        %dma_start3A_29 = tpu.memref_slice %arg5[%arg0, %dma_start3A_27, %dma_start3A_28] : memref<2x10000x128xf32, #tpu.memory_space<hbm>> -> memref<1x16x128xf32, #tpu.memory_space<hbm>>
        %dma_start3A_30 = tpu.memref_squeeze %dma_start3A_29 : memref<1x16x128xf32, #tpu.memory_space<hbm>> -> memref<16x128xf32, #tpu.memory_space<hbm>>
        %dma_start3A_31 = arith.constant 9984 : i32
        %dma_start3A_32 = arith.constant 0 : i32
        %dma_start3A_33 = tpu.memref_slice %arg8[%dma_start3A_31, %dma_start3A_32] : memref<10000x128xf32, #tpu.memory_space<vmem_shared>> -> memref<16x128xf32, #tpu.memory_space<vmem_shared>>
        tpu.enqueue_dma source(%dma_start3A_33 : memref<16x128xf32, #tpu.memory_space<vmem_shared>>) target(%dma_start3A_30 : memref<16x128xf32, #tpu.memory_space<hbm>>) target_semaphore(%run_scoped3A : memref<!tpu.dma_semaphore, #tpu.memory_space<semaphore_mem>>)
        %dma_wait3A_34 = arith.constant 9984 : i32
        %dma_wait3A_35 = arith.constant 0 : i32
        %dma_wait3A_36 = tpu.memref_slice %arg5[%arg0, %dma_wait3A_34, %dma_wait3A_35] : memref<2x10000x128xf32, #tpu.memory_space<hbm>> -> memref<1x16x128xf32, #tpu.memory_space<hbm>>
        %dma_wait3A_37 = tpu.memref_squeeze %dma_wait3A_36 : memref<1x16x128xf32, #tpu.memory_space<hbm>> -> memref<16x128xf32, #tpu.memory_space<hbm>>
        %dma_wait3A_38 = arith.constant 9984 : i32
        %dma_wait3A_39 = arith.constant 0 : i32
        %dma_wait3A_40 = tpu.memref_slice %arg8[%dma_wait3A_38, %dma_wait3A_39] : memref<10000x128xf32, #tpu.memory_space<vmem_shared>> -> memref<16x128xf32, #tpu.memory_space<vmem_shared>>
        tpu.wait_dma2 semaphore(%run_scoped3A : memref<!tpu.dma_semaphore, #tpu.memory_space<semaphore_mem>>) src(%dma_wait3A_40 : memref<16x128xf32, #tpu.memory_space<vmem_shared>>) dst(%dma_wait3A_37 : memref<16x128xf32, #tpu.memory_space<hbm>>)
        tpu.yield
      }) : () -> ()
    } else {
    }
    return
  }
}

#map = affine_map<(d0, d1) -> (0, 0)>
#map1 = affine_map<(d0, d1) -> (0, 0, 0, 0)>
#map2 = affine_map<(d0, d1) -> (0, 0, 0)>
module attributes {stable_mosaic.version = 14 : i64} {
  func.func @k(%arg0: i32, %arg1: i32, %arg2: memref<10000x128xf32, #tpu.memory_space<hbm>>, %arg3: memref<32x100x2x100xi32, #tpu.memory_space<hbm>>, %arg4: memref<624x128xf32, #tpu.memory_space<hbm>>, %arg5: memref<2x10000x128xf32, #tpu.memory_space<hbm>>, %arg6: memref<2x100xi32, #tpu.memory_space<vmem>>, %arg7: memref<2x100xi32, #tpu.memory_space<vmem>>, %arg8: memref<100x128xf32, #tpu.memory_space<vmem>>, %arg9: memref<100x128xf32, #tpu.memory_space<vmem>>, %arg10: memref<10000x128xf32, #tpu.memory_space<vmem_shared>>, %arg11: memref<!tpu.dma_semaphore, #tpu.memory_space<semaphore_mem>>, %arg12: memref<!tpu.dma_semaphore, #tpu.memory_space<semaphore_mem>>, %arg13: memref<!tpu.dma_semaphore, #tpu.memory_space<semaphore_mem>>, %arg14: memref<!tpu.dma_semaphore, #tpu.memory_space<semaphore_mem>>) attributes {dimension_semantics = [#tpu.dimension_semantics<core_parallel>, #tpu.dimension_semantics<subcore_parallel>], iteration_bounds = array<i64: 2, 16>, scalar_prefetch = 0 : i64, scratch_operands = 9 : i64, tpu.core_type = #tpu.core_type<sc_vector_subcore>, window_params = [{transform_indices = #map}, {transform_indices = #map1}, {transform_indices = #map}, {transform_indices = #map2}]} {
    %mul3A = arith.constant 16 : i32
    %mul3A_0 = arith.muli %arg0, %mul3A : i32
    %add3A = arith.addi %mul3A_0, %arg1 : i32
    %mul3A_1 = arith.constant 624 : i32
    %mul3A_2 = arith.muli %arg1, %mul3A_1 : i32
    "tpu.region"() ({
      %run_scoped3A_44 = tpu.sem_alloc : memref<!tpu.dma_semaphore, #tpu.memory_space<semaphore_mem>>
      %dma_start3A_45 = arith.constant 0 : i32
      %dma_start3A_46 = tpu.memref_slice %arg10[%mul3A_2, %dma_start3A_45] : memref<10000x128xf32, #tpu.memory_space<vmem_shared>> -> memref<624x128xf32, #tpu.memory_space<vmem_shared>>
      tpu.enqueue_dma source(%arg4 : memref<624x128xf32, #tpu.memory_space<hbm>>) target(%dma_start3A_46 : memref<624x128xf32, #tpu.memory_space<vmem_shared>>) target_semaphore(%run_scoped3A_44 : memref<!tpu.dma_semaphore, #tpu.memory_space<semaphore_mem>>)
      %dma_wait3A_47 = arith.constant 0 : i32
      %dma_wait3A_48 = tpu.memref_slice %arg10[%mul3A_2, %dma_wait3A_47] : memref<10000x128xf32, #tpu.memory_space<vmem_shared>> -> memref<624x128xf32, #tpu.memory_space<vmem_shared>>
      tpu.wait_dma2 semaphore(%run_scoped3A_44 : memref<!tpu.dma_semaphore, #tpu.memory_space<semaphore_mem>>) src(%arg4 : memref<624x128xf32, #tpu.memory_space<hbm>>) dst(%dma_wait3A_48 : memref<624x128xf32, #tpu.memory_space<vmem_shared>>)
      tpu.yield
    }) : () -> ()
    %eq3A = arith.constant 0 : i32
    %eq3A_3 = arith.cmpi eq, %arg1, %eq3A : i32
    %convert_element_type3A = arith.extui %eq3A_3 : i1 to i32
    %cond3A = arith.constant 0 : i32
    %cond3A_4 = arith.cmpi ne, %convert_element_type3A, %cond3A : i32
    scf.if %cond3A_4 {
      "tpu.region"() ({
        %run_scoped3A_44 = tpu.sem_alloc : memref<!tpu.dma_semaphore, #tpu.memory_space<semaphore_mem>>
        %dma_start3A_45 = arith.constant 9984 : i32
        %dma_start3A_46 = arith.constant 0 : i32
        %dma_start3A_47 = tpu.memref_slice %arg10[%dma_start3A_45, %dma_start3A_46] : memref<10000x128xf32, #tpu.memory_space<vmem_shared>> -> memref<16x128xf32, #tpu.memory_space<vmem_shared>>
        %dma_start3A_48 = arith.constant 0 : i32
        %dma_start3A_49 = arith.constant 0 : i32
        %dma_start3A_50 = tpu.memref_slice %arg4[%dma_start3A_48, %dma_start3A_49] : memref<624x128xf32, #tpu.memory_space<hbm>> -> memref<16x128xf32, #tpu.memory_space<hbm>>
        tpu.enqueue_dma source(%dma_start3A_50 : memref<16x128xf32, #tpu.memory_space<hbm>>) target(%dma_start3A_47 : memref<16x128xf32, #tpu.memory_space<vmem_shared>>) target_semaphore(%run_scoped3A_44 : memref<!tpu.dma_semaphore, #tpu.memory_space<semaphore_mem>>)
        %dma_wait3A_51 = arith.constant 9984 : i32
        %dma_wait3A_52 = arith.constant 0 : i32
        %dma_wait3A_53 = tpu.memref_slice %arg10[%dma_wait3A_51, %dma_wait3A_52] : memref<10000x128xf32, #tpu.memory_space<vmem_shared>> -> memref<16x128xf32, #tpu.memory_space<vmem_shared>>
        %dma_wait3A_54 = arith.constant 0 : i32
        %dma_wait3A_55 = arith.constant 0 : i32
        %dma_wait3A_56 = tpu.memref_slice %arg4[%dma_wait3A_54, %dma_wait3A_55] : memref<624x128xf32, #tpu.memory_space<hbm>> -> memref<16x128xf32, #tpu.memory_space<hbm>>
        tpu.wait_dma2 semaphore(%run_scoped3A_44 : memref<!tpu.dma_semaphore, #tpu.memory_space<semaphore_mem>>) src(%dma_wait3A_56 : memref<16x128xf32, #tpu.memory_space<hbm>>) dst(%dma_wait3A_53 : memref<16x128xf32, #tpu.memory_space<vmem_shared>>)
        tpu.yield
      }) : () -> ()
    } else {
    }
    %run_scoped3A = arith.constant 0 : i32
    "tpu.region"() ({
      %run_scoped3A_44 = tpu.sem_alloc : memref<!tpu.dma_semaphore, #tpu.memory_space<semaphore_mem>>
      %dma_start3A_45 = arith.constant 0 : i32
      %dma_start3A_46 = arith.constant 0 : i32
      %dma_start3A_47 = tpu.memref_slice %arg3[%add3A, %run_scoped3A, %dma_start3A_45, %dma_start3A_46] : memref<32x100x2x100xi32, #tpu.memory_space<hbm>> -> memref<1x1x2x100xi32, #tpu.memory_space<hbm>>
      %dma_start3A_48 = tpu.memref_squeeze %dma_start3A_47 : memref<1x1x2x100xi32, #tpu.memory_space<hbm>> -> memref<2x100xi32, #tpu.memory_space<hbm>>
      %dma_start3A_49 = arith.constant 0 : i32
      %dma_start3A_50 = arith.constant 0 : i32
      %dma_start3A_51 = tpu.memref_slice %arg3[%add3A, %run_scoped3A, %dma_start3A_49, %dma_start3A_50] : memref<32x100x2x100xi32, #tpu.memory_space<hbm>> -> memref<1x1x2x100xi32, #tpu.memory_space<hbm>>
      %dma_start3A_52 = tpu.memref_squeeze %dma_start3A_51 : memref<1x1x2x100xi32, #tpu.memory_space<hbm>> -> memref<2x100xi32, #tpu.memory_space<hbm>>
      tpu.enqueue_dma source(%dma_start3A_52 : memref<2x100xi32, #tpu.memory_space<hbm>>) target(%arg6 : memref<2x100xi32, #tpu.memory_space<vmem>>) target_semaphore(%run_scoped3A_44 : memref<!tpu.dma_semaphore, #tpu.memory_space<semaphore_mem>>)
      %dma_wait3A_53 = arith.constant 0 : i32
      %dma_wait3A_54 = arith.constant 0 : i32
      %dma_wait3A_55 = tpu.memref_slice %arg3[%add3A, %run_scoped3A, %dma_wait3A_53, %dma_wait3A_54] : memref<32x100x2x100xi32, #tpu.memory_space<hbm>> -> memref<1x1x2x100xi32, #tpu.memory_space<hbm>>
      %dma_wait3A_56 = tpu.memref_squeeze %dma_wait3A_55 : memref<1x1x2x100xi32, #tpu.memory_space<hbm>> -> memref<2x100xi32, #tpu.memory_space<hbm>>
      %dma_wait3A_57 = arith.constant 0 : i32
      %dma_wait3A_58 = arith.constant 0 : i32
      %dma_wait3A_59 = tpu.memref_slice %arg3[%add3A, %run_scoped3A, %dma_wait3A_57, %dma_wait3A_58] : memref<32x100x2x100xi32, #tpu.memory_space<hbm>> -> memref<1x1x2x100xi32, #tpu.memory_space<hbm>>
      %dma_wait3A_60 = tpu.memref_squeeze %dma_wait3A_59 : memref<1x1x2x100xi32, #tpu.memory_space<hbm>> -> memref<2x100xi32, #tpu.memory_space<hbm>>
      tpu.wait_dma2 semaphore(%run_scoped3A_44 : memref<!tpu.dma_semaphore, #tpu.memory_space<semaphore_mem>>) src(%dma_wait3A_60 : memref<2x100xi32, #tpu.memory_space<hbm>>) dst(%arg6 : memref<2x100xi32, #tpu.memory_space<vmem>>)
      tpu.yield
    }) : () -> ()
    %run_scoped3A_5 = arith.constant 1 : i32
    "tpu.region"() ({
      %run_scoped3A_44 = tpu.sem_alloc : memref<!tpu.dma_semaphore, #tpu.memory_space<semaphore_mem>>
      %dma_start3A_45 = arith.constant 0 : i32
      %dma_start3A_46 = arith.constant 0 : i32
      %dma_start3A_47 = tpu.memref_slice %arg3[%add3A, %run_scoped3A_5, %dma_start3A_45, %dma_start3A_46] : memref<32x100x2x100xi32, #tpu.memory_space<hbm>> -> memref<1x1x2x100xi32, #tpu.memory_space<hbm>>
      %dma_start3A_48 = tpu.memref_squeeze %dma_start3A_47 : memref<1x1x2x100xi32, #tpu.memory_space<hbm>> -> memref<2x100xi32, #tpu.memory_space<hbm>>
      %dma_start3A_49 = arith.constant 0 : i32
      %dma_start3A_50 = arith.constant 0 : i32
      %dma_start3A_51 = tpu.memref_slice %arg3[%add3A, %run_scoped3A_5, %dma_start3A_49, %dma_start3A_50] : memref<32x100x2x100xi32, #tpu.memory_space<hbm>> -> memref<1x1x2x100xi32, #tpu.memory_space<hbm>>
      %dma_start3A_52 = tpu.memref_squeeze %dma_start3A_51 : memref<1x1x2x100xi32, #tpu.memory_space<hbm>> -> memref<2x100xi32, #tpu.memory_space<hbm>>
      tpu.enqueue_dma source(%dma_start3A_52 : memref<2x100xi32, #tpu.memory_space<hbm>>) target(%arg7 : memref<2x100xi32, #tpu.memory_space<vmem>>) target_semaphore(%run_scoped3A_44 : memref<!tpu.dma_semaphore, #tpu.memory_space<semaphore_mem>>)
      %dma_wait3A_53 = arith.constant 0 : i32
      %dma_wait3A_54 = arith.constant 0 : i32
      %dma_wait3A_55 = tpu.memref_slice %arg3[%add3A, %run_scoped3A_5, %dma_wait3A_53, %dma_wait3A_54] : memref<32x100x2x100xi32, #tpu.memory_space<hbm>> -> memref<1x1x2x100xi32, #tpu.memory_space<hbm>>
      %dma_wait3A_56 = tpu.memref_squeeze %dma_wait3A_55 : memref<1x1x2x100xi32, #tpu.memory_space<hbm>> -> memref<2x100xi32, #tpu.memory_space<hbm>>
      %dma_wait3A_57 = arith.constant 0 : i32
      %dma_wait3A_58 = arith.constant 0 : i32
      %dma_wait3A_59 = tpu.memref_slice %arg3[%add3A, %run_scoped3A_5, %dma_wait3A_57, %dma_wait3A_58] : memref<32x100x2x100xi32, #tpu.memory_space<hbm>> -> memref<1x1x2x100xi32, #tpu.memory_space<hbm>>
      %dma_wait3A_60 = tpu.memref_squeeze %dma_wait3A_59 : memref<1x1x2x100xi32, #tpu.memory_space<hbm>> -> memref<2x100xi32, #tpu.memory_space<hbm>>
      tpu.wait_dma2 semaphore(%run_scoped3A_44 : memref<!tpu.dma_semaphore, #tpu.memory_space<semaphore_mem>>) src(%dma_wait3A_60 : memref<2x100xi32, #tpu.memory_space<hbm>>) dst(%arg7 : memref<2x100xi32, #tpu.memory_space<vmem>>)
      tpu.yield
    }) : () -> ()
    %barrier3A = arith.constant 0 : index
    tpu.barrier barrier_id(%barrier3A)
    %dma_start3A = arith.constant 0 : i32
    %dma_start3A_6 = arith.constant 0 : i32
    %dma_start3A_7 = tpu.memref_slice %arg6[%dma_start3A, %dma_start3A_6] : memref<2x100xi32, #tpu.memory_space<vmem>> -> memref<1x100xi32, #tpu.memory_space<vmem>>
    %dma_start3A_8 = tpu.memref_squeeze %dma_start3A_7 : memref<1x100xi32, #tpu.memory_space<vmem>> -> memref<100xi32, #tpu.memory_space<vmem>>
    %dma_start3A_9 = arith.constant 0 : i32
    %dma_start3A_10 = arith.constant 0 : i32
    %dma_start3A_11 = tpu.memref_slice %arg2[%dma_start3A_9, %dma_start3A_10] : memref<10000x128xf32, #tpu.memory_space<hbm>> -> memref<10000x128xf32, #tpu.memory_space<hbm>>
    tpu.enqueue_indirect_dma source(%dma_start3A_11 : memref<10000x128xf32, #tpu.memory_space<hbm>>) target(%arg8 : memref<100x128xf32, #tpu.memory_space<vmem>>) offsets(%dma_start3A_8 : memref<100xi32, #tpu.memory_space<vmem>>) semaphore(%arg11 : memref<!tpu.dma_semaphore, #tpu.memory_space<semaphore_mem>>)
    %scan3A = arith.constant 0 : i32
    %scan3A_12 = arith.constant 49 : i32
    %scan3A_13 = arith.addi %scan3A, %scan3A_12 : i32
    %scan3A_14 = arith.constant 1 : i32
    scf.for %scan3A_44 = %scan3A to %scan3A_13 step %scan3A_14  : i32 {
      %mul3A_45 = arith.constant 2 : i32
      %mul3A_46 = arith.muli %scan3A_44, %mul3A_45 : i32
      %add3A_47 = arith.constant 0 : i32
      %add3A_48 = arith.addi %add3A_47, %mul3A_46 : i32
      %dma_start3A_49 = arith.constant 0 : i32
      %dma_start3A_50 = arith.constant 0 : i32
      %dma_start3A_51 = tpu.memref_slice %arg7[%dma_start3A_49, %dma_start3A_50] : memref<2x100xi32, #tpu.memory_space<vmem>> -> memref<1x100xi32, #tpu.memory_space<vmem>>
      %dma_start3A_52 = tpu.memref_squeeze %dma_start3A_51 : memref<1x100xi32, #tpu.memory_space<vmem>> -> memref<100xi32, #tpu.memory_space<vmem>>
      %dma_start3A_53 = arith.constant 0 : i32
      %dma_start3A_54 = arith.constant 0 : i32
      %dma_start3A_55 = tpu.memref_slice %arg2[%dma_start3A_53, %dma_start3A_54] : memref<10000x128xf32, #tpu.memory_space<hbm>> -> memref<10000x128xf32, #tpu.memory_space<hbm>>
      tpu.enqueue_indirect_dma source(%dma_start3A_55 : memref<10000x128xf32, #tpu.memory_space<hbm>>) target(%arg9 : memref<100x128xf32, #tpu.memory_space<vmem>>) offsets(%dma_start3A_52 : memref<100xi32, #tpu.memory_space<vmem>>) semaphore(%arg12 : memref<!tpu.dma_semaphore, #tpu.memory_space<semaphore_mem>>)
      %dma_wait3A_56 = arith.constant 0 : i32
      %dma_wait3A_57 = arith.constant 0 : i32
      %dma_wait3A_58 = tpu.memref_slice %arg6[%dma_wait3A_56, %dma_wait3A_57] : memref<2x100xi32, #tpu.memory_space<vmem>> -> memref<1x100xi32, #tpu.memory_space<vmem>>
      %dma_wait3A_59 = tpu.memref_squeeze %dma_wait3A_58 : memref<1x100xi32, #tpu.memory_space<vmem>> -> memref<100xi32, #tpu.memory_space<vmem>>
      %dma_wait3A_60 = arith.constant 0 : i32
      %dma_wait3A_61 = arith.constant 0 : i32
      %dma_wait3A_62 = tpu.memref_slice %arg2[%dma_wait3A_60, %dma_wait3A_61] : memref<10000x128xf32, #tpu.memory_space<hbm>> -> memref<10000x128xf32, #tpu.memory_space<hbm>>
      tpu.wait_indirect_dma semaphore(%arg11 : memref<!tpu.dma_semaphore, #tpu.memory_space<semaphore_mem>>) src(%dma_wait3A_62 : memref<10000x128xf32, #tpu.memory_space<hbm>>) dst(%arg8 : memref<100x128xf32, #tpu.memory_space<vmem>>)
      %run_scoped3A_63 = arith.constant 1 : i32
      "tpu.region"() ({
        %run_scoped3A_117 = tpu.sem_alloc : memref<!tpu.dma_semaphore, #tpu.memory_space<semaphore_mem>>
        %dma_start3A_118 = arith.constant 0 : i32
        %dma_start3A_119 = tpu.memref_slice %arg6[%run_scoped3A_63, %dma_start3A_118] : memref<2x100xi32, #tpu.memory_space<vmem>> -> memref<1x100xi32, #tpu.memory_space<vmem>>
        %dma_start3A_120 = tpu.memref_squeeze %dma_start3A_119 : memref<1x100xi32, #tpu.memory_space<vmem>> -> memref<100xi32, #tpu.memory_space<vmem>>
        %dma_start3A_121 = arith.constant 0 : i32
        %dma_start3A_122 = arith.constant 0 : i32
        %dma_start3A_123 = tpu.memref_slice %arg10[%dma_start3A_121, %dma_start3A_122] : memref<10000x128xf32, #tpu.memory_space<vmem_shared>> -> memref<10000x128xf32, #tpu.memory_space<vmem_shared>>
        tpu.enqueue_indirect_dma source(%arg8 : memref<100x128xf32, #tpu.memory_space<vmem>>) target(%dma_start3A_123 : memref<10000x128xf32, #tpu.memory_space<vmem_shared>>) offsets(%dma_start3A_120 : memref<100xi32, #tpu.memory_space<vmem>>) semaphore(%run_scoped3A_117 : memref<!tpu.dma_semaphore, #tpu.memory_space<semaphore_mem>>) {add = true}
        %dma_wait3A_124 = arith.constant 0 : i32
        %dma_wait3A_125 = tpu.memref_slice %arg6[%run_scoped3A_63, %dma_wait3A_124] : memref<2x100xi32, #tpu.memory_space<vmem>> -> memref<1x100xi32, #tpu.memory_space<vmem>>
        %dma_wait3A_126 = tpu.memref_squeeze %dma_wait3A_125 : memref<1x100xi32, #tpu.memory_space<vmem>> -> memref<100xi32, #tpu.memory_space<vmem>>
        %dma_wait3A_127 = arith.constant 0 : i32
        %dma_wait3A_128 = arith.constant 0 : i32
        %dma_wait3A_129 = tpu.memref_slice %arg10[%dma_wait3A_127, %dma_wait3A_128] : memref<10000x128xf32, #tpu.memory_space<vmem_shared>> -> memref<10000x128xf32, #tpu.memory_space<vmem_shared>>
        tpu.wait_indirect_dma semaphore(%run_scoped3A_117 : memref<!tpu.dma_semaphore, #tpu.memory_space<semaphore_mem>>) src(%arg8 : memref<100x128xf32, #tpu.memory_space<vmem>>) dst(%dma_wait3A_129 : memref<10000x128xf32, #tpu.memory_space<vmem_shared>>)
        tpu.yield
      }) : () -> ()
      %add3A_64 = arith.constant 2 : i32
      %add3A_65 = arith.addi %add3A_48, %add3A_64 : i32
      %dma_start3A_66 = arith.constant 0 : i32
      %dma_start3A_67 = arith.constant 0 : i32
      %dma_start3A_68 = tpu.memref_slice %arg3[%add3A, %add3A_65, %dma_start3A_66, %dma_start3A_67] : memref<32x100x2x100xi32, #tpu.memory_space<hbm>> -> memref<1x1x2x100xi32, #tpu.memory_space<hbm>>
      %dma_start3A_69 = tpu.memref_squeeze %dma_start3A_68 : memref<1x1x2x100xi32, #tpu.memory_space<hbm>> -> memref<2x100xi32, #tpu.memory_space<hbm>>
      %dma_start3A_70 = arith.constant 0 : i32
      %dma_start3A_71 = arith.constant 0 : i32
      %dma_start3A_72 = tpu.memref_slice %arg3[%add3A, %add3A_65, %dma_start3A_70, %dma_start3A_71] : memref<32x100x2x100xi32, #tpu.memory_space<hbm>> -> memref<1x1x2x100xi32, #tpu.memory_space<hbm>>
      %dma_start3A_73 = tpu.memref_squeeze %dma_start3A_72 : memref<1x1x2x100xi32, #tpu.memory_space<hbm>> -> memref<2x100xi32, #tpu.memory_space<hbm>>
      tpu.enqueue_dma source(%dma_start3A_73 : memref<2x100xi32, #tpu.memory_space<hbm>>) target(%arg6 : memref<2x100xi32, #tpu.memory_space<vmem>>) target_semaphore(%arg13 : memref<!tpu.dma_semaphore, #tpu.memory_space<semaphore_mem>>)
      %dma_wait3A_74 = arith.constant 0 : i32
      %dma_wait3A_75 = arith.constant 0 : i32
      %dma_wait3A_76 = arith.constant 0 : i32
      %dma_wait3A_77 = tpu.memref_slice %arg3[%add3A, %dma_wait3A_74, %dma_wait3A_75, %dma_wait3A_76] : memref<32x100x2x100xi32, #tpu.memory_space<hbm>> -> memref<1x1x2x100xi32, #tpu.memory_space<hbm>>
      %dma_wait3A_78 = tpu.memref_squeeze %dma_wait3A_77 : memref<1x1x2x100xi32, #tpu.memory_space<hbm>> -> memref<2x100xi32, #tpu.memory_space<hbm>>
      %dma_wait3A_79 = arith.constant 0 : i32
      %dma_wait3A_80 = arith.constant 0 : i32
      %dma_wait3A_81 = tpu.memref_slice %arg3[%add3A, %dma_wait3A_74, %dma_wait3A_79, %dma_wait3A_80] : memref<32x100x2x100xi32, #tpu.memory_space<hbm>> -> memref<1x1x2x100xi32, #tpu.memory_space<hbm>>
      %dma_wait3A_82 = tpu.memref_squeeze %dma_wait3A_81 : memref<1x1x2x100xi32, #tpu.memory_space<hbm>> -> memref<2x100xi32, #tpu.memory_space<hbm>>
      tpu.wait_dma2 semaphore(%arg13 : memref<!tpu.dma_semaphore, #tpu.memory_space<semaphore_mem>>) src(%dma_wait3A_82 : memref<2x100xi32, #tpu.memory_space<hbm>>) dst(%arg6 : memref<2x100xi32, #tpu.memory_space<vmem>>)
      %dma_wait3A_83 = arith.constant 0 : i32
      %dma_wait3A_84 = arith.constant 0 : i32
      %dma_wait3A_85 = tpu.memref_slice %arg6[%dma_wait3A_83, %dma_wait3A_84] : memref<2x100xi32, #tpu.memory_space<vmem>> -> memref<1x100xi32, #tpu.memory_space<vmem>>
      %dma_wait3A_86 = tpu.memref_squeeze %dma_wait3A_85 : memref<1x100xi32, #tpu.memory_space<vmem>> -> memref<100xi32, #tpu.memory_space<vmem>>
      %dma_wait3A_87 = arith.constant 0 : i32
      %dma_wait3A_88 = arith.constant 0 : i32
      %dma_wait3A_89 = tpu.memref_slice %arg2[%dma_wait3A_87, %dma_wait3A_88] : memref<10000x128xf32, #tpu.memory_space<hbm>> -> memref<10000x128xf32, #tpu.memory_space<hbm>>
      tpu.wait_indirect_dma semaphore(%arg12 : memref<!tpu.dma_semaphore, #tpu.memory_space<semaphore_mem>>) src(%dma_wait3A_89 : memref<10000x128xf32, #tpu.memory_space<hbm>>) dst(%arg9 : memref<100x128xf32, #tpu.memory_space<vmem>>)
      %dma_start3A_90 = arith.constant 0 : i32
      %dma_start3A_91 = arith.constant 0 : i32
      %dma_start3A_92 = tpu.memref_slice %arg6[%dma_start3A_90, %dma_start3A_91] : memref<2x100xi32, #tpu.memory_space<vmem>> -> memref<1x100xi32, #tpu.memory_space<vmem>>
      %dma_start3A_93 = tpu.memref_squeeze %dma_start3A_92 : memref<1x100xi32, #tpu.memory_space<vmem>> -> memref<100xi32, #tpu.memory_space<vmem>>
      %dma_start3A_94 = arith.constant 0 : i32
      %dma_start3A_95 = arith.constant 0 : i32
      %dma_start3A_96 = tpu.memref_slice %arg2[%dma_start3A_94, %dma_start3A_95] : memref<10000x128xf32, #tpu.memory_space<hbm>> -> memref<10000x128xf32, #tpu.memory_space<hbm>>
      tpu.enqueue_indirect_dma source(%dma_start3A_96 : memref<10000x128xf32, #tpu.memory_space<hbm>>) target(%arg8 : memref<100x128xf32, #tpu.memory_space<vmem>>) offsets(%dma_start3A_93 : memref<100xi32, #tpu.memory_space<vmem>>) semaphore(%arg11 : memref<!tpu.dma_semaphore, #tpu.memory_space<semaphore_mem>>)
      %run_scoped3A_97 = arith.constant 1 : i32
      "tpu.region"() ({
        %run_scoped3A_117 = tpu.sem_alloc : memref<!tpu.dma_semaphore, #tpu.memory_space<semaphore_mem>>
        %dma_start3A_118 = arith.constant 0 : i32
        %dma_start3A_119 = tpu.memref_slice %arg7[%run_scoped3A_97, %dma_start3A_118] : memref<2x100xi32, #tpu.memory_space<vmem>> -> memref<1x100xi32, #tpu.memory_space<vmem>>
        %dma_start3A_120 = tpu.memref_squeeze %dma_start3A_119 : memref<1x100xi32, #tpu.memory_space<vmem>> -> memref<100xi32, #tpu.memory_space<vmem>>
        %dma_start3A_121 = arith.constant 0 : i32
        %dma_start3A_122 = arith.constant 0 : i32
        %dma_start3A_123 = tpu.memref_slice %arg10[%dma_start3A_121, %dma_start3A_122] : memref<10000x128xf32, #tpu.memory_space<vmem_shared>> -> memref<10000x128xf32, #tpu.memory_space<vmem_shared>>
        tpu.enqueue_indirect_dma source(%arg9 : memref<100x128xf32, #tpu.memory_space<vmem>>) target(%dma_start3A_123 : memref<10000x128xf32, #tpu.memory_space<vmem_shared>>) offsets(%dma_start3A_120 : memref<100xi32, #tpu.memory_space<vmem>>) semaphore(%run_scoped3A_117 : memref<!tpu.dma_semaphore, #tpu.memory_space<semaphore_mem>>) {add = true}
        %dma_wait3A_124 = arith.constant 0 : i32
        %dma_wait3A_125 = tpu.memref_slice %arg7[%run_scoped3A_97, %dma_wait3A_124] : memref<2x100xi32, #tpu.memory_space<vmem>> -> memref<1x100xi32, #tpu.memory_space<vmem>>
        %dma_wait3A_126 = tpu.memref_squeeze %dma_wait3A_125 : memref<1x100xi32, #tpu.memory_space<vmem>> -> memref<100xi32, #tpu.memory_space<vmem>>
        %dma_wait3A_127 = arith.constant 0 : i32
        %dma_wait3A_128 = arith.constant 0 : i32
        %dma_wait3A_129 = tpu.memref_slice %arg10[%dma_wait3A_127, %dma_wait3A_128] : memref<10000x128xf32, #tpu.memory_space<vmem_shared>> -> memref<10000x128xf32, #tpu.memory_space<vmem_shared>>
        tpu.wait_indirect_dma semaphore(%run_scoped3A_117 : memref<!tpu.dma_semaphore, #tpu.memory_space<semaphore_mem>>) src(%arg9 : memref<100x128xf32, #tpu.memory_space<vmem>>) dst(%dma_wait3A_129 : memref<10000x128xf32, #tpu.memory_space<vmem_shared>>)
        tpu.yield
      }) : () -> ()
      %add3A_98 = arith.constant 3 : i32
      %add3A_99 = arith.addi %add3A_48, %add3A_98 : i32
      %dma_start3A_100 = arith.constant 0 : i32
      %dma_start3A_101 = arith.constant 0 : i32
      %dma_start3A_102 = tpu.memref_slice %arg3[%add3A, %add3A_99, %dma_start3A_100, %dma_start3A_101] : memref<32x100x2x100xi32, #tpu.memory_space<hbm>> -> memref<1x1x2x100xi32, #tpu.memory_space<hbm>>
      %dma_start3A_103 = tpu.memref_squeeze %dma_start3A_102 : memref<1x1x2x100xi32, #tpu.memory_space<hbm>> -> memref<2x100xi32, #tpu.memory_space<hbm>>
      %dma_start3A_104 = arith.constant 0 : i32
      %dma_start3A_105 = arith.constant 0 : i32
      %dma_start3A_106 = tpu.memref_slice %arg3[%add3A, %add3A_99, %dma_start3A_104, %dma_start3A_105] : memref<32x100x2x100xi32, #tpu.memory_space<hbm>> -> memref<1x1x2x100xi32, #tpu.memory_space<hbm>>
      %dma_start3A_107 = tpu.memref_squeeze %dma_start3A_106 : memref<1x1x2x100xi32, #tpu.memory_space<hbm>> -> memref<2x100xi32, #tpu.memory_space<hbm>>
      tpu.enqueue_dma source(%dma_start3A_107 : memref<2x100xi32, #tpu.memory_space<hbm>>) target(%arg7 : memref<2x100xi32, #tpu.memory_space<vmem>>) target_semaphore(%arg14 : memref<!tpu.dma_semaphore, #tpu.memory_space<semaphore_mem>>)
      %dma_wait3A_108 = arith.constant 0 : i32
      %dma_wait3A_109 = arith.constant 0 : i32
      %dma_wait3A_110 = arith.constant 0 : i32
      %dma_wait3A_111 = tpu.memref_slice %arg3[%add3A, %dma_wait3A_108, %dma_wait3A_109, %dma_wait3A_110] : memref<32x100x2x100xi32, #tpu.memory_space<hbm>> -> memref<1x1x2x100xi32, #tpu.memory_space<hbm>>
      %dma_wait3A_112 = tpu.memref_squeeze %dma_wait3A_111 : memref<1x1x2x100xi32, #tpu.memory_space<hbm>> -> memref<2x100xi32, #tpu.memory_space<hbm>>
      %dma_wait3A_113 = arith.constant 0 : i32
      %dma_wait3A_114 = arith.constant 0 : i32
      %dma_wait3A_115 = tpu.memref_slice %arg3[%add3A, %dma_wait3A_108, %dma_wait3A_113, %dma_wait3A_114] : memref<32x100x2x100xi32, #tpu.memory_space<hbm>> -> memref<1x1x2x100xi32, #tpu.memory_space<hbm>>
      %dma_wait3A_116 = tpu.memref_squeeze %dma_wait3A_115 : memref<1x1x2x100xi32, #tpu.memory_space<hbm>> -> memref<2x100xi32, #tpu.memory_space<hbm>>
      tpu.wait_dma2 semaphore(%arg14 : memref<!tpu.dma_semaphore, #tpu.memory_space<semaphore_mem>>) src(%dma_wait3A_116 : memref<2x100xi32, #tpu.memory_space<hbm>>) dst(%arg7 : memref<2x100xi32, #tpu.memory_space<vmem>>)
    }
    %scan3A_15 = arith.constant 49 : i32
    %dma_start3A_16 = arith.constant 0 : i32
    %dma_start3A_17 = arith.constant 0 : i32
    %dma_start3A_18 = tpu.memref_slice %arg7[%dma_start3A_16, %dma_start3A_17] : memref<2x100xi32, #tpu.memory_space<vmem>> -> memref<1x100xi32, #tpu.memory_space<vmem>>
    %dma_start3A_19 = tpu.memref_squeeze %dma_start3A_18 : memref<1x100xi32, #tpu.memory_space<vmem>> -> memref<100xi32, #tpu.memory_space<vmem>>
    %dma_start3A_20 = arith.constant 0 : i32
    %dma_start3A_21 = arith.constant 0 : i32
    %dma_start3A_22 = tpu.memref_slice %arg2[%dma_start3A_20, %dma_start3A_21] : memref<10000x128xf32, #tpu.memory_space<hbm>> -> memref<10000x128xf32, #tpu.memory_space<hbm>>
    tpu.enqueue_indirect_dma source(%dma_start3A_22 : memref<10000x128xf32, #tpu.memory_space<hbm>>) target(%arg9 : memref<100x128xf32, #tpu.memory_space<vmem>>) offsets(%dma_start3A_19 : memref<100xi32, #tpu.memory_space<vmem>>) semaphore(%arg12 : memref<!tpu.dma_semaphore, #tpu.memory_space<semaphore_mem>>)
    %dma_wait3A = arith.constant 0 : i32
    %dma_wait3A_23 = arith.constant 0 : i32
    %dma_wait3A_24 = tpu.memref_slice %arg6[%dma_wait3A, %dma_wait3A_23] : memref<2x100xi32, #tpu.memory_space<vmem>> -> memref<1x100xi32, #tpu.memory_space<vmem>>
    %dma_wait3A_25 = tpu.memref_squeeze %dma_wait3A_24 : memref<1x100xi32, #tpu.memory_space<vmem>> -> memref<100xi32, #tpu.memory_space<vmem>>
    %dma_wait3A_26 = arith.constant 0 : i32
    %dma_wait3A_27 = arith.constant 0 : i32
    %dma_wait3A_28 = tpu.memref_slice %arg2[%dma_wait3A_26, %dma_wait3A_27] : memref<10000x128xf32, #tpu.memory_space<hbm>> -> memref<10000x128xf32, #tpu.memory_space<hbm>>
    tpu.wait_indirect_dma semaphore(%arg11 : memref<!tpu.dma_semaphore, #tpu.memory_space<semaphore_mem>>) src(%dma_wait3A_28 : memref<10000x128xf32, #tpu.memory_space<hbm>>) dst(%arg8 : memref<100x128xf32, #tpu.memory_space<vmem>>)
    %run_scoped3A_29 = arith.constant 1 : i32
    "tpu.region"() ({
      %run_scoped3A_44 = tpu.sem_alloc : memref<!tpu.dma_semaphore, #tpu.memory_space<semaphore_mem>>
      %dma_start3A_45 = arith.constant 0 : i32
      %dma_start3A_46 = tpu.memref_slice %arg6[%run_scoped3A_29, %dma_start3A_45] : memref<2x100xi32, #tpu.memory_space<vmem>> -> memref<1x100xi32, #tpu.memory_space<vmem>>
      %dma_start3A_47 = tpu.memref_squeeze %dma_start3A_46 : memref<1x100xi32, #tpu.memory_space<vmem>> -> memref<100xi32, #tpu.memory_space<vmem>>
      %dma_start3A_48 = arith.constant 0 : i32
      %dma_start3A_49 = arith.constant 0 : i32
      %dma_start3A_50 = tpu.memref_slice %arg10[%dma_start3A_48, %dma_start3A_49] : memref<10000x128xf32, #tpu.memory_space<vmem_shared>> -> memref<10000x128xf32, #tpu.memory_space<vmem_shared>>
      tpu.enqueue_indirect_dma source(%arg8 : memref<100x128xf32, #tpu.memory_space<vmem>>) target(%dma_start3A_50 : memref<10000x128xf32, #tpu.memory_space<vmem_shared>>) offsets(%dma_start3A_47 : memref<100xi32, #tpu.memory_space<vmem>>) semaphore(%run_scoped3A_44 : memref<!tpu.dma_semaphore, #tpu.memory_space<semaphore_mem>>) {add = true}
      %dma_wait3A_51 = arith.constant 0 : i32
      %dma_wait3A_52 = tpu.memref_slice %arg6[%run_scoped3A_29, %dma_wait3A_51] : memref<2x100xi32, #tpu.memory_space<vmem>> -> memref<1x100xi32, #tpu.memory_space<vmem>>
      %dma_wait3A_53 = tpu.memref_squeeze %dma_wait3A_52 : memref<1x100xi32, #tpu.memory_space<vmem>> -> memref<100xi32, #tpu.memory_space<vmem>>
      %dma_wait3A_54 = arith.constant 0 : i32
      %dma_wait3A_55 = arith.constant 0 : i32
      %dma_wait3A_56 = tpu.memref_slice %arg10[%dma_wait3A_54, %dma_wait3A_55] : memref<10000x128xf32, #tpu.memory_space<vmem_shared>> -> memref<10000x128xf32, #tpu.memory_space<vmem_shared>>
      tpu.wait_indirect_dma semaphore(%run_scoped3A_44 : memref<!tpu.dma_semaphore, #tpu.memory_space<semaphore_mem>>) src(%arg8 : memref<100x128xf32, #tpu.memory_space<vmem>>) dst(%dma_wait3A_56 : memref<10000x128xf32, #tpu.memory_space<vmem_shared>>)
      tpu.yield
    }) : () -> ()
    %dma_wait3A_30 = arith.constant 0 : i32
    %dma_wait3A_31 = arith.constant 0 : i32
    %dma_wait3A_32 = tpu.memref_slice %arg6[%dma_wait3A_30, %dma_wait3A_31] : memref<2x100xi32, #tpu.memory_space<vmem>> -> memref<1x100xi32, #tpu.memory_space<vmem>>
    %dma_wait3A_33 = tpu.memref_squeeze %dma_wait3A_32 : memref<1x100xi32, #tpu.memory_space<vmem>> -> memref<100xi32, #tpu.memory_space<vmem>>
    %dma_wait3A_34 = arith.constant 0 : i32
    %dma_wait3A_35 = arith.constant 0 : i32
    %dma_wait3A_36 = tpu.memref_slice %arg2[%dma_wait3A_34, %dma_wait3A_35] : memref<10000x128xf32, #tpu.memory_space<hbm>> -> memref<10000x128xf32, #tpu.memory_space<hbm>>
    tpu.wait_indirect_dma semaphore(%arg12 : memref<!tpu.dma_semaphore, #tpu.memory_space<semaphore_mem>>) src(%dma_wait3A_36 : memref<10000x128xf32, #tpu.memory_space<hbm>>) dst(%arg9 : memref<100x128xf32, #tpu.memory_space<vmem>>)
    %run_scoped3A_37 = arith.constant 1 : i32
    "tpu.region"() ({
      %run_scoped3A_44 = tpu.sem_alloc : memref<!tpu.dma_semaphore, #tpu.memory_space<semaphore_mem>>
      %dma_start3A_45 = arith.constant 0 : i32
      %dma_start3A_46 = tpu.memref_slice %arg7[%run_scoped3A_37, %dma_start3A_45] : memref<2x100xi32, #tpu.memory_space<vmem>> -> memref<1x100xi32, #tpu.memory_space<vmem>>
      %dma_start3A_47 = tpu.memref_squeeze %dma_start3A_46 : memref<1x100xi32, #tpu.memory_space<vmem>> -> memref<100xi32, #tpu.memory_space<vmem>>
      %dma_start3A_48 = arith.constant 0 : i32
      %dma_start3A_49 = arith.constant 0 : i32
      %dma_start3A_50 = tpu.memref_slice %arg10[%dma_start3A_48, %dma_start3A_49] : memref<10000x128xf32, #tpu.memory_space<vmem_shared>> -> memref<10000x128xf32, #tpu.memory_space<vmem_shared>>
      tpu.enqueue_indirect_dma source(%arg9 : memref<100x128xf32, #tpu.memory_space<vmem>>) target(%dma_start3A_50 : memref<10000x128xf32, #tpu.memory_space<vmem_shared>>) offsets(%dma_start3A_47 : memref<100xi32, #tpu.memory_space<vmem>>) semaphore(%run_scoped3A_44 : memref<!tpu.dma_semaphore, #tpu.memory_space<semaphore_mem>>) {add = true}
      %dma_wait3A_51 = arith.constant 0 : i32
      %dma_wait3A_52 = tpu.memref_slice %arg7[%run_scoped3A_37, %dma_wait3A_51] : memref<2x100xi32, #tpu.memory_space<vmem>> -> memref<1x100xi32, #tpu.memory_space<vmem>>
      %dma_wait3A_53 = tpu.memref_squeeze %dma_wait3A_52 : memref<1x100xi32, #tpu.memory_space<vmem>> -> memref<100xi32, #tpu.memory_space<vmem>>
      %dma_wait3A_54 = arith.constant 0 : i32
      %dma_wait3A_55 = arith.constant 0 : i32
      %dma_wait3A_56 = tpu.memref_slice %arg10[%dma_wait3A_54, %dma_wait3A_55] : memref<10000x128xf32, #tpu.memory_space<vmem_shared>> -> memref<10000x128xf32, #tpu.memory_space<vmem_shared>>
      tpu.wait_indirect_dma semaphore(%run_scoped3A_44 : memref<!tpu.dma_semaphore, #tpu.memory_space<semaphore_mem>>) src(%arg9 : memref<100x128xf32, #tpu.memory_space<vmem>>) dst(%dma_wait3A_56 : memref<10000x128xf32, #tpu.memory_space<vmem_shared>>)
      tpu.yield
    }) : () -> ()
    %barrier3A_38 = arith.constant 0 : index
    tpu.barrier barrier_id(%barrier3A_38)
    "tpu.region"() ({
      %run_scoped3A_44 = tpu.sem_alloc : memref<!tpu.dma_semaphore, #tpu.memory_space<semaphore_mem>>
      %dma_start3A_45 = arith.constant 0 : i32
      %dma_start3A_46 = tpu.memref_slice %arg5[%arg0, %mul3A_2, %dma_start3A_45] : memref<2x10000x128xf32, #tpu.memory_space<hbm>> -> memref<1x624x128xf32, #tpu.memory_space<hbm>>
      %dma_start3A_47 = tpu.memref_squeeze %dma_start3A_46 : memref<1x624x128xf32, #tpu.memory_space<hbm>> -> memref<624x128xf32, #tpu.memory_space<hbm>>
      %dma_start3A_48 = arith.constant 0 : i32
      %dma_start3A_49 = tpu.memref_slice %arg10[%mul3A_2, %dma_start3A_48] : memref<10000x128xf32, #tpu.memory_space<vmem_shared>> -> memref<624x128xf32, #tpu.memory_space<vmem_shared>>
      tpu.enqueue_dma source(%dma_start3A_49 : memref<624x128xf32, #tpu.memory_space<vmem_shared>>) target(%dma_start3A_47 : memref<624x128xf32, #tpu.memory_space<hbm>>) target_semaphore(%run_scoped3A_44 : memref<!tpu.dma_semaphore, #tpu.memory_space<semaphore_mem>>)
      %dma_wait3A_50 = arith.constant 0 : i32
      %dma_wait3A_51 = tpu.memref_slice %arg5[%arg0, %mul3A_2, %dma_wait3A_50] : memref<2x10000x128xf32, #tpu.memory_space<hbm>> -> memref<1x624x128xf32, #tpu.memory_space<hbm>>
      %dma_wait3A_52 = tpu.memref_squeeze %dma_wait3A_51 : memref<1x624x128xf32, #tpu.memory_space<hbm>> -> memref<624x128xf32, #tpu.memory_space<hbm>>
      %dma_wait3A_53 = arith.constant 0 : i32
      %dma_wait3A_54 = tpu.memref_slice %arg10[%mul3A_2, %dma_wait3A_53] : memref<10000x128xf32, #tpu.memory_space<vmem_shared>> -> memref<624x128xf32, #tpu.memory_space<vmem_shared>>
      tpu.wait_dma2 semaphore(%run_scoped3A_44 : memref<!tpu.dma_semaphore, #tpu.memory_space<semaphore_mem>>) src(%dma_wait3A_54 : memref<624x128xf32, #tpu.memory_space<vmem_shared>>) dst(%dma_wait3A_52 : memref<624x128xf32, #tpu.memory_space<hbm>>)
      tpu.yield
    }) : () -> ()
    %eq3A_39 = arith.constant 0 : i32
    %eq3A_40 = arith.cmpi eq, %arg1, %eq3A_39 : i32
    %convert_element_type3A_41 = arith.extui %eq3A_40 : i1 to i32
    %cond3A_42 = arith.constant 0 : i32
    %cond3A_43 = arith.cmpi ne, %convert_element_type3A_41, %cond3A_42 : i32
    scf.if %cond3A_43 {
      "tpu.region"() ({
        %run_scoped3A_44 = tpu.sem_alloc : memref<!tpu.dma_semaphore, #tpu.memory_space<semaphore_mem>>
        %dma_start3A_45 = arith.constant 9984 : i32
        %dma_start3A_46 = arith.constant 0 : i32
        %dma_start3A_47 = tpu.memref_slice %arg5[%arg0, %dma_start3A_45, %dma_start3A_46] : memref<2x10000x128xf32, #tpu.memory_space<hbm>> -> memref<1x16x128xf32, #tpu.memory_space<hbm>>
        %dma_start3A_48 = tpu.memref_squeeze %dma_start3A_47 : memref<1x16x128xf32, #tpu.memory_space<hbm>> -> memref<16x128xf32, #tpu.memory_space<hbm>>
        %dma_start3A_49 = arith.constant 9984 : i32
        %dma_start3A_50 = arith.constant 0 : i32
        %dma_start3A_51 = tpu.memref_slice %arg10[%dma_start3A_49, %dma_start3A_50] : memref<10000x128xf32, #tpu.memory_space<vmem_shared>> -> memref<16x128xf32, #tpu.memory_space<vmem_shared>>
        tpu.enqueue_dma source(%dma_start3A_51 : memref<16x128xf32, #tpu.memory_space<vmem_shared>>) target(%dma_start3A_48 : memref<16x128xf32, #tpu.memory_space<hbm>>) target_semaphore(%run_scoped3A_44 : memref<!tpu.dma_semaphore, #tpu.memory_space<semaphore_mem>>)
        %dma_wait3A_52 = arith.constant 9984 : i32
        %dma_wait3A_53 = arith.constant 0 : i32
        %dma_wait3A_54 = tpu.memref_slice %arg5[%arg0, %dma_wait3A_52, %dma_wait3A_53] : memref<2x10000x128xf32, #tpu.memory_space<hbm>> -> memref<1x16x128xf32, #tpu.memory_space<hbm>>
        %dma_wait3A_55 = tpu.memref_squeeze %dma_wait3A_54 : memref<1x16x128xf32, #tpu.memory_space<hbm>> -> memref<16x128xf32, #tpu.memory_space<hbm>>
        %dma_wait3A_56 = arith.constant 9984 : i32
        %dma_wait3A_57 = arith.constant 0 : i32
        %dma_wait3A_58 = tpu.memref_slice %arg10[%dma_wait3A_56, %dma_wait3A_57] : memref<10000x128xf32, #tpu.memory_space<vmem_shared>> -> memref<16x128xf32, #tpu.memory_space<vmem_shared>>
        tpu.wait_dma2 semaphore(%run_scoped3A_44 : memref<!tpu.dma_semaphore, #tpu.memory_space<semaphore_mem>>) src(%dma_wait3A_58 : memref<16x128xf32, #tpu.memory_space<vmem_shared>>) dst(%dma_wait3A_55 : memref<16x128xf32, #tpu.memory_space<hbm>>)
        tpu.yield
      }) : () -> ()
    } else {
    }
    return
  }
}

module attributes {stable_mosaic.version = 14 : i64} {
  func.func @body(%arg0: i32, %arg1: memref<1000x128xf32, #tpu.memory_space<vmem>>, %arg2: memref<128x128xf32, #tpu.memory_space<vmem>>, %arg3: memref<128x128xf32, #tpu.memory_space<vmem>>, %arg4: memref<1x128xf32, #tpu.memory_space<vmem>>, %arg5: memref<1000x128xf32, #tpu.memory_space<vmem>>, %arg6: memref<1000x128xf32, #tpu.memory_space<vmem>>) attributes {dimension_semantics = [#tpu.dimension_semantics<arbitrary>], iteration_bounds = array<i64: 10>, scalar_prefetch = 0 : i64, scratch_operands = 0 : i64, tpu.core_type = #tpu.core_type<tc>, window_params = [{transform_indices = @transform_0, window_bounds = array<i64: 1000, 128>}, {pipeline_mode = #tpu.pipeline_mode<synchronous>, transform_indices = @transform_1, window_bounds = array<i64: 128, 128>}, {pipeline_mode = #tpu.pipeline_mode<synchronous>, transform_indices = @transform_2, window_bounds = array<i64: 128, 128>}, {pipeline_mode = #tpu.pipeline_mode<synchronous>, transform_indices = @transform_3, window_bounds = array<i64: 1, 128>}, {transform_indices = @transform_4, window_bounds = array<i64: 1000, 128>}, {transform_indices = @transform_5, window_bounds = array<i64: 1000, 128>}]} {
    %get3A = arith.constant 0 : index
    %get3A_0 = arith.constant 0 : index
    %get3A_1 = vector.load %arg1[%get3A, %get3A_0] : memref<1000x128xf32, #tpu.memory_space<vmem>>, vector<1000x128xf32>
    %get3A_2 = arith.constant 0 : index
    %get3A_3 = arith.constant 0 : index
    %get3A_4 = vector.load %arg2[%get3A_2, %get3A_3] : memref<128x128xf32, #tpu.memory_space<vmem>>, vector<128x128xf32>
    %dot_general3A = arith.constant dense<0.000000e+00> : vector<1000x128xf32>
    %dot_general3A_5 = tpu.matmul %get3A_1, %get3A_4, %dot_general3A {dimension_numbers = #tpu.dot_dimension_numbers<[1], [1], [0], [0], [0, 0, 1, 0], [], []>, transpose_lhs_hint = false} : vector<1000x128xf32>, vector<128x128xf32>, vector<1000x128xf32> -> vector<1000x128xf32>
    %swap3A = arith.constant 0 : index
    %swap3A_6 = arith.constant 0 : index
    %swap3A_7 = vector.load %arg5[%swap3A, %swap3A_6] : memref<1000x128xf32, #tpu.memory_space<vmem>>, vector<1000x128xf32>
    tpu.vector_store %arg5[%swap3A, %swap3A_6], %dot_general3A_5 {strides = array<i32>} : memref<1000x128xf32, #tpu.memory_space<vmem>>, vector<1000x128xf32>,
    %get3A_8 = arith.constant 0 : index
    %get3A_9 = arith.constant 0 : index
    %get3A_10 = vector.load %arg3[%get3A_8, %get3A_9] : memref<128x128xf32, #tpu.memory_space<vmem>>, vector<128x128xf32>
    %dot_general3A_11 = arith.constant dense<0.000000e+00> : vector<1000x128xf32>
    %dot_general3A_12 = tpu.matmul %get3A_1, %get3A_10, %dot_general3A_11 {dimension_numbers = #tpu.dot_dimension_numbers<[1], [1], [0], [0], [0, 0, 1, 0], [], []>, transpose_lhs_hint = false} : vector<1000x128xf32>, vector<128x128xf32>, vector<1000x128xf32> -> vector<1000x128xf32>
    %get3A_13 = arith.constant 0 : index
    %get3A_14 = arith.constant 0 : index
    %get3A_15 = vector.load %arg4[%get3A_13, %get3A_14] : memref<1x128xf32, #tpu.memory_space<vmem>>, vector<1x128xf32>
    %add3A = vector.broadcast %get3A_15 : vector<1x128xf32> to vector<1000x128xf32>
    %add3A_16 = arith.addf %dot_general3A_12, %add3A : vector<1000x128xf32>
    %swap3A_17 = arith.constant 0 : index
    %swap3A_18 = arith.constant 0 : index
    %swap3A_19 = vector.load %arg6[%swap3A_17, %swap3A_18] : memref<1000x128xf32, #tpu.memory_space<vmem>>, vector<1000x128xf32>
    tpu.vector_store %arg6[%swap3A_17, %swap3A_18], %add3A_16 {strides = array<i32>} : memref<1000x128xf32, #tpu.memory_space<vmem>>, vector<1000x128xf32>,
    return
  }
  func.func @transform_0(%arg0: i32) -> (i32, i32) {
    %c0_i32 = arith.constant 0 : i32
    %c0_i32_0 = arith.constant 0 : i32
    return %arg0, %c0_i32 : i32, i32
  }
  func.func @transform_1(%arg0: i32) -> (i32, i32) {
    %c0_i32 = arith.constant 0 : i32
    %c0_i32_0 = arith.constant 0 : i32
    %c0_i32_1 = arith.constant 0 : i32
    return %c0_i32, %c0_i32_0 : i32, i32
  }
  func.func @transform_2(%arg0: i32) -> (i32, i32) {
    %c0_i32 = arith.constant 0 : i32
    %c0_i32_0 = arith.constant 0 : i32
    %c0_i32_1 = arith.constant 0 : i32
    return %c0_i32, %c0_i32_0 : i32, i32
  }
  func.func @transform_3(%arg0: i32) -> (i32, i32) {
    %c0_i32 = arith.constant 0 : i32
    %c0_i32_0 = arith.constant 0 : i32
    %c0_i32_1 = arith.constant 0 : i32
    return %c0_i32, %c0_i32_0 : i32, i32
  }
  func.func @transform_4(%arg0: i32) -> (i32, i32) {
    %c0_i32 = arith.constant 0 : i32
    %c0_i32_0 = arith.constant 0 : i32
    return %arg0, %c0_i32 : i32, i32
  }
  func.func @transform_5(%arg0: i32) -> (i32, i32) {
    %c0_i32 = arith.constant 0 : i32
    %c0_i32_0 = arith.constant 0 : i32
    return %arg0, %c0_i32 : i32, i32
  }
}

module attributes {stable_mosaic.version = 14 : i64} {
  func.func @body(%arg0: i32, %arg1: memref<1000x128xf32, #tpu.memory_space<vmem>>, %arg2: memref<2x1000x128xf32, #tpu.memory_space<vmem>>, %arg3: memref<1000x128xf32, #tpu.memory_space<vmem>>, %arg4: memref<1000x1xf32, #tpu.memory_space<vmem>>) attributes {dimension_semantics = [#tpu.dimension_semantics<arbitrary>], iteration_bounds = array<i64: 10>, scalar_prefetch = 0 : i64, scratch_operands = 0 : i64, tpu.core_type = #tpu.core_type<tc>, window_params = [{transform_indices = @transform_0, window_bounds = array<i64: 1000, 128>}, {transform_indices = @transform_1, window_bounds = array<i64: 2, 1000, 128>}, {transform_indices = @transform_2, window_bounds = array<i64: 1000, 128>}, {transform_indices = @transform_3, window_bounds = array<i64: 1000, 1>}]} {
    %get3A = arith.constant 0 : index
    %get3A_0 = arith.constant 0 : index
    %get3A_1 = arith.constant 0 : index
    %get3A_2 = vector.load %arg2[%get3A, %get3A_0, %get3A_1] : memref<2x1000x128xf32, #tpu.memory_space<vmem>>, vector<1x1000x128xf32>
    %get3A_3 = vector.shape_cast %get3A_2 : vector<1x1000x128xf32> to vector<1000x128xf32>
    %slice3A = vector.extract_strided_slice %get3A_3 {offsets = [0, 0], sizes = [1000, 1], strides = [1, 1]} : vector<1000x128xf32> to vector<1000x1xf32>
    %get3A_4 = arith.constant 1 : index
    %get3A_5 = arith.constant 0 : index
    %get3A_6 = arith.constant 0 : index
    %get3A_7 = vector.load %arg2[%get3A_4, %get3A_5, %get3A_6] : memref<2x1000x128xf32, #tpu.memory_space<vmem>>, vector<1x1000x128xf32>
    %get3A_8 = vector.shape_cast %get3A_7 : vector<1x1000x128xf32> to vector<1000x128xf32>
    %slice3A_9 = vector.extract_strided_slice %get3A_8 {offsets = [0, 0], sizes = [1000, 1], strides = [1, 1]} : vector<1000x128xf32> to vector<1000x1xf32>
    %add3A = arith.addf %slice3A, %slice3A_9 : vector<1000x1xf32>
    %add3A_10 = arith.constant 1.000000e+00 : f32
    %add3A_11 = vector.broadcast %add3A_10 : f32 to vector<1000x1xf32>
    %add3A_12 = arith.addf %add3A, %add3A_11 : vector<1000x1xf32>
    %rsqrt3A = math.rsqrt %add3A_12 : vector<1000x1xf32>
    %swap3A = arith.constant 0 : index
    %swap3A_13 = arith.constant 0 : index
    %swap3A_14 = vector.load %arg4[%swap3A, %swap3A_13] : memref<1000x1xf32, #tpu.memory_space<vmem>>, vector<1000x1xf32>
    tpu.vector_store %arg4[%swap3A, %swap3A_13], %rsqrt3A {strides = array<i32>} : memref<1000x1xf32, #tpu.memory_space<vmem>>, vector<1000x1xf32>,
    %get3A_15 = arith.constant 0 : index
    %get3A_16 = arith.constant 0 : index
    %get3A_17 = vector.load %arg1[%get3A_15, %get3A_16] : memref<1000x128xf32, #tpu.memory_space<vmem>>, vector<1000x128xf32>
    %mul3A = vector.broadcast %rsqrt3A : vector<1000x1xf32> to vector<1000x128xf32>
    %mul3A_18 = arith.mulf %get3A_17, %mul3A : vector<1000x128xf32>
    %swap3A_19 = arith.constant 0 : index
    %swap3A_20 = arith.constant 0 : index
    %swap3A_21 = vector.load %arg3[%swap3A_19, %swap3A_20] : memref<1000x128xf32, #tpu.memory_space<vmem>>, vector<1000x128xf32>
    tpu.vector_store %arg3[%swap3A_19, %swap3A_20], %mul3A_18 {strides = array<i32>} : memref<1000x128xf32, #tpu.memory_space<vmem>>, vector<1000x128xf32>,
    return
  }
  func.func @transform_0(%arg0: i32) -> (i32, i32) {
    %c0_i32 = arith.constant 0 : i32
    %c0_i32_0 = arith.constant 0 : i32
    return %arg0, %c0_i32 : i32, i32
  }
  func.func @transform_1(%arg0: i32) -> (i32, i32, i32) {
    %c0_i32 = arith.constant 0 : i32
    %c0_i32_0 = arith.constant 0 : i32
    %c0_i32_1 = arith.constant 0 : i32
    return %c0_i32, %arg0, %c0_i32_0 : i32, i32, i32
  }
  func.func @transform_2(%arg0: i32) -> (i32, i32) {
    %c0_i32 = arith.constant 0 : i32
    %c0_i32_0 = arith.constant 0 : i32
    return %arg0, %c0_i32 : i32, i32
  }
  func.func @transform_3(%arg0: i32) -> (i32, i32) {
    %c0_i32 = arith.constant 0 : i32
    %c0_i32_0 = arith.constant 0 : i32
    return %arg0, %c0_i32 : i32, i32
  }
}

module attributes {stable_mosaic.version = 14 : i64} {
  func.func @body(%arg0: i32, %arg1: memref<2x1000x128xf32, #tpu.memory_space<vmem>>, %arg2: memref<1000x128xf32, #tpu.memory_space<vmem>>, %arg3: memref<1000x1xf32, #tpu.memory_space<vmem>>, %arg4: memref<1000x128xf32, #tpu.memory_space<vmem>>, %arg5: memref<1x128xf32, #tpu.memory_space<vmem>>, %arg6: memref<128x128xf32, #tpu.memory_space<vmem>>, %arg7: memref<128x128xf32, #tpu.memory_space<vmem>>, %arg8: memref<1x128xf32, #tpu.memory_space<vmem>>, %arg9: memref<1000x128xf32, #tpu.memory_space<vmem>>, %arg10: memref<1000x128xf32, #tpu.memory_space<vmem>>) attributes {dimension_semantics = [#tpu.dimension_semantics<arbitrary>], iteration_bounds = array<i64: 10>, scalar_prefetch = 0 : i64, scratch_operands = 0 : i64, tpu.core_type = #tpu.core_type<tc>, window_params = [{transform_indices = @transform_0, window_bounds = array<i64: 2, 1000, 128>}, {transform_indices = @transform_1, window_bounds = array<i64: 1000, 128>}, {transform_indices = @transform_2, window_bounds = array<i64: 1000, 1>}, {transform_indices = @transform_3, window_bounds = array<i64: 1000, 128>}, {pipeline_mode = #tpu.pipeline_mode<synchronous>, transform_indices = @transform_4, window_bounds = array<i64: 1, 128>}, {pipeline_mode = #tpu.pipeline_mode<synchronous>, transform_indices = @transform_5, window_bounds = array<i64: 128, 128>}, {pipeline_mode = #tpu.pipeline_mode<synchronous>, transform_indices = @transform_6, window_bounds = array<i64: 128, 128>}, {pipeline_mode = #tpu.pipeline_mode<synchronous>, transform_indices = @transform_7, window_bounds = array<i64: 1, 128>}, {transform_indices = @transform_8, window_bounds = array<i64: 1000, 128>}, {transform_indices = @transform_9, window_bounds = array<i64: 1000, 128>}]} {
    %get3A = arith.constant 0 : index
    %get3A_0 = arith.constant 0 : index
    %get3A_1 = vector.load %arg3[%get3A, %get3A_0] : memref<1000x1xf32, #tpu.memory_space<vmem>>, vector<1000x1xf32>
    %get3A_2 = arith.constant 0 : index
    %get3A_3 = arith.constant 0 : index
    %get3A_4 = arith.constant 0 : index
    %get3A_5 = vector.load %arg1[%get3A_2, %get3A_3, %get3A_4] : memref<2x1000x128xf32, #tpu.memory_space<vmem>>, vector<1x1000x128xf32>
    %get3A_6 = vector.shape_cast %get3A_5 : vector<1x1000x128xf32> to vector<1000x128xf32>
    %get3A_7 = arith.constant 1 : index
    %get3A_8 = arith.constant 0 : index
    %get3A_9 = arith.constant 0 : index
    %get3A_10 = vector.load %arg1[%get3A_7, %get3A_8, %get3A_9] : memref<2x1000x128xf32, #tpu.memory_space<vmem>>, vector<1x1000x128xf32>
    %get3A_11 = vector.shape_cast %get3A_10 : vector<1x1000x128xf32> to vector<1000x128xf32>
    %add3A = arith.addf %get3A_6, %get3A_11 : vector<1000x128xf32>
    %get3A_12 = arith.constant 0 : index
    %get3A_13 = arith.constant 0 : index
    %get3A_14 = vector.load %arg2[%get3A_12, %get3A_13] : memref<1000x128xf32, #tpu.memory_space<vmem>>, vector<1000x128xf32>
    %add3A_15 = arith.addf %add3A, %get3A_14 : vector<1000x128xf32>
    %mul3A = vector.broadcast %get3A_1 : vector<1000x1xf32> to vector<1000x128xf32>
    %mul3A_16 = arith.mulf %add3A_15, %mul3A : vector<1000x128xf32>
    %get3A_17 = arith.constant 0 : index
    %get3A_18 = arith.constant 0 : index
    %get3A_19 = vector.load %arg5[%get3A_17, %get3A_18] : memref<1x128xf32, #tpu.memory_space<vmem>>, vector<1x128xf32>
    %add3A_20 = vector.broadcast %get3A_19 : vector<1x128xf32> to vector<1000x128xf32>
    %add3A_21 = arith.addf %mul3A_16, %add3A_20 : vector<1000x128xf32>
    %get3A_22 = arith.constant 0 : index
    %get3A_23 = arith.constant 0 : index
    %get3A_24 = vector.load %arg4[%get3A_22, %get3A_23] : memref<1000x128xf32, #tpu.memory_space<vmem>>, vector<1000x128xf32>
    %add3A_25 = arith.addf %add3A_21, %get3A_24 : vector<1000x128xf32>
    %max3A = arith.constant 0.000000e+00 : f32
    %max3A_26 = vector.broadcast %max3A : f32 to vector<1000x128xf32>
    %max3A_27 = arith.maximumf %add3A_25, %max3A_26 : vector<1000x128xf32>
    %get3A_28 = arith.constant 0 : index
    %get3A_29 = arith.constant 0 : index
    %get3A_30 = vector.load %arg6[%get3A_28, %get3A_29] : memref<128x128xf32, #tpu.memory_space<vmem>>, vector<128x128xf32>
    %dot_general3A = arith.constant dense<0.000000e+00> : vector<1000x128xf32>
    %dot_general3A_31 = tpu.matmul %max3A_27, %get3A_30, %dot_general3A {dimension_numbers = #tpu.dot_dimension_numbers<[1], [1], [0], [0], [0, 0, 1, 0], [], []>, transpose_lhs_hint = false} : vector<1000x128xf32>, vector<128x128xf32>, vector<1000x128xf32> -> vector<1000x128xf32>
    %mul3A_32 = vector.broadcast %get3A_1 : vector<1000x1xf32> to vector<1000x128xf32>
    %mul3A_33 = arith.mulf %dot_general3A_31, %mul3A_32 : vector<1000x128xf32>
    %swap3A = arith.constant 0 : index
    %swap3A_34 = arith.constant 0 : index
    %swap3A_35 = vector.load %arg9[%swap3A, %swap3A_34] : memref<1000x128xf32, #tpu.memory_space<vmem>>, vector<1000x128xf32>
    tpu.vector_store %arg9[%swap3A, %swap3A_34], %mul3A_33 {strides = array<i32>} : memref<1000x128xf32, #tpu.memory_space<vmem>>, vector<1000x128xf32>,
    %get3A_36 = arith.constant 0 : index
    %get3A_37 = arith.constant 0 : index
    %get3A_38 = vector.load %arg7[%get3A_36, %get3A_37] : memref<128x128xf32, #tpu.memory_space<vmem>>, vector<128x128xf32>
    %dot_general3A_39 = arith.constant dense<0.000000e+00> : vector<1000x128xf32>
    %dot_general3A_40 = tpu.matmul %max3A_27, %get3A_38, %dot_general3A_39 {dimension_numbers = #tpu.dot_dimension_numbers<[1], [1], [0], [0], [0, 0, 1, 0], [], []>, transpose_lhs_hint = false} : vector<1000x128xf32>, vector<128x128xf32>, vector<1000x128xf32> -> vector<1000x128xf32>
    %get3A_41 = arith.constant 0 : index
    %get3A_42 = arith.constant 0 : index
    %get3A_43 = vector.load %arg8[%get3A_41, %get3A_42] : memref<1x128xf32, #tpu.memory_space<vmem>>, vector<1x128xf32>
    %add3A_44 = vector.broadcast %get3A_43 : vector<1x128xf32> to vector<1000x128xf32>
    %add3A_45 = arith.addf %dot_general3A_40, %add3A_44 : vector<1000x128xf32>
    %swap3A_46 = arith.constant 0 : index
    %swap3A_47 = arith.constant 0 : index
    %swap3A_48 = vector.load %arg10[%swap3A_46, %swap3A_47] : memref<1000x128xf32, #tpu.memory_space<vmem>>, vector<1000x128xf32>
    tpu.vector_store %arg10[%swap3A_46, %swap3A_47], %add3A_45 {strides = array<i32>} : memref<1000x128xf32, #tpu.memory_space<vmem>>, vector<1000x128xf32>,
    return
  }
  func.func @transform_0(%arg0: i32) -> (i32, i32, i32) {
    %c0_i32 = arith.constant 0 : i32
    %c0_i32_0 = arith.constant 0 : i32
    %c0_i32_1 = arith.constant 0 : i32
    return %c0_i32, %arg0, %c0_i32_0 : i32, i32, i32
  }
  func.func @transform_1(%arg0: i32) -> (i32, i32) {
    %c0_i32 = arith.constant 0 : i32
    %c0_i32_0 = arith.constant 0 : i32
    return %arg0, %c0_i32 : i32, i32
  }
  func.func @transform_2(%arg0: i32) -> (i32, i32) {
    %c0_i32 = arith.constant 0 : i32
    %c0_i32_0 = arith.constant 0 : i32
    return %arg0, %c0_i32 : i32, i32
  }
  func.func @transform_3(%arg0: i32) -> (i32, i32) {
    %c0_i32 = arith.constant 0 : i32
    %c0_i32_0 = arith.constant 0 : i32
    return %arg0, %c0_i32 : i32, i32
  }
  func.func @transform_4(%arg0: i32) -> (i32, i32) {
    %c0_i32 = arith.constant 0 : i32
    %c0_i32_0 = arith.constant 0 : i32
    %c0_i32_1 = arith.constant 0 : i32
    return %c0_i32, %c0_i32_0 : i32, i32
  }
  func.func @transform_5(%arg0: i32) -> (i32, i32) {
    %c0_i32 = arith.constant 0 : i32
    %c0_i32_0 = arith.constant 0 : i32
    %c0_i32_1 = arith.constant 0 : i32
    return %c0_i32, %c0_i32_0 : i32, i32
  }
  func.func @transform_6(%arg0: i32) -> (i32, i32) {
    %c0_i32 = arith.constant 0 : i32
    %c0_i32_0 = arith.constant 0 : i32
    %c0_i32_1 = arith.constant 0 : i32
    return %c0_i32, %c0_i32_0 : i32, i32
  }
  func.func @transform_7(%arg0: i32) -> (i32, i32) {
    %c0_i32 = arith.constant 0 : i32
    %c0_i32_0 = arith.constant 0 : i32
    %c0_i32_1 = arith.constant 0 : i32
    return %c0_i32, %c0_i32_0 : i32, i32
  }
  func.func @transform_8(%arg0: i32) -> (i32, i32) {
    %c0_i32 = arith.constant 0 : i32
    %c0_i32_0 = arith.constant 0 : i32
    return %arg0, %c0_i32 : i32, i32
  }
  func.func @transform_9(%arg0: i32) -> (i32, i32) {
    %c0_i32 = arith.constant 0 : i32
    %c0_i32_0 = arith.constant 0 : i32
    return %arg0, %c0_i32 : i32, i32
  }
}

module attributes {stable_mosaic.version = 14 : i64} {
  func.func @body(%arg0: i32, %arg1: memref<2x1000x128xf32, #tpu.memory_space<vmem>>, %arg2: memref<1000x128xf32, #tpu.memory_space<vmem>>, %arg3: memref<1000x1xf32, #tpu.memory_space<vmem>>, %arg4: memref<1000x128xf32, #tpu.memory_space<vmem>>, %arg5: memref<1x128xf32, #tpu.memory_space<vmem>>, %arg6: memref<128x128xf32, #tpu.memory_space<vmem>>, %arg7: memref<64x128xf32, #tpu.memory_space<vmem>>, %arg8: memref<1x64xf32, #tpu.memory_space<vmem>>, %arg9: memref<1000x128xf32, #tpu.memory_space<vmem>>, %arg10: memref<1000x64xf32, #tpu.memory_space<vmem>>) attributes {dimension_semantics = [#tpu.dimension_semantics<arbitrary>], iteration_bounds = array<i64: 10>, scalar_prefetch = 0 : i64, scratch_operands = 0 : i64, tpu.core_type = #tpu.core_type<tc>, window_params = [{transform_indices = @transform_0, window_bounds = array<i64: 2, 1000, 128>}, {transform_indices = @transform_1, window_bounds = array<i64: 1000, 128>}, {transform_indices = @transform_2, window_bounds = array<i64: 1000, 1>}, {transform_indices = @transform_3, window_bounds = array<i64: 1000, 128>}, {pipeline_mode = #tpu.pipeline_mode<synchronous>, transform_indices = @transform_4, window_bounds = array<i64: 1, 128>}, {pipeline_mode = #tpu.pipeline_mode<synchronous>, transform_indices = @transform_5, window_bounds = array<i64: 128, 128>}, {pipeline_mode = #tpu.pipeline_mode<synchronous>, transform_indices = @transform_6, window_bounds = array<i64: 64, 128>}, {pipeline_mode = #tpu.pipeline_mode<synchronous>, transform_indices = @transform_7, window_bounds = array<i64: 1, 64>}, {transform_indices = @transform_8, window_bounds = array<i64: 1000, 128>}, {transform_indices = @transform_9, window_bounds = array<i64: 1000, 64>}]} {
    %get3A = arith.constant 0 : index
    %get3A_0 = arith.constant 0 : index
    %get3A_1 = vector.load %arg3[%get3A, %get3A_0] : memref<1000x1xf32, #tpu.memory_space<vmem>>, vector<1000x1xf32>
    %get3A_2 = arith.constant 0 : index
    %get3A_3 = arith.constant 0 : index
    %get3A_4 = arith.constant 0 : index
    %get3A_5 = vector.load %arg1[%get3A_2, %get3A_3, %get3A_4] : memref<2x1000x128xf32, #tpu.memory_space<vmem>>, vector<1x1000x128xf32>
    %get3A_6 = vector.shape_cast %get3A_5 : vector<1x1000x128xf32> to vector<1000x128xf32>
    %get3A_7 = arith.constant 1 : index
    %get3A_8 = arith.constant 0 : index
    %get3A_9 = arith.constant 0 : index
    %get3A_10 = vector.load %arg1[%get3A_7, %get3A_8, %get3A_9] : memref<2x1000x128xf32, #tpu.memory_space<vmem>>, vector<1x1000x128xf32>
    %get3A_11 = vector.shape_cast %get3A_10 : vector<1x1000x128xf32> to vector<1000x128xf32>
    %add3A = arith.addf %get3A_6, %get3A_11 : vector<1000x128xf32>
    %get3A_12 = arith.constant 0 : index
    %get3A_13 = arith.constant 0 : index
    %get3A_14 = vector.load %arg2[%get3A_12, %get3A_13] : memref<1000x128xf32, #tpu.memory_space<vmem>>, vector<1000x128xf32>
    %add3A_15 = arith.addf %add3A, %get3A_14 : vector<1000x128xf32>
    %mul3A = vector.broadcast %get3A_1 : vector<1000x1xf32> to vector<1000x128xf32>
    %mul3A_16 = arith.mulf %add3A_15, %mul3A : vector<1000x128xf32>
    %get3A_17 = arith.constant 0 : index
    %get3A_18 = arith.constant 0 : index
    %get3A_19 = vector.load %arg5[%get3A_17, %get3A_18] : memref<1x128xf32, #tpu.memory_space<vmem>>, vector<1x128xf32>
    %add3A_20 = vector.broadcast %get3A_19 : vector<1x128xf32> to vector<1000x128xf32>
    %add3A_21 = arith.addf %mul3A_16, %add3A_20 : vector<1000x128xf32>
    %get3A_22 = arith.constant 0 : index
    %get3A_23 = arith.constant 0 : index
    %get3A_24 = vector.load %arg4[%get3A_22, %get3A_23] : memref<1000x128xf32, #tpu.memory_space<vmem>>, vector<1000x128xf32>
    %add3A_25 = arith.addf %add3A_21, %get3A_24 : vector<1000x128xf32>
    %max3A = arith.constant 0.000000e+00 : f32
    %max3A_26 = vector.broadcast %max3A : f32 to vector<1000x128xf32>
    %max3A_27 = arith.maximumf %add3A_25, %max3A_26 : vector<1000x128xf32>
    %get3A_28 = arith.constant 0 : index
    %get3A_29 = arith.constant 0 : index
    %get3A_30 = vector.load %arg6[%get3A_28, %get3A_29] : memref<128x128xf32, #tpu.memory_space<vmem>>, vector<128x128xf32>
    %dot_general3A = arith.constant dense<0.000000e+00> : vector<1000x128xf32>
    %dot_general3A_31 = tpu.matmul %max3A_27, %get3A_30, %dot_general3A {dimension_numbers = #tpu.dot_dimension_numbers<[1], [1], [0], [0], [0, 0, 1, 0], [], []>, transpose_lhs_hint = false} : vector<1000x128xf32>, vector<128x128xf32>, vector<1000x128xf32> -> vector<1000x128xf32>
    %mul3A_32 = vector.broadcast %get3A_1 : vector<1000x1xf32> to vector<1000x128xf32>
    %mul3A_33 = arith.mulf %dot_general3A_31, %mul3A_32 : vector<1000x128xf32>
    %swap3A = arith.constant 0 : index
    %swap3A_34 = arith.constant 0 : index
    %swap3A_35 = vector.load %arg9[%swap3A, %swap3A_34] : memref<1000x128xf32, #tpu.memory_space<vmem>>, vector<1000x128xf32>
    tpu.vector_store %arg9[%swap3A, %swap3A_34], %mul3A_33 {strides = array<i32>} : memref<1000x128xf32, #tpu.memory_space<vmem>>, vector<1000x128xf32>,
    %get3A_36 = arith.constant 0 : index
    %get3A_37 = arith.constant 0 : index
    %get3A_38 = vector.load %arg7[%get3A_36, %get3A_37] : memref<64x128xf32, #tpu.memory_space<vmem>>, vector<64x128xf32>
    %dot_general3A_39 = arith.constant dense<0.000000e+00> : vector<1000x64xf32>
    %dot_general3A_40 = tpu.matmul %max3A_27, %get3A_38, %dot_general3A_39 {dimension_numbers = #tpu.dot_dimension_numbers<[1], [1], [0], [0], [0, 0, 1, 0], [], []>, transpose_lhs_hint = false} : vector<1000x128xf32>, vector<64x128xf32>, vector<1000x64xf32> -> vector<1000x64xf32>
    %get3A_41 = arith.constant 0 : index
    %get3A_42 = arith.constant 0 : index
    %get3A_43 = vector.load %arg8[%get3A_41, %get3A_42] : memref<1x64xf32, #tpu.memory_space<vmem>>, vector<1x64xf32>
    %add3A_44 = vector.broadcast %get3A_43 : vector<1x64xf32> to vector<1000x64xf32>
    %add3A_45 = arith.addf %dot_general3A_40, %add3A_44 : vector<1000x64xf32>
    %swap3A_46 = arith.constant 0 : index
    %swap3A_47 = arith.constant 0 : index
    %swap3A_48 = vector.load %arg10[%swap3A_46, %swap3A_47] : memref<1000x64xf32, #tpu.memory_space<vmem>>, vector<1000x64xf32>
    tpu.vector_store %arg10[%swap3A_46, %swap3A_47], %add3A_45 {strides = array<i32>} : memref<1000x64xf32, #tpu.memory_space<vmem>>, vector<1000x64xf32>,
    return
  }
  func.func @transform_0(%arg0: i32) -> (i32, i32, i32) {
    %c0_i32 = arith.constant 0 : i32
    %c0_i32_0 = arith.constant 0 : i32
    %c0_i32_1 = arith.constant 0 : i32
    return %c0_i32, %arg0, %c0_i32_0 : i32, i32, i32
  }
  func.func @transform_1(%arg0: i32) -> (i32, i32) {
    %c0_i32 = arith.constant 0 : i32
    %c0_i32_0 = arith.constant 0 : i32
    return %arg0, %c0_i32 : i32, i32
  }
  func.func @transform_2(%arg0: i32) -> (i32, i32) {
    %c0_i32 = arith.constant 0 : i32
    %c0_i32_0 = arith.constant 0 : i32
    return %arg0, %c0_i32 : i32, i32
  }
  func.func @transform_3(%arg0: i32) -> (i32, i32) {
    %c0_i32 = arith.constant 0 : i32
    %c0_i32_0 = arith.constant 0 : i32
    return %arg0, %c0_i32 : i32, i32
  }
  func.func @transform_4(%arg0: i32) -> (i32, i32) {
    %c0_i32 = arith.constant 0 : i32
    %c0_i32_0 = arith.constant 0 : i32
    %c0_i32_1 = arith.constant 0 : i32
    return %c0_i32, %c0_i32_0 : i32, i32
  }
  func.func @transform_5(%arg0: i32) -> (i32, i32) {
    %c0_i32 = arith.constant 0 : i32
    %c0_i32_0 = arith.constant 0 : i32
    %c0_i32_1 = arith.constant 0 : i32
    return %c0_i32, %c0_i32_0 : i32, i32
  }
  func.func @transform_6(%arg0: i32) -> (i32, i32) {
    %c0_i32 = arith.constant 0 : i32
    %c0_i32_0 = arith.constant 0 : i32
    %c0_i32_1 = arith.constant 0 : i32
    return %c0_i32, %c0_i32_0 : i32, i32
  }
  func.func @transform_7(%arg0: i32) -> (i32, i32) {
    %c0_i32 = arith.constant 0 : i32
    %c0_i32_0 = arith.constant 0 : i32
    %c0_i32_1 = arith.constant 0 : i32
    return %c0_i32, %c0_i32_0 : i32, i32
  }
  func.func @transform_8(%arg0: i32) -> (i32, i32) {
    %c0_i32 = arith.constant 0 : i32
    %c0_i32_0 = arith.constant 0 : i32
    return %arg0, %c0_i32 : i32, i32
  }
  func.func @transform_9(%arg0: i32) -> (i32, i32) {
    %c0_i32 = arith.constant 0 : i32
    %c0_i32_0 = arith.constant 0 : i32
    return %arg0, %c0_i32 : i32, i32
  }
}

module attributes {stable_mosaic.version = 14 : i64} {
  func.func @body(%arg0: i32, %arg1: memref<2x1000x128xf32, #tpu.memory_space<vmem>>, %arg2: memref<1000x128xf32, #tpu.memory_space<vmem>>, %arg3: memref<1000x1xf32, #tpu.memory_space<vmem>>, %arg4: memref<1000x64xf32, #tpu.memory_space<vmem>>, %arg5: memref<1x64xf32, #tpu.memory_space<vmem>>, %arg6: memref<128x64xf32, #tpu.memory_space<vmem>>, %arg7: memref<1x128xf32, #tpu.memory_space<vmem>>, %arg8: memref<128x128xf32, #tpu.memory_space<vmem>>, %arg9: memref<1x128xf32, #tpu.memory_space<vmem>>, %arg10: memref<128x128xf32, #tpu.memory_space<vmem>>, %arg11: memref<1x128xf32, #tpu.memory_space<vmem>>, %arg12: memref<1000x128xf32, #tpu.memory_space<vmem>>) attributes {dimension_semantics = [#tpu.dimension_semantics<arbitrary>], iteration_bounds = array<i64: 10>, scalar_prefetch = 0 : i64, scratch_operands = 0 : i64, tpu.core_type = #tpu.core_type<tc>, window_params = [{transform_indices = @transform_0, window_bounds = array<i64: 2, 1000, 128>}, {transform_indices = @transform_1, window_bounds = array<i64: 1000, 128>}, {transform_indices = @transform_2, window_bounds = array<i64: 1000, 1>}, {transform_indices = @transform_3, window_bounds = array<i64: 1000, 64>}, {pipeline_mode = #tpu.pipeline_mode<synchronous>, transform_indices = @transform_4, window_bounds = array<i64: 1, 64>}, {pipeline_mode = #tpu.pipeline_mode<synchronous>, transform_indices = @transform_5, window_bounds = array<i64: 128, 64>}, {pipeline_mode = #tpu.pipeline_mode<synchronous>, transform_indices = @transform_6, window_bounds = array<i64: 1, 128>}, {pipeline_mode = #tpu.pipeline_mode<synchronous>, transform_indices = @transform_7, window_bounds = array<i64: 128, 128>}, {pipeline_mode = #tpu.pipeline_mode<synchronous>, transform_indices = @transform_8, window_bounds = array<i64: 1, 128>}, {pipeline_mode = #tpu.pipeline_mode<synchronous>, transform_indices = @transform_9, window_bounds = array<i64: 128, 128>}, {pipeline_mode = #tpu.pipeline_mode<synchronous>, transform_indices = @transform_10, window_bounds = array<i64: 1, 128>}, {transform_indices = @transform_11, window_bounds = array<i64: 1000, 128>}]} {
    %get3A = arith.constant 0 : index
    %get3A_0 = arith.constant 0 : index
    %get3A_1 = arith.constant 0 : index
    %get3A_2 = vector.load %arg1[%get3A, %get3A_0, %get3A_1] : memref<2x1000x128xf32, #tpu.memory_space<vmem>>, vector<1x1000x128xf32>
    %get3A_3 = vector.shape_cast %get3A_2 : vector<1x1000x128xf32> to vector<1000x128xf32>
    %slice3A = vector.extract_strided_slice %get3A_3 {offsets = [0, 0], sizes = [1000, 64], strides = [1, 1]} : vector<1000x128xf32> to vector<1000x64xf32>
    %get3A_4 = arith.constant 1 : index
    %get3A_5 = arith.constant 0 : index
    %get3A_6 = arith.constant 0 : index
    %get3A_7 = vector.load %arg1[%get3A_4, %get3A_5, %get3A_6] : memref<2x1000x128xf32, #tpu.memory_space<vmem>>, vector<1x1000x128xf32>
    %get3A_8 = vector.shape_cast %get3A_7 : vector<1x1000x128xf32> to vector<1000x128xf32>
    %slice3A_9 = vector.extract_strided_slice %get3A_8 {offsets = [0, 0], sizes = [1000, 64], strides = [1, 1]} : vector<1000x128xf32> to vector<1000x64xf32>
    %add3A = arith.addf %slice3A, %slice3A_9 : vector<1000x64xf32>
    %get3A_10 = arith.constant 0 : index
    %get3A_11 = arith.constant 0 : index
    %get3A_12 = vector.load %arg2[%get3A_10, %get3A_11] : memref<1000x128xf32, #tpu.memory_space<vmem>>, vector<1000x64xf32>
    %add3A_13 = arith.addf %add3A, %get3A_12 : vector<1000x64xf32>
    %get3A_14 = arith.constant 0 : index
    %get3A_15 = arith.constant 0 : index
    %get3A_16 = vector.load %arg3[%get3A_14, %get3A_15] : memref<1000x1xf32, #tpu.memory_space<vmem>>, vector<1000x1xf32>
    %mul3A = vector.broadcast %get3A_16 : vector<1000x1xf32> to vector<1000x64xf32>
    %mul3A_17 = arith.mulf %add3A_13, %mul3A : vector<1000x64xf32>
    %get3A_18 = arith.constant 0 : index
    %get3A_19 = arith.constant 0 : index
    %get3A_20 = vector.load %arg5[%get3A_18, %get3A_19] : memref<1x64xf32, #tpu.memory_space<vmem>>, vector<1x64xf32>
    %add3A_21 = vector.broadcast %get3A_20 : vector<1x64xf32> to vector<1000x64xf32>
    %add3A_22 = arith.addf %mul3A_17, %add3A_21 : vector<1000x64xf32>
    %get3A_23 = arith.constant 0 : index
    %get3A_24 = arith.constant 0 : index
    %get3A_25 = vector.load %arg4[%get3A_23, %get3A_24] : memref<1000x64xf32, #tpu.memory_space<vmem>>, vector<1000x64xf32>
    %add3A_26 = arith.addf %add3A_22, %get3A_25 : vector<1000x64xf32>
    %reduce_max3A = arith.constant dense<0xFF800000> : vector<1000xf32>
    %reduce_max3A_27 = vector.multi_reduction <maximumf>, %add3A_26, %reduce_max3A [1] : vector<1000x64xf32> to vector<1000xf32>
    %broadcast_in_dim3A = vector.shape_cast %reduce_max3A_27 : vector<1000xf32> to vector<1000x1xf32>
    %sub3A = vector.broadcast %broadcast_in_dim3A : vector<1000x1xf32> to vector<1000x64xf32>
    %sub3A_28 = arith.subf %add3A_26, %sub3A : vector<1000x64xf32>
    %exp3A = math.exp %sub3A_28 : vector<1000x64xf32>
    %sub3A_29 = vector.broadcast %broadcast_in_dim3A : vector<1000x1xf32> to vector<1000x64xf32>
    %sub3A_30 = arith.subf %add3A_26, %sub3A_29 : vector<1000x64xf32>
    %reduce_sum3A = arith.constant dense<0.000000e+00> : vector<1000xf32>
    %reduce_sum3A_31 = vector.multi_reduction <add>, %exp3A, %reduce_sum3A [1] : vector<1000x64xf32> to vector<1000xf32>
    %broadcast_in_dim3A_32 = vector.shape_cast %reduce_sum3A_31 : vector<1000xf32> to vector<1000x1xf32>
    %log3A = math.log %broadcast_in_dim3A_32 : vector<1000x1xf32>
    %sub3A_33 = vector.broadcast %log3A : vector<1000x1xf32> to vector<1000x64xf32>
    %sub3A_34 = arith.subf %sub3A_30, %sub3A_33 : vector<1000x64xf32>
    %get3A_35 = arith.constant 0 : index
    %get3A_36 = arith.constant 0 : index
    %get3A_37 = vector.load %arg6[%get3A_35, %get3A_36] : memref<128x64xf32, #tpu.memory_space<vmem>>, vector<128x64xf32>
    %dot_general3A = arith.constant dense<0.000000e+00> : vector<1000x128xf32>
    %dot_general3A_38 = tpu.matmul %sub3A_34, %get3A_37, %dot_general3A {dimension_numbers = #tpu.dot_dimension_numbers<[1], [1], [0], [0], [0, 0, 1, 0], [], []>, transpose_lhs_hint = false} : vector<1000x64xf32>, vector<128x64xf32>, vector<1000x128xf32> -> vector<1000x128xf32>
    %get3A_39 = arith.constant 0 : index
    %get3A_40 = arith.constant 0 : index
    %get3A_41 = vector.load %arg7[%get3A_39, %get3A_40] : memref<1x128xf32, #tpu.memory_space<vmem>>, vector<1x128xf32>
    %add3A_42 = vector.broadcast %get3A_41 : vector<1x128xf32> to vector<1000x128xf32>
    %add3A_43 = arith.addf %dot_general3A_38, %add3A_42 : vector<1000x128xf32>
    %max3A = arith.constant 0.000000e+00 : f32
    %max3A_44 = vector.broadcast %max3A : f32 to vector<1000x128xf32>
    %max3A_45 = arith.maximumf %add3A_43, %max3A_44 : vector<1000x128xf32>
    %get3A_46 = arith.constant 0 : index
    %get3A_47 = arith.constant 0 : index
    %get3A_48 = vector.load %arg8[%get3A_46, %get3A_47] : memref<128x128xf32, #tpu.memory_space<vmem>>, vector<128x128xf32>
    %dot_general3A_49 = arith.constant dense<0.000000e+00> : vector<1000x128xf32>
    %dot_general3A_50 = tpu.matmul %max3A_45, %get3A_48, %dot_general3A_49 {dimension_numbers = #tpu.dot_dimension_numbers<[1], [1], [0], [0], [0, 0, 1, 0], [], []>, transpose_lhs_hint = false} : vector<1000x128xf32>, vector<128x128xf32>, vector<1000x128xf32> -> vector<1000x128xf32>
    %get3A_51 = arith.constant 0 : index
    %get3A_52 = arith.constant 0 : index
    %get3A_53 = vector.load %arg9[%get3A_51, %get3A_52] : memref<1x128xf32, #tpu.memory_space<vmem>>, vector<1x128xf32>
    %add3A_54 = vector.broadcast %get3A_53 : vector<1x128xf32> to vector<1000x128xf32>
    %add3A_55 = arith.addf %dot_general3A_50, %add3A_54 : vector<1000x128xf32>
    %max3A_56 = arith.constant 0.000000e+00 : f32
    %max3A_57 = vector.broadcast %max3A_56 : f32 to vector<1000x128xf32>
    %max3A_58 = arith.maximumf %add3A_55, %max3A_57 : vector<1000x128xf32>
    %get3A_59 = arith.constant 0 : index
    %get3A_60 = arith.constant 0 : index
    %get3A_61 = vector.load %arg10[%get3A_59, %get3A_60] : memref<128x128xf32, #tpu.memory_space<vmem>>, vector<128x128xf32>
    %dot_general3A_62 = arith.constant dense<0.000000e+00> : vector<1000x128xf32>
    %dot_general3A_63 = tpu.matmul %max3A_58, %get3A_61, %dot_general3A_62 {dimension_numbers = #tpu.dot_dimension_numbers<[1], [1], [0], [0], [0, 0, 1, 0], [], []>, transpose_lhs_hint = false} : vector<1000x128xf32>, vector<128x128xf32>, vector<1000x128xf32> -> vector<1000x128xf32>
    %get3A_64 = arith.constant 0 : index
    %get3A_65 = arith.constant 0 : index
    %get3A_66 = vector.load %arg11[%get3A_64, %get3A_65] : memref<1x128xf32, #tpu.memory_space<vmem>>, vector<1x128xf32>
    %add3A_67 = vector.broadcast %get3A_66 : vector<1x128xf32> to vector<1000x128xf32>
    %add3A_68 = arith.addf %dot_general3A_63, %add3A_67 : vector<1000x128xf32>
    %swap3A = arith.constant 0 : index
    %swap3A_69 = arith.constant 0 : index
    %swap3A_70 = vector.load %arg12[%swap3A, %swap3A_69] : memref<1000x128xf32, #tpu.memory_space<vmem>>, vector<1000x128xf32>
    tpu.vector_store %arg12[%swap3A, %swap3A_69], %add3A_68 {strides = array<i32>} : memref<1000x128xf32, #tpu.memory_space<vmem>>, vector<1000x128xf32>,
    return
  }
  func.func @transform_0(%arg0: i32) -> (i32, i32, i32) {
    %c0_i32 = arith.constant 0 : i32
    %c0_i32_0 = arith.constant 0 : i32
    %c0_i32_1 = arith.constant 0 : i32
    return %c0_i32, %arg0, %c0_i32_0 : i32, i32, i32
  }
  func.func @transform_1(%arg0: i32) -> (i32, i32) {
    %c0_i32 = arith.constant 0 : i32
    %c0_i32_0 = arith.constant 0 : i32
    return %arg0, %c0_i32 : i32, i32
  }
  func.func @transform_2(%arg0: i32) -> (i32, i32) {
    %c0_i32 = arith.constant 0 : i32
    %c0_i32_0 = arith.constant 0 : i32
    return %arg0, %c0_i32 : i32, i32
  }
  func.func @transform_3(%arg0: i32) -> (i32, i32) {
    %c0_i32 = arith.constant 0 : i32
    %c0_i32_0 = arith.constant 0 : i32
    return %arg0, %c0_i32 : i32, i32
  }
  func.func @transform_4(%arg0: i32) -> (i32, i32) {
    %c0_i32 = arith.constant 0 : i32
    %c0_i32_0 = arith.constant 0 : i32
    %c0_i32_1 = arith.constant 0 : i32
    return %c0_i32, %c0_i32_0 : i32, i32
  }
  func.func @transform_5(%arg0: i32) -> (i32, i32) {
    %c0_i32 = arith.constant 0 : i32
    %c0_i32_0 = arith.constant 0 : i32
    %c0_i32_1 = arith.constant 0 : i32
    return %c0_i32, %c0_i32_0 : i32, i32
  }
  func.func @transform_6(%arg0: i32) -> (i32, i32) {
    %c0_i32 = arith.constant 0 : i32
    %c0_i32_0 = arith.constant 0 : i32
    %c0_i32_1 = arith.constant 0 : i32
    return %c0_i32, %c0_i32_0 : i32, i32
  }
  func.func @transform_7(%arg0: i32) -> (i32, i32) {
    %c0_i32 = arith.constant 0 : i32
    %c0_i32_0 = arith.constant 0 : i32
    %c0_i32_1 = arith.constant 0 : i32
    return %c0_i32, %c0_i32_0 : i32, i32
  }
  func.func @transform_8(%arg0: i32) -> (i32, i32) {
    %c0_i32 = arith.constant 0 : i32
    %c0_i32_0 = arith.constant 0 : i32
    %c0_i32_1 = arith.constant 0 : i32
    return %c0_i32, %c0_i32_0 : i32, i32
  }
  func.func @transform_9(%arg0: i32) -> (i32, i32) {
    %c0_i32 = arith.constant 0 : i32
    %c0_i32_0 = arith.constant 0 : i32
    %c0_i32_1 = arith.constant 0 : i32
    return %c0_i32, %c0_i32_0 : i32, i32
  }
  func.func @transform_10(%arg0: i32) -> (i32, i32) {
    %c0_i32 = arith.constant 0 : i32
    %c0_i32_0 = arith.constant 0 : i32
    %c0_i32_1 = arith.constant 0 : i32
    return %c0_i32, %c0_i32_0 : i32, i32
  }
  func.func @transform_11(%arg0: i32) -> (i32, i32) {
    %c0_i32 = arith.constant 0 : i32
    %c0_i32_0 = arith.constant 0 : i32
    return %arg0, %c0_i32 : i32, i32
  }
}

</mosaic_0001>

<sc_bundles>
// kernel: kernel.11.cloned.1.call-start
scs
__scs_entry_jumppad:
0x0: {  	(pc) =	sbr.rel $0x88, $3  }
0x1: {  	(tag) =	ssettag $0x0;
	lr =	simm.s32 $0x1  }
0x2: {  	[smem:$0x3F8D] =	sst lr;
	_ =	strace $0xD0000000  }
0x3: {  	_ = 	snop  }
0x4: {  	_ = 	snop  }
0x5: {  	_ = 	snop  }
0x6: {  	_ = 	snop  }
0x7: {  	_ = 	snop  }
__scs_overlays_trampoline_lowered:
0x8: {  	[smem:$0x3F9C] =	sst s0  }
0x9: {  	[smem:$0x3F9D] =	sst s1  }
0xa: {  	[smem:$0x3F9E] =	sst s2  }
0xb: {  	[smem:$0x3F9F] =	sst s3  }
0xc: {  	[smem:$0x3FA0] =	sst s4  }
0xd: {  	[smem:$0x3FA1] =	sst s5  }
0xe: {  	[smem:$0x3FA2] =	sst s6  }
0xf: {  	[smem:$0x3FA3] =	sst s7  }
0x10: {  	[smem:$0x3FA4] =	sst s8  }
0x11: {  	[smem:$0x3FA5] =	sst s9;
	s0 =	simm.s32 @!p0 $0x0  }
0x12: {  	s1 =	sld [smem:$0x3F8B];
	s0 =	simm.s32 @p0 $0x1  }
0x13: {  	[smem:$0x3FA6] =	sst s0;
	s0 =	simm.s32 @!p1 $0x0  }
0x14: {  	s2 =	sld [smem:$0x3F8A];
	s0 =	simm.s32 @p1 $0x1  }
0x15: {  	[smem:$0x3FA7] =	sst s0;
	s0 =	simm.s32 @!p2 $0x0  }
0x16: {  	s3 =	sld [smem:$0x3FDB];
	s0 =	simm.s32 @p2 $0x1  }
0x17: {  	s4 =	simm.s32 $0x1BF5;
	[smem:$0x3FA9] =	sst s0  }
0x18: {  	s0 =	sld [smem:$0x3F8C];
	_ =	swait.ge [sflag:s4], $0x0  }
0x19: {  	s7 =	sld [smem:$0x3F8D]  }
0x1a: {  	s8 =	sadd.s32 $0xFFFFE003, lr  }
0x1b: {  	s9 =	sadd.s32 $0xFFFFFEF7, lr;
	s5 =	simm.s32 $0xFFFFFFFF;
	p2 =	slt.u32 s8, $0xFFFFF086  }
0x1c: {  	p1 =	slt.u32 s9, $0xF7A;
	s5 =	simm.s32 @!p2 $0x0  }
0x1d: {  	s5 =	simm.s32 @p1 $0x1;
	p0 =	seq.s32 s7, s2  }
0x1e: {  	s7 =	smul.u32 @!p0 $0xF7A, s2;
	p2 =	seq.s32 @!p0 s5, $0x0  }
0x1f: {  	s9 =	smul.u32 $0xF7A, s1;
	s8 =	simm.s32 @!p0 $0x1BF5;
	p2 =	por !p2, p0  }
0x20: {  	[sflag:s8] =	ssyncset.s32 @!p0 $0xFFFFF086;
	s6 =	sadd.s32 @!p0 s3, s7;
	s7 =	simm.s32 @!p0 $0x108  }
0x21: {  	s3 =	sadd.s32 s3, s9;
	s6 =	sadd.s32 @!p0 $0x88, s6;
	s7 =	simm.s32 @p2 $0x1082  }
0x22: {  	[simem:s7], [sflag:s8] =	dma.local @!p0 [hbm:s6], $0xF7A  }
0x23: {  	s9 =	sor.u32 $0xD0000000, s2;
	s6 =	simm.s32 $0x108;
	_ =	swait.ge @!p0 [sflag:s8], $0x0  }
0x24: {  	s3 =	sadd.s32 $0x88, s3;
	s6 =	simm.s32 @!p1 $0x1082;
	[sflag:s4] =	ssyncset.s32 $0xFFFFF086  }
0x25: {  	[simem:s6], [sflag:s4] =	dma.local [hbm:s3], $0xF7A  }
0x26: {  	[smem:$0x3F8D] =	sst s1;
	(tag) =	ssettag s2;
	_ =	strace s9  }
0x27: {  	s1 =	sld [smem:$0x3F9D]  }
0x28: {  	s2 =	sld [smem:$0x3F9E]  }
0x29: {  	s4 =	sld [smem:$0x3FA0]  }
0x2a: {  	p0 =	seq.s32 s5, $0x0;
	s5 =	sld [smem:$0x3FA1]  }
0x2b: {  	s6 =	sld [smem:$0x3FA2]  }
0x2c: {  	s7 =	sld [smem:$0x3FA3]  }
0x2d: {  	s3 =	simm.s32 $0x108;
	s8 =	sld [smem:$0x3FA4]  }
0x2e: {  	s3 =	simm.s32 @!p0 $0x1082;
	s9 =	sld [smem:$0x3FA5]  }
0x2f: {  	lr =	sadd.s32 s0, s3;
	s0 =	sld [smem:$0x3F9C]  }
0x30: {  	s3 =	sld [smem:$0x3F9F]  }
0x31: {  	[smem:$0x3FA8] =	sst s10  }
0x32: {  	s10 =	sld [smem:$0x3FA6];
	_ =	sdelay $0x3  }
0x33: {  	p0 =	seq.s32 s10, $0x1;
	s10 =	sld [smem:$0x3FA8];
	_ =	sdelay $0x3  }
0x34: {  	[smem:$0x3FA8] =	sst s10  }
0x35: {  	s10 =	sld [smem:$0x3FA7];
	_ =	sdelay $0x3  }
0x36: {  	p1 =	seq.s32 s10, $0x1;
	s10 =	sld [smem:$0x3FA8];
	_ =	sdelay $0x3  }
0x37: {  	[smem:$0x3FA8] =	sst s10  }
0x38: {  	s10 =	sld [smem:$0x3FA9]  }
0x39: {  	_ = 	snop;
	(pc) =	sbr.ind lr, $3  }
0x3a: {  	_ = 	snop  }
0x3b: {  	_ = 	snop  }
0x3c: {  	p2 =	seq.s32 s10, $0x1;
	s10 =	sld [smem:$0x3FA8]  }
0x3d: {  	_ =	shalt  }
0x3e: {  	_ =	shalt  }
0x3f: {  	_ =	shalt  }
0x40: {  	_ =	shalt  }
0x41: {  	_ =	shalt  }
0x42: {  	_ =	shalt  }
0x43: {  	_ =	shalt  }
0x44: {  	_ =	shalt  }
0x45: {  	_ =	shalt  }
0x46: {  	_ =	shalt  }
0x47: {  	_ =	shalt  }
0x48: {  	_ =	shalt  }
0x49: {  	_ =	shalt  }
0x4a: {  	_ =	shalt  }
0x4b: {  	_ =	shalt  }
0x4c: {  	_ =	shalt  }
0x4d: {  	_ =	shalt  }
0x4e: {  	_ =	shalt  }
0x4f: {  	_ =	shalt  }
0x50: {  	_ =	shalt  }
0x51: {  	_ =	shalt  }
0x52: {  	_ =	shalt  }
0x53: {  	_ =	shalt  }
0x54: {  	_ =	shalt  }
0x55: {  	_ =	shalt  }
0x56: {  	_ =	shalt  }
0x57: {  	_ =	shalt  }
0x58: {  	_ =	shalt  }
0x59: {  	_ =	shalt  }
0x5a: {  	_ =	shalt  }
0x5b: {  	_ =	shalt  }
0x5c: {  	_ =	shalt  }
0x5d: {  	_ =	shalt  }
0x5e: {  	_ =	shalt  }
0x5f: {  	_ =	shalt  }
0x60: {  	_ =	shalt  }
0x61: {  	_ =	shalt  }
0x62: {  	_ =	shalt  }
0x63: {  	_ =	shalt  }
0x64: {  	_ =	shalt  }
0x65: {  	_ =	shalt  }
0x66: {  	_ =	shalt  }
0x67: {  	_ =	shalt  }
0x68: {  	_ =	shalt  }
0x69: {  	_ =	shalt  }
0x6a: {  	_ =	shalt  }
0x6b: {  	_ =	shalt  }
0x6c: {  	_ =	shalt  }
0x6d: {  	_ =	shalt  }
0x6e: {  	_ =	shalt  }
0x6f: {  	_ =	shalt  }
0x70: {  	_ =	shalt  }
0x71: {  	_ =	shalt  }
0x72: {  	_ =	shalt  }
0x73: {  	_ =	shalt  }
0x74: {  	_ =	shalt  }
0x75: {  	_ =	shalt  }
0x76: {  	_ =	shalt  }
0x77: {  	_ =	shalt  }
0x78: {  	_ =	shalt  }
0x79: {  	_ =	shalt  }
0x7a: {  	_ =	shalt  }
0x7b: {  	_ =	shalt  }
0x7c: {  	_ =	shalt  }
0x7d: {  	_ =	shalt  }
0x7e: {  	_ =	shalt  }
0x7f: {  	_ =	shalt  }
0x80: {  	_ =	shalt  }
0x81: {  	_ =	shalt  }
0x82: {  	_ =	shalt  }
0x83: {  	_ =	shalt  }
0x84: {  	_ =	shalt  }
0x85: {  	_ =	shalt  }
0x86: {  	_ =	shalt  }
0x87: {  	_ =	shalt  }
.Lfunc_end0:
.L_simem_size_0:
called_computation_lowered:
.L_overlay_start_0:
0x88: {  	s2 =	sld [smem:$0x3FD9]  }
0x89: {  	s3 =	sld [smem:$0x3FFE];
	_ =	sdelay $0x1  }
0x8a: {  	s1 =	srdreg.scid  }
0x8b: {  	s0 =	sand.u32 $0x1, s1  }
0x8c: {  	s17 =	sshll.u32 s0, $0xA;
	s2 =	sadd.s32 s3, s2  }
0x8d: {  	s2 =	sadd.s32 s2, s17  }
0x8e: {  	[smem:$0x3FB4] =	sst s2  }
0x8f: {  	_ = 	snop  }
0x90: {  	s2 =	sld [smem:$0x3FD0];
	(tm) =	ssettm $0x1  }
0x91: {  	s18 =	sld [smem:$0x3FFB];
	_ =	sdelay $0x3  }
0x92: {  	_ =	strace s18  }
0x93: {  	s3 =	sld [smem:$0x3FFC];
	_ =	sdelay $0x3  }
0x94: {  	_ =	strace s3  }
0x95: {  	s3 =	sld [smem:$0x3FFD];
	_ =	sdelay $0x3  }
0x96: {  	_ =	strace s3  }
0x97: {  	_ =	strace $0x8FFFFFFF  }
0x98: {  	s19 =	sld [smem:$0x3FDB];
	_ =	sdelay $0x1  }
0x99: {  	s4 =	simm.s32 $_scs_section_size  }
0x9a: {  	s5 =	simm.s32 $_size__tile_overlayer_lowered;
	s6 =	simm.s32 $_tile_overlayer_lowered  }
0x9b: {  	s22 =	simm.s32 $0x1BFF;
	s21 =	sshll.u32 s6, $0x1;
	s3 =	sadd.s32 s4, s19  }
0x9c: {  	s7 =	simm.s32 $0x0;
	s20 =	sshll.u32 s5, $0x1;
	s5 =	sadd.s32 s21, s3  }
0x9d: {  	[timem:s7], [sflag:s22] =	dma.local [hbm:s5], s20  }
0x9e: {  	_ =	swait.ge [sflag:s22], s20  }
0x9f: {  	s4 =	ssub.s32 $0x0, s20;
	[sflag:s22] =	ssyncset.done $0x0  }
0xa0: {  	[sflag:s22] =	ssyncadd.s32 s4;
	_ =	sdelay $0x1  }
0xa1: {  	s23 =	simm.s32 $0x1B8B  }
0xa2: {  	_ =	swait.ge [sflag:s23], $0x1  }
0xa3: {  	[sflag:s23] =	ssyncset.done $0x0  }
0xa4: {  	s25 =	simm.s32 $0x1B8E;
	s24 =	sld [smem:$0x3FFE];
	[sflag:s23] =	ssyncadd.s32 $0xFFFFFFFF  }
0xa5: {  	s26 =	simm.s32 $execute0_lowered;
	[smem:$0x3FD2] =	sst s25  }
0xa6: {  	s5 =	sshll.u32 s26, $0x1;
	_ =	strace $0x80000046;
	[dreg:$0x1] =	wrdreg $0xFFFFFFFF  }
0xa7: {  	s28 =	simm.s32 $_size_execute0_lowered;
	s3 =	sadd.s32 s3, s5;
	[dreg:$0x0] =	wrdreg $0x0  }
0xa8: {  	s5 =	sshll.u32 s28, $0x1;
	[dreg:$0x2] =	wrdreg s3  }
0xa9: {  	[dreg:$0x3] =	wrdreg s5  }
0xaa: {  	[dreg:$0x4] =	wrdreg $0xC0  }
0xab: {  	_ =	task [dreg:s7], $0x5FFFF  }
0xac: {  	[dreg:$0x1] =	wrdreg $0xFFFFFFFF  }
0xad: {  	[dreg:$0x0] =	wrdreg $0x60  }
0xae: {  	[dreg:$0x2] =	wrdreg s2  }
0xaf: {  	[dreg:$0x3] =	wrdreg s24  }
0xb0: {  	[dreg:$0x4] =	wrdreg $0x68000  }
0xb1: {  	[dreg:$0x5] =	wrdreg $0x9  }
0xb2: {  	_ =	task.clear_ibuf [dreg:s7], $0x6FFFF;
	_ =	strace $0x90000046  }
0xb3: {  	s29 =	simm.s32 $0x9;
	_ =	strace $0x80000048  }
0xb4: {  	_ =	swait.ge [sflag:s29], $0x1  }
0xb5: {  	[sflag:s29] =	ssyncadd.s32 $0xFFFFFFFF  }
0xb6: {  	_ =	strace $0x90000048  }
0xb7: {  	_ =	sfence  }
0xb8: {  	s30 =	sld [smem:$0x0];
	_ =	sdelay $0x2  }
0xb9: {  	s31 =	sshll.u32 s1, $0xD;
	s1 =	sshrl.u32 s1, $0x2  }
0xba: {  	s3 =	sand.u32 $0x4000, s31;
	s1 =	sadd.s32 s1, s30  }
0xbb: {  	s0 =	sor.u32 s3, s0;
	s1 =	sshll.u32 s1, $0x11  }
0xbc: {  	s0 =	sor.u32 s1, s0  }
0xbd: {  	s0 =	sadd.s32 $0x8F2B, s0  }
0xbe: {  	[sflag:s0] =	ssyncadd.remote.s32 $0x1  }
0xbf: {  	_ =	sfence.sel $0xFFFF  }
0xc0: {  	[dreg:$0x0] =	wrdreg $0xFFFFFFFF;
	(pc) =	sbr.abs _section_cstart, $3  }
0xc1: {  	[dreg:$0x1] =	wrdreg $0xFFFFFFFF  }
0xc2: {  	_ =	task.clear_ibuf [dreg:s7], $0x2FFFF;
	_ =	strace $0x9FFFFFFF  }
0xc3: {  	(tm) =	ssettm $0x7FFFFFFF  }
tec
execute0_lowered:
.L_overlay_start_1:
0x0: {  	(tag) =	ssettag $0x1  }
0x1: {  	s6 =	rddreg [dreg:$0x0]  }
0x2: {  	s5 =	rddreg [dreg:$0x1]  }
0x3: {  	s1 =	rddreg [dreg:$0x2]  }
0x4: {  	s0 =	rddreg [dreg:$0x3]  }
0x5: {  	s2 =	simm.s32 $0x0;
	s4 =	srdreg.scid;
	s10 =	stileid.u32  }
0x6: {  	s16 =	simm.s32 $0x0;
	[smem:$0x7FF] =	sst s2;
	s3 =	sadd.s32 $0x8600, s5  }
0x7: {  	s7 =	sand.u32 $0x1, s4;
	s4 =	sadd.s32 $0x5E00, s5;
	s11 =	smul.u32 $0x4E000, s10  }
0x8: {  	s9 =	sadd.s32 $0x8E00, s5;
	s28 =	sshll.u32 s10, $0x6;
	s13 =	smul.u32 $0x13800, s10  }
0x9: {  	p0 =	sne.s32 s10, $0x0;
	_ =	strace $0x80000047;
	s8 =	ssub.s32 $0x2, s7  }
0xa: {  	s25 =	sshll.u32 s7, $0x4;
	s7 =	smul.u32 $0x138800, s7;
	s5 =	sor.u32 $0x1C02, s28  }
0xb: {  	s24 =	sshrl.u32 s8, $0x1;
	s26 =	sshrl.u32 s11, $0x2;
	s14 =	sor.u32 s10, s25  }
0xc: {  	s12 =	ssub.s32 s8, s24;
	s15 =	sadd.s32 s26, s1;
	s29 =	smul.u32 $0x680, s14  }
0xd: {  	s30 =	sadd.s32 s13, s7;
	s7 =	sshrl.u32 s7, $0x3;
	s13 =	sadd.s32 $0x138000, s1  }
0xe: {  	s14 =	simm.s32 $0x64;
	s11 =	sshrl.u32 s30, $0x3;
	s31 =	sadd.s32 s9, s7  }
0xf: {  	s10 =	sshrl.u32 s15, $0x3;
	s15 =	simm.s32 $0x1;
	s6 =	sadd.s32 s6, s29  }
0x10: {  	s7 =	sadd.s32 s9, s11;
	s8 =	sadd.s32 $0x27000, s31;
	s9 =	smax.u32 s12, $0x1  }
0x11: {  	s11 =	simm.s32 $0x2;
	s12 =	sshrl.u32 @!p0 s13, $0x3;
	s13 =	simm.s32 $0x3400  }
.LBB2_1:
0x12: {  	[spmem:s10], [sflag:s5] =	dma.local [hbm:s4], $0x2700  }
0x13: {  	_ =	swait.ge [sflag:s11], $0x2700  }
0x14: {  	[sflag:s11] =	ssyncset.done $0x0  }
0x15: {  	s17 =	simm.s32 @!p0 $0x2;
	[sflag:s11] =	ssyncadd.s32 $0xFFFFD900  }
0x16: {  	[spmem:s12], [sflag:s5] =	dma.local @!p0 [hbm:s4], $0x100  }
0x17: {  	_ =	swait.ge @!p0 [sflag:s17], $0x100  }
0x18: {  	[sflag:s17] =	ssyncset.done @!p0 $0x0  }
0x19: {  	[sflag:s17] =	ssyncadd.s32 @!p0 $0xFFFFFF00  }
0x1a: {  	[tilespmem:s13], [sflag:$0x2] =	stream.linear.gather [hbm4b:s3+s2], $0x3200, $0x38;
	[tilespmem:$0x1A080] =	vst v63  }
0x1b: {  	_ =	swait.ge [sflag:s11], $0x3200  }
0x1c: {  	[sflag:s11] =	ssyncset.done $0x0  }
0x1d: {  	[sflag:s11] =	ssyncadd.s32 $0xFFFFCE00  }
0x1e: {  	[tilespmem:s2], [sflag:$0x2] =	stream.linear.gather [hbm4b:s6+s2], $0x3200, $0x38;
	[tilespmem:$0x1A080] =	vst v63  }
0x1f: {  	_ =	swait.ge [sflag:s11], $0x3200  }
0x20: {  	[sflag:s11] =	ssyncset.done $0x0  }
0x21: {  	[sflag:s11] =	ssyncadd.s32 $0xFFFFCE00  }
0x22: {  	[bflag:$0x0] =	sbarrier.arrive $0xFFFF  }
0x23: {  	[spmem:s1] =	stream.indirect.scatter.add.f32 [tilespmem:s13], [sflag:$0x1], $0x80, s2, s14, $0xb8;
	[tilespmem:$0x1A080] =	vst v63  }
0x24: {  	s31 =	simm.s32 $0x80  }
0x25: {  	[spmem:s1] =	stream.indirect.scatter.add.f32 [tilespmem:s13], [sflag:$0x1], $0x80, s31, s14, $0xb8;
	[tilespmem:$0x1A080] =	vst v63  }
0x26: {  	_ =	swait.ge [sflag:s15], $0x3200  }
0x27: {  	s17 =	simm.s32 $0x400;
	[sflag:s15] =	ssyncset.done $0x0  }
.LBB2_2:
0x28: {  	s18 =	sshra.s32 s17, $0x2;
	[sflag:s15] =	ssyncadd.s32 $0xFFFFCE00;
	p1 =	sne.s32 s17, $0xC600  }
0x29: {  	[spmem:s1] =	stream.indirect.scatter.add.f32 [tilespmem:s13], [sflag:$0x1], $0x80, s18, s14, $0xb8;
	[tilespmem:$0x1A080] =	vst v63  }
.Ltmp0:
0x2a: {  	_ = 	snop;
	(pc) =	sbr.rel @p1 .LBB2_2-.Ltmp0, $4  }
0x2b: {  	_ = 	snop  }
0x2c: {  	s17 =	sadd.s32 $0x200, s17  }
0x2d: {  	_ =	swait.ge [sflag:s15], $0x3200  }
0x2e: {  	[sflag:s15] =	ssyncset.done $0x0  }
0x2f: {  	[sflag:s15] =	ssyncadd.s32 $0xFFFFCE00  }
0x30: {  	_ =	swait.ge [sflag:s15], $0x3200  }
0x31: {  	[sflag:s15] =	ssyncset.done $0x0  }
0x32: {  	[sflag:s15] =	ssyncadd.s32 $0xFFFFCE00  }
0x33: {  	[bflag:$0x0] =	sbarrier.arrive $0xFFFF  }
0x34: {  	[hbm:s7], [sflag:s5] =	dma.local [spmem:s10], $0x2700  }
0x35: {  	s16 =	sadd.s32 $0x1, s16;
	_ =	swait.ge [sflag:s11], $0x2700  }
0x36: {  	p1 =	sne.s32 s16, s9;
	[sflag:s11] =	ssyncset.done $0x0  }
.Ltmp1:
0x37: {  	s17 =	simm.s32 @!p0 $0x2;
	[sflag:s11] =	ssyncadd.s32 $0xFFFFD900;
	(pc) =	sbr.rel @p1 .LBB2_1-.Ltmp1, $4  }
0x38: {  	[hbm:s8], [sflag:s5] =	dma.local @!p0 [spmem:s12], $0x100  }
0x39: {  	_ =	swait.ge @!p0 [sflag:s17], $0x100  }
0x3a: {  	[sflag:s17] =	ssyncset.done @!p0 $0x0  }
0x3b: {  	[sflag:s17] =	ssyncadd.s32 @!p0 $0xFFFFFF00  }
0x3c: {  	_ =	sfence.sel $0x180000  }
0x3d: {  	[bflag:$0x0] =	sbarrier.arrive $0xFFFF  }
0x3e: {  	_ =	strace $0x90000047  }
0x3f: {  	s0 =	sadd.s32 @!p0 $0x100000, s0;
	[bflag:$0x2] =	sbarrier.arrive $0xFFFF  }
0x40: {  	[sflag:s0] =	ssyncadd.tile.s32 @!p0 $0x1;
	_ =	shalt  }
.Lfunc_end2:
_tile_overlayer_lowered:
.L_overlay_start_2:
0x41: {  	(tag) =	ssettag $0x2  }
0x42: {  	s0 =	rddreg [dreg:$0x0];
	s2 =	stileid.u32  }
0x43: {  	s1 =	rddreg [dreg:$0x1];
	p0 =	sne.s32 s2, $0x0  }
0x44: {  	s3 =	rddreg [dreg:$0x2];
	[bflag:$0x3] =	sbarrier.arrive $0xFFFF;
	s2 =	simm.s32 @!p0 $0x1C02  }
0x45: {  	[timem:s3], [sflag:s2] =	dma.local @!p0 [hbm:s0], s1  }
0x46: {  	s0 =	simm.s32 @!p0 $0x2  }
0x47: {  	_ =	swait.ge @!p0 [sflag:s0], s1  }
0x48: {  	s1 =	ssub.s32 @!p0 $0x0, s1;
	[sflag:s0] =	ssyncset.done @!p0 $0x0  }
0x49: {  	[sflag:s0] =	ssyncadd.s32 @!p0 s1  }
0x4a: {  	[bflag:$0x3] =	sbarrier.arrive $0xFFFF  }
0x4b: {  	_ =	shalt  }

// kernel: kernel.14.cloned.1.call-start
scs
__scs_entry_jumppad:
0x0: {  	(pc) =	sbr.rel $0x88, $3  }
0x1: {  	(tag) =	ssettag $0x0;
	lr =	simm.s32 $0x1  }
0x2: {  	[smem:$0x3F8D] =	sst lr;
	_ =	strace $0xD0000000  }
0x3: {  	_ = 	snop  }
0x4: {  	_ = 	snop  }
0x5: {  	_ = 	snop  }
0x6: {  	_ = 	snop  }
0x7: {  	_ = 	snop  }
__scs_overlays_trampoline_lowered:
0x8: {  	[smem:$0x3F9C] =	sst s0  }
0x9: {  	[smem:$0x3F9D] =	sst s1  }
0xa: {  	[smem:$0x3F9E] =	sst s2  }
0xb: {  	[smem:$0x3F9F] =	sst s3  }
0xc: {  	[smem:$0x3FA0] =	sst s4  }
0xd: {  	[smem:$0x3FA1] =	sst s5  }
0xe: {  	[smem:$0x3FA2] =	sst s6  }
0xf: {  	[smem:$0x3FA3] =	sst s7  }
0x10: {  	[smem:$0x3FA4] =	sst s8  }
0x11: {  	[smem:$0x3FA5] =	sst s9;
	s0 =	simm.s32 @!p0 $0x0  }
0x12: {  	s1 =	sld [smem:$0x3F8B];
	s0 =	simm.s32 @p0 $0x1  }
0x13: {  	[smem:$0x3FA6] =	sst s0;
	s0 =	simm.s32 @!p1 $0x0  }
0x14: {  	s2 =	sld [smem:$0x3F8A];
	s0 =	simm.s32 @p1 $0x1  }
0x15: {  	[smem:$0x3FA7] =	sst s0;
	s0 =	simm.s32 @!p2 $0x0  }
0x16: {  	s3 =	sld [smem:$0x3FDB];
	s0 =	simm.s32 @p2 $0x1  }
0x17: {  	s4 =	simm.s32 $0x1BF5;
	[smem:$0x3FA9] =	sst s0  }
0x18: {  	s0 =	sld [smem:$0x3F8C];
	_ =	swait.ge [sflag:s4], $0x0  }
0x19: {  	s7 =	sld [smem:$0x3F8D]  }
0x1a: {  	s8 =	sadd.s32 $0xFFFFE003, lr  }
0x1b: {  	s9 =	sadd.s32 $0xFFFFFEF7, lr;
	s5 =	simm.s32 $0xFFFFFFFF;
	p2 =	slt.u32 s8, $0xFFFFF086  }
0x1c: {  	p1 =	slt.u32 s9, $0xF7A;
	s5 =	simm.s32 @!p2 $0x0  }
0x1d: {  	s5 =	simm.s32 @p1 $0x1;
	p0 =	seq.s32 s7, s2  }
0x1e: {  	s7 =	smul.u32 @!p0 $0xF7A, s2;
	p2 =	seq.s32 @!p0 s5, $0x0  }
0x1f: {  	s9 =	smul.u32 $0xF7A, s1;
	s8 =	simm.s32 @!p0 $0x1BF5;
	p2 =	por !p2, p0  }
0x20: {  	[sflag:s8] =	ssyncset.s32 @!p0 $0xFFFFF086;
	s6 =	sadd.s32 @!p0 s3, s7;
	s7 =	simm.s32 @!p0 $0x108  }
0x21: {  	s3 =	sadd.s32 s3, s9;
	s6 =	sadd.s32 @!p0 $0x88, s6;
	s7 =	simm.s32 @p2 $0x1082  }
0x22: {  	[simem:s7], [sflag:s8] =	dma.local @!p0 [hbm:s6], $0xF7A  }
0x23: {  	s9 =	sor.u32 $0xD0000000, s2;
	s6 =	simm.s32 $0x108;
	_ =	swait.ge @!p0 [sflag:s8], $0x0  }
0x24: {  	s3 =	sadd.s32 $0x88, s3;
	s6 =	simm.s32 @!p1 $0x1082;
	[sflag:s4] =	ssyncset.s32 $0xFFFFF086  }
0x25: {  	[simem:s6], [sflag:s4] =	dma.local [hbm:s3], $0xF7A  }
0x26: {  	[smem:$0x3F8D] =	sst s1;
	(tag) =	ssettag s2;
	_ =	strace s9  }
0x27: {  	s1 =	sld [smem:$0x3F9D]  }
0x28: {  	s2 =	sld [smem:$0x3F9E]  }
0x29: {  	s4 =	sld [smem:$0x3FA0]  }
0x2a: {  	p0 =	seq.s32 s5, $0x0;
	s5 =	sld [smem:$0x3FA1]  }
0x2b: {  	s6 =	sld [smem:$0x3FA2]  }
0x2c: {  	s7 =	sld [smem:$0x3FA3]  }
0x2d: {  	s3 =	simm.s32 $0x108;
	s8 =	sld [smem:$0x3FA4]  }
0x2e: {  	s3 =	simm.s32 @!p0 $0x1082;
	s9 =	sld [smem:$0x3FA5]  }
0x2f: {  	lr =	sadd.s32 s0, s3;
	s0 =	sld [smem:$0x3F9C]  }
0x30: {  	s3 =	sld [smem:$0x3F9F]  }
0x31: {  	[smem:$0x3FA8] =	sst s10  }
0x32: {  	s10 =	sld [smem:$0x3FA6];
	_ =	sdelay $0x3  }
0x33: {  	p0 =	seq.s32 s10, $0x1;
	s10 =	sld [smem:$0x3FA8];
	_ =	sdelay $0x3  }
0x34: {  	[smem:$0x3FA8] =	sst s10  }
0x35: {  	s10 =	sld [smem:$0x3FA7];
	_ =	sdelay $0x3  }
0x36: {  	p1 =	seq.s32 s10, $0x1;
	s10 =	sld [smem:$0x3FA8];
	_ =	sdelay $0x3  }
0x37: {  	[smem:$0x3FA8] =	sst s10  }
0x38: {  	s10 =	sld [smem:$0x3FA9]  }
0x39: {  	_ = 	snop;
	(pc) =	sbr.ind lr, $3  }
0x3a: {  	_ = 	snop  }
0x3b: {  	_ = 	snop  }
0x3c: {  	p2 =	seq.s32 s10, $0x1;
	s10 =	sld [smem:$0x3FA8]  }
0x3d: {  	_ =	shalt  }
0x3e: {  	_ =	shalt  }
0x3f: {  	_ =	shalt  }
0x40: {  	_ =	shalt  }
0x41: {  	_ =	shalt  }
0x42: {  	_ =	shalt  }
0x43: {  	_ =	shalt  }
0x44: {  	_ =	shalt  }
0x45: {  	_ =	shalt  }
0x46: {  	_ =	shalt  }
0x47: {  	_ =	shalt  }
0x48: {  	_ =	shalt  }
0x49: {  	_ =	shalt  }
0x4a: {  	_ =	shalt  }
0x4b: {  	_ =	shalt  }
0x4c: {  	_ =	shalt  }
0x4d: {  	_ =	shalt  }
0x4e: {  	_ =	shalt  }
0x4f: {  	_ =	shalt  }
0x50: {  	_ =	shalt  }
0x51: {  	_ =	shalt  }
0x52: {  	_ =	shalt  }
0x53: {  	_ =	shalt  }
0x54: {  	_ =	shalt  }
0x55: {  	_ =	shalt  }
0x56: {  	_ =	shalt  }
0x57: {  	_ =	shalt  }
0x58: {  	_ =	shalt  }
0x59: {  	_ =	shalt  }
0x5a: {  	_ =	shalt  }
0x5b: {  	_ =	shalt  }
0x5c: {  	_ =	shalt  }
0x5d: {  	_ =	shalt  }
0x5e: {  	_ =	shalt  }
0x5f: {  	_ =	shalt  }
0x60: {  	_ =	shalt  }
0x61: {  	_ =	shalt  }
0x62: {  	_ =	shalt  }
0x63: {  	_ =	shalt  }
0x64: {  	_ =	shalt  }
0x65: {  	_ =	shalt  }
0x66: {  	_ =	shalt  }
0x67: {  	_ =	shalt  }
0x68: {  	_ =	shalt  }
0x69: {  	_ =	shalt  }
0x6a: {  	_ =	shalt  }
0x6b: {  	_ =	shalt  }
0x6c: {  	_ =	shalt  }
0x6d: {  	_ =	shalt  }
0x6e: {  	_ =	shalt  }
0x6f: {  	_ =	shalt  }
0x70: {  	_ =	shalt  }
0x71: {  	_ =	shalt  }
0x72: {  	_ =	shalt  }
0x73: {  	_ =	shalt  }
0x74: {  	_ =	shalt  }
0x75: {  	_ =	shalt  }
0x76: {  	_ =	shalt  }
0x77: {  	_ =	shalt  }
0x78: {  	_ =	shalt  }
0x79: {  	_ =	shalt  }
0x7a: {  	_ =	shalt  }
0x7b: {  	_ =	shalt  }
0x7c: {  	_ =	shalt  }
0x7d: {  	_ =	shalt  }
0x7e: {  	_ =	shalt  }
0x7f: {  	_ =	shalt  }
0x80: {  	_ =	shalt  }
0x81: {  	_ =	shalt  }
0x82: {  	_ =	shalt  }
0x83: {  	_ =	shalt  }
0x84: {  	_ =	shalt  }
0x85: {  	_ =	shalt  }
0x86: {  	_ =	shalt  }
0x87: {  	_ =	shalt  }
.Lfunc_end0:
.L_simem_size_0:
called_computation.1_lowered:
.L_overlay_start_0:
0x88: {  	s2 =	sld [smem:$0x3FD9]  }
0x89: {  	s3 =	sld [smem:$0x3FFE];
	_ =	sdelay $0x1  }
0x8a: {  	s1 =	srdreg.scid  }
0x8b: {  	s0 =	sand.u32 $0x1, s1  }
0x8c: {  	s17 =	sshll.u32 s0, $0xA;
	s2 =	sadd.s32 s3, s2  }
0x8d: {  	s2 =	sadd.s32 s2, s17  }
0x8e: {  	[smem:$0x3FB4] =	sst s2  }
0x8f: {  	_ = 	snop  }
0x90: {  	s2 =	sld [smem:$0x3FD0];
	(tm) =	ssettm $0x1  }
0x91: {  	s18 =	sld [smem:$0x3FFB];
	_ =	sdelay $0x3  }
0x92: {  	_ =	strace s18  }
0x93: {  	s3 =	sld [smem:$0x3FFC];
	_ =	sdelay $0x3  }
0x94: {  	_ =	strace s3  }
0x95: {  	s3 =	sld [smem:$0x3FFD];
	_ =	sdelay $0x3  }
0x96: {  	_ =	strace s3  }
0x97: {  	_ =	strace $0x8FFFFFFF  }
0x98: {  	s19 =	sld [smem:$0x3FDB];
	_ =	sdelay $0x1  }
0x99: {  	s4 =	simm.s32 $_scs_section_size  }
0x9a: {  	s5 =	simm.s32 $_size__tile_overlayer_lowered;
	s6 =	simm.s32 $_tile_overlayer_lowered  }
0x9b: {  	s22 =	simm.s32 $0x1BFF;
	s21 =	sshll.u32 s6, $0x1;
	s3 =	sadd.s32 s4, s19  }
0x9c: {  	s7 =	simm.s32 $0x0;
	s20 =	sshll.u32 s5, $0x1;
	s5 =	sadd.s32 s21, s3  }
0x9d: {  	[timem:s7], [sflag:s22] =	dma.local [hbm:s5], s20  }
0x9e: {  	_ =	swait.ge [sflag:s22], s20  }
0x9f: {  	s4 =	ssub.s32 $0x0, s20;
	[sflag:s22] =	ssyncset.done $0x0  }
0xa0: {  	[sflag:s22] =	ssyncadd.s32 s4;
	_ =	sdelay $0x1  }
0xa1: {  	s23 =	simm.s32 $0x1B8B  }
0xa2: {  	_ =	swait.ge [sflag:s23], $0x1  }
0xa3: {  	[sflag:s23] =	ssyncset.done $0x0  }
0xa4: {  	s25 =	simm.s32 $0x1B8E;
	s24 =	sld [smem:$0x3FFE];
	[sflag:s23] =	ssyncadd.s32 $0xFFFFFFFF  }
0xa5: {  	s26 =	simm.s32 $execute0_lowered;
	[smem:$0x3FD2] =	sst s25  }
0xa6: {  	s5 =	sshll.u32 s26, $0x1;
	_ =	strace $0x80000049;
	[dreg:$0x1] =	wrdreg $0xFFFFFFFF  }
0xa7: {  	s28 =	simm.s32 $_size_execute0_lowered;
	s3 =	sadd.s32 s3, s5;
	[dreg:$0x0] =	wrdreg $0x0  }
0xa8: {  	s5 =	sshll.u32 s28, $0x1;
	[dreg:$0x2] =	wrdreg s3  }
0xa9: {  	[dreg:$0x3] =	wrdreg s5  }
0xaa: {  	[dreg:$0x4] =	wrdreg $0xC0  }
0xab: {  	_ =	task [dreg:s7], $0x5FFFF  }
0xac: {  	[dreg:$0x1] =	wrdreg $0xFFFFFFFF  }
0xad: {  	[dreg:$0x0] =	wrdreg $0x60  }
0xae: {  	[dreg:$0x2] =	wrdreg s2  }
0xaf: {  	[dreg:$0x3] =	wrdreg s24  }
0xb0: {  	[dreg:$0x4] =	wrdreg $0x6A000  }
0xb1: {  	[dreg:$0x5] =	wrdreg $0x9  }
0xb2: {  	_ =	task.clear_ibuf [dreg:s7], $0x6FFFF;
	_ =	strace $0x90000049  }
0xb3: {  	s29 =	simm.s32 $0x9;
	_ =	strace $0x8000004B  }
0xb4: {  	_ =	swait.ge [sflag:s29], $0x1  }
0xb5: {  	[sflag:s29] =	ssyncadd.s32 $0xFFFFFFFF  }
0xb6: {  	_ =	strace $0x9000004B  }
0xb7: {  	_ =	sfence  }
0xb8: {  	s30 =	sld [smem:$0x0];
	_ =	sdelay $0x2  }
0xb9: {  	s31 =	sshll.u32 s1, $0xD;
	s1 =	sshrl.u32 s1, $0x2  }
0xba: {  	s3 =	sand.u32 $0x4000, s31;
	s1 =	sadd.s32 s1, s30  }
0xbb: {  	s0 =	sor.u32 s3, s0;
	s1 =	sshll.u32 s1, $0x11  }
0xbc: {  	s0 =	sor.u32 s1, s0  }
0xbd: {  	s0 =	sadd.s32 $0x8F2B, s0  }
0xbe: {  	[sflag:s0] =	ssyncadd.remote.s32 $0x1  }
0xbf: {  	_ =	sfence.sel $0xFFFF  }
0xc0: {  	[dreg:$0x0] =	wrdreg $0xFFFFFFFF;
	(pc) =	sbr.abs _section_cstart, $3  }
0xc1: {  	[dreg:$0x1] =	wrdreg $0xFFFFFFFF  }
0xc2: {  	_ =	task.clear_ibuf [dreg:s7], $0x2FFFF;
	_ =	strace $0x9FFFFFFF  }
0xc3: {  	(tm) =	ssettm $0x7FFFFFFF  }
tec
execute0_lowered:
.L_overlay_start_1:
0x0: {  	(tag) =	ssettag $0x1  }
0x1: {  	s1 =	rddreg [dreg:$0x0]  }
0x2: {  	s5 =	rddreg [dreg:$0x1]  }
0x3: {  	s2 =	rddreg [dreg:$0x2]  }
0x4: {  	s0 =	rddreg [dreg:$0x3]  }
0x5: {  	s3 =	simm.s32 $0x0;
	s4 =	srdreg.scid;
	s13 =	stileid.u32  }
0x6: {  	s18 =	simm.s32 $0x200;
	s19 =	simm.s32 $0x3600;
	s20 =	simm.s32 $0x1  }
0x7: {  	s21 =	simm.s32 $0x80;
	s22 =	simm.s32 $0x3;
	s23 =	simm.s32 $0x2  }
0x8: {  	[smem:$0x7FF] =	sst s3;
	s12 =	sadd.s32 $0x7E200, s5;
	s9 =	smul.u32 $0x4E000, s13  }
0x9: {  	s6 =	sand.u32 $0x1, s4;
	s4 =	sadd.s32 $0x5E00, s5;
	s29 =	smul.u32 $0x13800, s13  }
0xa: {  	s10 =	sadd.s32 $0x8600, s5;
	s28 =	sshll.u32 s13, $0x6;
	s16 =	smul.u32 $0x6400, s13  }
0xb: {  	s17 =	sadd.s32 $0x138000, s2;
	p0 =	sne.s32 s13, $0x0;
	_ =	strace $0x8000004A  }
0xc: {  	s7 =	sshll.u32 s6, $0x4;
	s8 =	ssub.s32 $0x2, s6;
	s26 =	smul.u32 $0x138800, s6  }
0xd: {  	s5 =	sor.u32 $0x1C05, s28;
	s15 =	smul.u32 $0x64000, s6;
	s7 =	sor.u32 s13, s7  }
0xe: {  	s24 =	sshrl.u32 s8, $0x1;
	s25 =	sshrl.u32 s9, $0x2;
	s7 =	smul.u32 $0x6400, s7  }
0xf: {  	s11 =	ssub.s32 s8, s24;
	s14 =	sadd.s32 s25, s2;
	s8 =	sadd.s32 s29, s26  }
0x10: {  	s9 =	sshrl.u32 s26, $0x3;
	s15 =	sadd.s32 s16, s15;
	s16 =	simm.s32 $0x100  }
0x11: {  	s24 =	simm.s32 $0x180;
	s25 =	simm.s32 $0x4;
	s26 =	simm.s32 $0x0  }
0x12: {  	s8 =	sshrl.u32 s8, $0x3;
	s9 =	sadd.s32 s10, s9;
	s30 =	sor.u32 $0x300, s15  }
0x13: {  	s15 =	sor.u32 $0x200, s15;
	s13 =	sshrl.u32 s14, $0x3;
	s14 =	simm.s32 $0x5  }
0x14: {  	s7 =	sshrl.u32 s7, $0x3;
	s8 =	sadd.s32 s10, s8;
	s9 =	sadd.s32 $0x27000, s9  }
0x15: {  	s31 =	sshrl.u32 s30, $0x3;
	s15 =	sshrl.u32 s15, $0x3;
	s10 =	smax.u32 s11, $0x1  }
0x16: {  	s6 =	sadd.s32 s12, s7;
	s11 =	sadd.s32 s31, s12;
	s12 =	sadd.s32 s15, s12  }
0x17: {  	s15 =	sshrl.u32 @!p0 s17, $0x3;
	s17 =	simm.s32 $0x64;
	s7 =	sadd.s32 $0x20, s6  }
.LBB2_1:
0x18: {  	[spmem:s13], [sflag:s5] =	dma.local [hbm:s4], $0x2700  }
0x19: {  	_ =	swait.ge [sflag:s14], $0x2700  }
0x1a: {  	[sflag:s14] =	ssyncset.done $0x0  }
0x1b: {  	s28 =	simm.s32 @!p0 $0x5;
	[sflag:s14] =	ssyncadd.s32 $0xFFFFD900  }
0x1c: {  	[spmem:s15], [sflag:s5] =	dma.local @!p0 [hbm:s4], $0x100  }
0x1d: {  	_ =	swait.ge @!p0 [sflag:s28], $0x100  }
0x1e: {  	[sflag:s28] =	ssyncset.done @!p0 $0x0  }
0x1f: {  	[sflag:s28] =	ssyncadd.s32 @!p0 $0xFFFFFF00  }
0x20: {  	[tilespmem:s3], [sflag:$0x5] =	stream.linear.gather [hbm4b:s6+s3], $0x100, $0x38;
	[tilespmem:$0x1A280] =	vst v63  }
0x21: {  	_ =	swait.ge [sflag:s14], $0x100  }
0x22: {  	[sflag:s14] =	ssyncset.done $0x0  }
0x23: {  	[sflag:s14] =	ssyncadd.s32 $0xFFFFFF00  }
0x24: {  	[tilespmem:s16], [sflag:$0x5] =	stream.linear.gather [hbm4b:s7+s3], $0x100, $0x38;
	[tilespmem:$0x1A280] =	vst v63  }
0x25: {  	_ =	swait.ge [sflag:s14], $0x100  }
0x26: {  	[sflag:s14] =	ssyncset.done $0x0  }
0x27: {  	[sflag:s14] =	ssyncadd.s32 $0xFFFFFF00  }
0x28: {  	[bflag:$0x0] =	sbarrier.arrive $0xFFFF  }
0x29: {  	[tilespmem:s18], [sflag:$0x1] =	stream.indirect.gather [hbm4b:s1+s17], $0x80, s3, s17, $0xb8;
	[tilespmem:$0x1A280] =	vst v63  }
0x2a: {  	_ = 	snop  }
0x2b: {  	[tilespmem:s19], [sflag:$0x2] =	stream.indirect.gather [hbm4b:s1+s17], $0x80, s16, s17, $0xb8;
	[tilespmem:$0x1A280] =	vst v63  }
0x2c: {  	_ =	swait.ge [sflag:s20], $0x3200  }
0x2d: {  	[sflag:s20] =	ssyncset.done $0x0  }
0x2e: {  	[sflag:s20] =	ssyncadd.s32 $0xFFFFCE00  }
0x2f: {  	[spmem:s2] =	stream.indirect.scatter.add.f32 [tilespmem:s18], [sflag:$0x5], $0x80, s21, s17, $0xb8;
	[tilespmem:$0x1A280] =	vst v63  }
0x30: {  	_ =	swait.ge [sflag:s14], $0x3200  }
0x31: {  	[sflag:s14] =	ssyncset.done $0x0  }
0x32: {  	s28 =	sadd.s32 $0x0, s12;
	[sflag:s14] =	ssyncadd.s32 $0xFFFFCE00  }
0x33: {  	[tilespmem:s3], [sflag:$0x3] =	stream.linear.gather [hbm4b:s28+s3], $0x100, $0x38;
	[tilespmem:$0x1A280] =	vst v63  }
0x34: {  	_ =	swait.ge [sflag:s22], $0x100  }
0x35: {  	[sflag:s22] =	ssyncset.done $0x0  }
0x36: {  	[sflag:s22] =	ssyncadd.s32 $0xFFFFFF00  }
0x37: {  	_ =	swait.ge [sflag:s23], $0x3200  }
0x38: {  	[sflag:s23] =	ssyncset.done $0x0  }
0x39: {  	[sflag:s23] =	ssyncadd.s32 $0xFFFFCE00  }
0x3a: {  	[tilespmem:s18], [sflag:$0x1] =	stream.indirect.gather [hbm4b:s1+s17], $0x80, s3, s17, $0xb8;
	[tilespmem:$0x1A280] =	vst v63  }
0x3b: {  	_ = 	snop  }
0x3c: {  	[spmem:s2] =	stream.indirect.scatter.add.f32 [tilespmem:s19], [sflag:$0x5], $0x80, s24, s17, $0xb8;
	[tilespmem:$0x1A280] =	vst v63  }
0x3d: {  	_ =	swait.ge [sflag:s14], $0x3200  }
0x3e: {  	[sflag:s14] =	ssyncset.done $0x0  }
0x3f: {  	s28 =	sadd.s32 $0x0, s11;
	[sflag:s14] =	ssyncadd.s32 $0xFFFFCE00  }
0x40: {  	[tilespmem:s16], [sflag:$0x4] =	stream.linear.gather [hbm4b:s28+s3], $0x100, $0x38;
	[tilespmem:$0x1A280] =	vst v63  }
0x41: {  	_ =	swait.ge [sflag:s25], $0x100  }
0x42: {  	s28 =	simm.s32 $0x40;
	[sflag:s25] =	ssyncset.done $0x0  }
.LBB2_2:
0x43: {  	p1 =	sne.s32 s28, $0xC00  }
0x44: {  	[sflag:s25] =	ssyncadd.s32 $0xFFFFFF00;
	s29 =	smov.u32 s28;
	s28 =	sadd.s32 $0x40, s28  }
0x45: {  	[tilespmem:s19], [sflag:$0x2] =	stream.indirect.gather [hbm4b:s1+s17], $0x80, s16, s17, $0xb8;
	[tilespmem:$0x1A280] =	vst v63  }
0x46: {  	_ =	swait.ge [sflag:s20], $0x3200  }
0x47: {  	[sflag:s20] =	ssyncset.done $0x0  }
0x48: {  	[sflag:s20] =	ssyncadd.s32 $0xFFFFCE00  }
0x49: {  	[spmem:s2] =	stream.indirect.scatter.add.f32 [tilespmem:s18], [sflag:$0x5], $0x80, s21, s17, $0xb8;
	[tilespmem:$0x1A280] =	vst v63  }
0x4a: {  	_ =	swait.ge [sflag:s14], $0x3200  }
0x4b: {  	[sflag:s14] =	ssyncset.done $0x0  }
0x4c: {  	s30 =	sadd.s32 s29, s12;
	[sflag:s14] =	ssyncadd.s32 $0xFFFFCE00  }
0x4d: {  	[tilespmem:s3], [sflag:$0x3] =	stream.linear.gather [hbm4b:s30+s3], $0x100, $0x38;
	[tilespmem:$0x1A280] =	vst v63  }
0x4e: {  	_ =	swait.ge [sflag:s22], $0x100  }
0x4f: {  	[sflag:s22] =	ssyncset.done $0x0  }
0x50: {  	[sflag:s22] =	ssyncadd.s32 $0xFFFFFF00  }
0x51: {  	_ =	swait.ge [sflag:s23], $0x3200  }
0x52: {  	[sflag:s23] =	ssyncset.done $0x0  }
0x53: {  	[sflag:s23] =	ssyncadd.s32 $0xFFFFCE00  }
0x54: {  	[tilespmem:s18], [sflag:$0x1] =	stream.indirect.gather [hbm4b:s1+s17], $0x80, s3, s17, $0xb8;
	[tilespmem:$0x1A280] =	vst v63  }
0x55: {  	_ = 	snop  }
0x56: {  	[spmem:s2] =	stream.indirect.scatter.add.f32 [tilespmem:s19], [sflag:$0x5], $0x80, s24, s17, $0xb8;
	[tilespmem:$0x1A280] =	vst v63  }
0x57: {  	_ =	swait.ge [sflag:s14], $0x3200  }
.Ltmp0:
0x58: {  	[sflag:s14] =	ssyncset.done $0x0;
	(pc) =	sbr.rel @p1 .LBB2_2-.Ltmp0, $4  }
0x59: {  	s29 =	sadd.s32 s29, s11;
	[sflag:s14] =	ssyncadd.s32 $0xFFFFCE00  }
0x5a: {  	[tilespmem:s16], [sflag:$0x4] =	stream.linear.gather [hbm4b:s29+s3], $0x100, $0x38;
	[tilespmem:$0x1A280] =	vst v63  }
0x5b: {  	_ =	swait.ge [sflag:s25], $0x100  }
0x5c: {  	[sflag:s25] =	ssyncset.done $0x0  }
0x5d: {  	[sflag:s25] =	ssyncadd.s32 $0xFFFFFF00  }
0x5e: {  	[tilespmem:s19], [sflag:$0x2] =	stream.indirect.gather [hbm4b:s1+s17], $0x80, s16, s17, $0xb8;
	[tilespmem:$0x1A280] =	vst v63  }
0x5f: {  	_ =	swait.ge [sflag:s20], $0x3200  }
0x60: {  	[sflag:s20] =	ssyncset.done $0x0  }
0x61: {  	[sflag:s20] =	ssyncadd.s32 $0xFFFFCE00  }
0x62: {  	[spmem:s2] =	stream.indirect.scatter.add.f32 [tilespmem:s18], [sflag:$0x5], $0x80, s21, s17, $0xb8;
	[tilespmem:$0x1A280] =	vst v63  }
0x63: {  	_ =	swait.ge [sflag:s14], $0x3200  }
0x64: {  	[sflag:s14] =	ssyncset.done $0x0  }
0x65: {  	[sflag:s14] =	ssyncadd.s32 $0xFFFFCE00  }
0x66: {  	_ =	swait.ge [sflag:s23], $0x3200  }
0x67: {  	[sflag:s23] =	ssyncset.done $0x0  }
0x68: {  	[sflag:s23] =	ssyncadd.s32 $0xFFFFCE00  }
0x69: {  	[spmem:s2] =	stream.indirect.scatter.add.f32 [tilespmem:s19], [sflag:$0x5], $0x80, s24, s17, $0xb8;
	[tilespmem:$0x1A280] =	vst v63  }
0x6a: {  	_ =	swait.ge [sflag:s14], $0x3200  }
0x6b: {  	[sflag:s14] =	ssyncset.done $0x0  }
0x6c: {  	[sflag:s14] =	ssyncadd.s32 $0xFFFFCE00  }
0x6d: {  	[bflag:$0x0] =	sbarrier.arrive $0xFFFF  }
0x6e: {  	[hbm:s8], [sflag:s5] =	dma.local [spmem:s13], $0x2700  }
0x6f: {  	s26 =	sadd.s32 $0x1, s26;
	_ =	swait.ge [sflag:s14], $0x2700  }
0x70: {  	p1 =	sne.s32 s26, s10;
	[sflag:s14] =	ssyncset.done $0x0  }
.Ltmp1:
0x71: {  	s28 =	simm.s32 @!p0 $0x5;
	[sflag:s14] =	ssyncadd.s32 $0xFFFFD900;
	(pc) =	sbr.rel @p1 .LBB2_1-.Ltmp1, $4  }
0x72: {  	[hbm:s9], [sflag:s5] =	dma.local @!p0 [spmem:s15], $0x100  }
0x73: {  	_ =	swait.ge @!p0 [sflag:s28], $0x100  }
0x74: {  	[sflag:s28] =	ssyncset.done @!p0 $0x0  }
0x75: {  	[sflag:s28] =	ssyncadd.s32 @!p0 $0xFFFFFF00  }
0x76: {  	_ =	sfence.sel $0x180000  }
0x77: {  	[bflag:$0x0] =	sbarrier.arrive $0xFFFF  }
0x78: {  	_ =	strace $0x9000004A  }
0x79: {  	s0 =	sadd.s32 @!p0 $0x100000, s0;
	[bflag:$0x2] =	sbarrier.arrive $0xFFFF  }
0x7a: {  	[sflag:s0] =	ssyncadd.tile.s32 @!p0 $0x1;
	_ =	shalt  }
.Lfunc_end2:
_tile_overlayer_lowered:
.L_overlay_start_2:
0x7b: {  	(tag) =	ssettag $0x2  }
0x7c: {  	s0 =	rddreg [dreg:$0x0];
	s2 =	stileid.u32  }
0x7d: {  	s1 =	rddreg [dreg:$0x1];
	p0 =	sne.s32 s2, $0x0  }
0x7e: {  	s3 =	rddreg [dreg:$0x2];
	[bflag:$0x3] =	sbarrier.arrive $0xFFFF;
	s2 =	simm.s32 @!p0 $0x1C05  }
0x7f: {  	[timem:s3], [sflag:s2] =	dma.local @!p0 [hbm:s0], s1  }
0x80: {  	s0 =	simm.s32 @!p0 $0x5  }
0x81: {  	_ =	swait.ge @!p0 [sflag:s0], s1  }
0x82: {  	s1 =	ssub.s32 @!p0 $0x0, s1;
	[sflag:s0] =	ssyncset.done @!p0 $0x0  }
0x83: {  	[sflag:s0] =	ssyncadd.s32 @!p0 s1  }
0x84: {  	[bflag:$0x3] =	sbarrier.arrive $0xFFFF  }
0x85: {  	_ =	shalt  }

// kernel: kernel.17.cloned.1.call-start
scs
__scs_entry_jumppad:
0x0: {  	(pc) =	sbr.rel $0x88, $3  }
0x1: {  	(tag) =	ssettag $0x0;
	lr =	simm.s32 $0x1  }
0x2: {  	[smem:$0x3F8D] =	sst lr;
	_ =	strace $0xD0000000  }
0x3: {  	_ = 	snop  }
0x4: {  	_ = 	snop  }
0x5: {  	_ = 	snop  }
0x6: {  	_ = 	snop  }
0x7: {  	_ = 	snop  }
__scs_overlays_trampoline_lowered:
0x8: {  	[smem:$0x3F9C] =	sst s0  }
0x9: {  	[smem:$0x3F9D] =	sst s1  }
0xa: {  	[smem:$0x3F9E] =	sst s2  }
0xb: {  	[smem:$0x3F9F] =	sst s3  }
0xc: {  	[smem:$0x3FA0] =	sst s4  }
0xd: {  	[smem:$0x3FA1] =	sst s5  }
0xe: {  	[smem:$0x3FA2] =	sst s6  }
0xf: {  	[smem:$0x3FA3] =	sst s7  }
0x10: {  	[smem:$0x3FA4] =	sst s8  }
0x11: {  	[smem:$0x3FA5] =	sst s9;
	s0 =	simm.s32 @!p0 $0x0  }
0x12: {  	s1 =	sld [smem:$0x3F8B];
	s0 =	simm.s32 @p0 $0x1  }
0x13: {  	[smem:$0x3FA6] =	sst s0;
	s0 =	simm.s32 @!p1 $0x0  }
0x14: {  	s2 =	sld [smem:$0x3F8A];
	s0 =	simm.s32 @p1 $0x1  }
0x15: {  	[smem:$0x3FA7] =	sst s0;
	s0 =	simm.s32 @!p2 $0x0  }
0x16: {  	s3 =	sld [smem:$0x3FDB];
	s0 =	simm.s32 @p2 $0x1  }
0x17: {  	s4 =	simm.s32 $0x1BF5;
	[smem:$0x3FA9] =	sst s0  }
0x18: {  	s0 =	sld [smem:$0x3F8C];
	_ =	swait.ge [sflag:s4], $0x0  }
0x19: {  	s7 =	sld [smem:$0x3F8D]  }
0x1a: {  	s8 =	sadd.s32 $0xFFFFE003, lr  }
0x1b: {  	s9 =	sadd.s32 $0xFFFFFEF7, lr;
	s5 =	simm.s32 $0xFFFFFFFF;
	p2 =	slt.u32 s8, $0xFFFFF086  }
0x1c: {  	p1 =	slt.u32 s9, $0xF7A;
	s5 =	simm.s32 @!p2 $0x0  }
0x1d: {  	s5 =	simm.s32 @p1 $0x1;
	p0 =	seq.s32 s7, s2  }
0x1e: {  	s7 =	smul.u32 @!p0 $0xF7A, s2;
	p2 =	seq.s32 @!p0 s5, $0x0  }
0x1f: {  	s9 =	smul.u32 $0xF7A, s1;
	s8 =	simm.s32 @!p0 $0x1BF5;
	p2 =	por !p2, p0  }
0x20: {  	[sflag:s8] =	ssyncset.s32 @!p0 $0xFFFFF086;
	s6 =	sadd.s32 @!p0 s3, s7;
	s7 =	simm.s32 @!p0 $0x108  }
0x21: {  	s3 =	sadd.s32 s3, s9;
	s6 =	sadd.s32 @!p0 $0x88, s6;
	s7 =	simm.s32 @p2 $0x1082  }
0x22: {  	[simem:s7], [sflag:s8] =	dma.local @!p0 [hbm:s6], $0xF7A  }
0x23: {  	s9 =	sor.u32 $0xD0000000, s2;
	s6 =	simm.s32 $0x108;
	_ =	swait.ge @!p0 [sflag:s8], $0x0  }
0x24: {  	s3 =	sadd.s32 $0x88, s3;
	s6 =	simm.s32 @!p1 $0x1082;
	[sflag:s4] =	ssyncset.s32 $0xFFFFF086  }
0x25: {  	[simem:s6], [sflag:s4] =	dma.local [hbm:s3], $0xF7A  }
0x26: {  	[smem:$0x3F8D] =	sst s1;
	(tag) =	ssettag s2;
	_ =	strace s9  }
0x27: {  	s1 =	sld [smem:$0x3F9D]  }
0x28: {  	s2 =	sld [smem:$0x3F9E]  }
0x29: {  	s4 =	sld [smem:$0x3FA0]  }
0x2a: {  	p0 =	seq.s32 s5, $0x0;
	s5 =	sld [smem:$0x3FA1]  }
0x2b: {  	s6 =	sld [smem:$0x3FA2]  }
0x2c: {  	s7 =	sld [smem:$0x3FA3]  }
0x2d: {  	s3 =	simm.s32 $0x108;
	s8 =	sld [smem:$0x3FA4]  }
0x2e: {  	s3 =	simm.s32 @!p0 $0x1082;
	s9 =	sld [smem:$0x3FA5]  }
0x2f: {  	lr =	sadd.s32 s0, s3;
	s0 =	sld [smem:$0x3F9C]  }
0x30: {  	s3 =	sld [smem:$0x3F9F]  }
0x31: {  	[smem:$0x3FA8] =	sst s10  }
0x32: {  	s10 =	sld [smem:$0x3FA6];
	_ =	sdelay $0x3  }
0x33: {  	p0 =	seq.s32 s10, $0x1;
	s10 =	sld [smem:$0x3FA8];
	_ =	sdelay $0x3  }
0x34: {  	[smem:$0x3FA8] =	sst s10  }
0x35: {  	s10 =	sld [smem:$0x3FA7];
	_ =	sdelay $0x3  }
0x36: {  	p1 =	seq.s32 s10, $0x1;
	s10 =	sld [smem:$0x3FA8];
	_ =	sdelay $0x3  }
0x37: {  	[smem:$0x3FA8] =	sst s10  }
0x38: {  	s10 =	sld [smem:$0x3FA9]  }
0x39: {  	_ = 	snop;
	(pc) =	sbr.ind lr, $3  }
0x3a: {  	_ = 	snop  }
0x3b: {  	_ = 	snop  }
0x3c: {  	p2 =	seq.s32 s10, $0x1;
	s10 =	sld [smem:$0x3FA8]  }
0x3d: {  	_ =	shalt  }
0x3e: {  	_ =	shalt  }
0x3f: {  	_ =	shalt  }
0x40: {  	_ =	shalt  }
0x41: {  	_ =	shalt  }
0x42: {  	_ =	shalt  }
0x43: {  	_ =	shalt  }
0x44: {  	_ =	shalt  }
0x45: {  	_ =	shalt  }
0x46: {  	_ =	shalt  }
0x47: {  	_ =	shalt  }
0x48: {  	_ =	shalt  }
0x49: {  	_ =	shalt  }
0x4a: {  	_ =	shalt  }
0x4b: {  	_ =	shalt  }
0x4c: {  	_ =	shalt  }
0x4d: {  	_ =	shalt  }
0x4e: {  	_ =	shalt  }
0x4f: {  	_ =	shalt  }
0x50: {  	_ =	shalt  }
0x51: {  	_ =	shalt  }
0x52: {  	_ =	shalt  }
0x53: {  	_ =	shalt  }
0x54: {  	_ =	shalt  }
0x55: {  	_ =	shalt  }
0x56: {  	_ =	shalt  }
0x57: {  	_ =	shalt  }
0x58: {  	_ =	shalt  }
0x59: {  	_ =	shalt  }
0x5a: {  	_ =	shalt  }
0x5b: {  	_ =	shalt  }
0x5c: {  	_ =	shalt  }
0x5d: {  	_ =	shalt  }
0x5e: {  	_ =	shalt  }
0x5f: {  	_ =	shalt  }
0x60: {  	_ =	shalt  }
0x61: {  	_ =	shalt  }
0x62: {  	_ =	shalt  }
0x63: {  	_ =	shalt  }
0x64: {  	_ =	shalt  }
0x65: {  	_ =	shalt  }
0x66: {  	_ =	shalt  }
0x67: {  	_ =	shalt  }
0x68: {  	_ =	shalt  }
0x69: {  	_ =	shalt  }
0x6a: {  	_ =	shalt  }
0x6b: {  	_ =	shalt  }
0x6c: {  	_ =	shalt  }
0x6d: {  	_ =	shalt  }
0x6e: {  	_ =	shalt  }
0x6f: {  	_ =	shalt  }
0x70: {  	_ =	shalt  }
0x71: {  	_ =	shalt  }
0x72: {  	_ =	shalt  }
0x73: {  	_ =	shalt  }
0x74: {  	_ =	shalt  }
0x75: {  	_ =	shalt  }
0x76: {  	_ =	shalt  }
0x77: {  	_ =	shalt  }
0x78: {  	_ =	shalt  }
0x79: {  	_ =	shalt  }
0x7a: {  	_ =	shalt  }
0x7b: {  	_ =	shalt  }
0x7c: {  	_ =	shalt  }
0x7d: {  	_ =	shalt  }
0x7e: {  	_ =	shalt  }
0x7f: {  	_ =	shalt  }
0x80: {  	_ =	shalt  }
0x81: {  	_ =	shalt  }
0x82: {  	_ =	shalt  }
0x83: {  	_ =	shalt  }
0x84: {  	_ =	shalt  }
0x85: {  	_ =	shalt  }
0x86: {  	_ =	shalt  }
0x87: {  	_ =	shalt  }
.Lfunc_end0:
.L_simem_size_0:
called_computation.2_lowered:
.L_overlay_start_0:
0x88: {  	s2 =	sld [smem:$0x3FD9]  }
0x89: {  	s3 =	sld [smem:$0x3FFE];
	_ =	sdelay $0x1  }
0x8a: {  	s1 =	srdreg.scid  }
0x8b: {  	s0 =	sand.u32 $0x1, s1  }
0x8c: {  	s17 =	sshll.u32 s0, $0xA;
	s2 =	sadd.s32 s3, s2  }
0x8d: {  	s2 =	sadd.s32 s2, s17  }
0x8e: {  	[smem:$0x3FB4] =	sst s2  }
0x8f: {  	_ = 	snop  }
0x90: {  	s2 =	sld [smem:$0x3FD0];
	(tm) =	ssettm $0x1  }
0x91: {  	s18 =	sld [smem:$0x3FFB];
	_ =	sdelay $0x3  }
0x92: {  	_ =	strace s18  }
0x93: {  	s3 =	sld [smem:$0x3FFC];
	_ =	sdelay $0x3  }
0x94: {  	_ =	strace s3  }
0x95: {  	s3 =	sld [smem:$0x3FFD];
	_ =	sdelay $0x3  }
0x96: {  	_ =	strace s3  }
0x97: {  	_ =	strace $0x8FFFFFFF  }
0x98: {  	s19 =	sld [smem:$0x3FDB];
	_ =	sdelay $0x1  }
0x99: {  	s4 =	simm.s32 $_scs_section_size  }
0x9a: {  	s5 =	simm.s32 $_size__tile_overlayer_lowered;
	s6 =	simm.s32 $_tile_overlayer_lowered  }
0x9b: {  	s22 =	simm.s32 $0x1BFF;
	s21 =	sshll.u32 s6, $0x1;
	s3 =	sadd.s32 s4, s19  }
0x9c: {  	s7 =	simm.s32 $0x0;
	s20 =	sshll.u32 s5, $0x1;
	s5 =	sadd.s32 s21, s3  }
0x9d: {  	[timem:s7], [sflag:s22] =	dma.local [hbm:s5], s20  }
0x9e: {  	_ =	swait.ge [sflag:s22], s20  }
0x9f: {  	s4 =	ssub.s32 $0x0, s20;
	[sflag:s22] =	ssyncset.done $0x0  }
0xa0: {  	[sflag:s22] =	ssyncadd.s32 s4;
	_ =	sdelay $0x1  }
0xa1: {  	s23 =	simm.s32 $0x1B8B  }
0xa2: {  	_ =	swait.ge [sflag:s23], $0x1  }
0xa3: {  	[sflag:s23] =	ssyncset.done $0x0  }
0xa4: {  	s25 =	simm.s32 $0x1B8E;
	s24 =	sld [smem:$0x3FFE];
	[sflag:s23] =	ssyncadd.s32 $0xFFFFFFFF  }
0xa5: {  	s26 =	simm.s32 $execute0_lowered;
	[smem:$0x3FD2] =	sst s25  }
0xa6: {  	s5 =	sshll.u32 s26, $0x1;
	_ =	strace $0x8000004C;
	[dreg:$0x1] =	wrdreg $0xFFFFFFFF  }
0xa7: {  	s28 =	simm.s32 $_size_execute0_lowered;
	s3 =	sadd.s32 s3, s5;
	[dreg:$0x0] =	wrdreg $0x0  }
0xa8: {  	s5 =	sshll.u32 s28, $0x1;
	[dreg:$0x2] =	wrdreg s3  }
0xa9: {  	[dreg:$0x3] =	wrdreg s5  }
0xaa: {  	[dreg:$0x4] =	wrdreg $0xC0  }
0xab: {  	_ =	task [dreg:s7], $0x5FFFF  }
0xac: {  	[dreg:$0x1] =	wrdreg $0xFFFFFFFF  }
0xad: {  	[dreg:$0x0] =	wrdreg $0x60  }
0xae: {  	[dreg:$0x2] =	wrdreg s2  }
0xaf: {  	[dreg:$0x3] =	wrdreg s24  }
0xb0: {  	[dreg:$0x4] =	wrdreg $0x6A000  }
0xb1: {  	[dreg:$0x5] =	wrdreg $0x9  }
0xb2: {  	_ =	task.clear_ibuf [dreg:s7], $0x6FFFF;
	_ =	strace $0x9000004C  }
0xb3: {  	s29 =	simm.s32 $0x9;
	_ =	strace $0x8000004E  }
0xb4: {  	_ =	swait.ge [sflag:s29], $0x1  }
0xb5: {  	[sflag:s29] =	ssyncadd.s32 $0xFFFFFFFF  }
0xb6: {  	_ =	strace $0x9000004E  }
0xb7: {  	_ =	sfence  }
0xb8: {  	s30 =	sld [smem:$0x0];
	_ =	sdelay $0x2  }
0xb9: {  	s31 =	sshll.u32 s1, $0xD;
	s1 =	sshrl.u32 s1, $0x2  }
0xba: {  	s3 =	sand.u32 $0x4000, s31;
	s1 =	sadd.s32 s1, s30  }
0xbb: {  	s0 =	sor.u32 s3, s0;
	s1 =	sshll.u32 s1, $0x11  }
0xbc: {  	s0 =	sor.u32 s1, s0  }
0xbd: {  	s0 =	sadd.s32 $0x8F2B, s0  }
0xbe: {  	[sflag:s0] =	ssyncadd.remote.s32 $0x1  }
0xbf: {  	_ =	sfence.sel $0xFFFF  }
0xc0: {  	[dreg:$0x0] =	wrdreg $0xFFFFFFFF;
	(pc) =	sbr.abs _section_cstart, $3  }
0xc1: {  	[dreg:$0x1] =	wrdreg $0xFFFFFFFF  }
0xc2: {  	_ =	task.clear_ibuf [dreg:s7], $0x2FFFF;
	_ =	strace $0x9FFFFFFF  }
0xc3: {  	(tm) =	ssettm $0x7FFFFFFF  }
tec
execute0_lowered:
.L_overlay_start_1:
0x0: {  	(tag) =	ssettag $0x1  }
0x1: {  	s1 =	rddreg [dreg:$0x0]  }
0x2: {  	s5 =	rddreg [dreg:$0x1]  }
0x3: {  	s2 =	rddreg [dreg:$0x2]  }
0x4: {  	s0 =	rddreg [dreg:$0x3]  }
0x5: {  	s3 =	simm.s32 $0x0;
	s4 =	srdreg.scid;
	s13 =	stileid.u32  }
0x6: {  	s18 =	simm.s32 $0x200;
	s19 =	simm.s32 $0x3600;
	s20 =	simm.s32 $0x1  }
0x7: {  	s21 =	simm.s32 $0x80;
	s22 =	simm.s32 $0x3;
	s23 =	simm.s32 $0x2  }
0x8: {  	[smem:$0x7FF] =	sst s3;
	s12 =	sadd.s32 $0x7E200, s5;
	s9 =	smul.u32 $0x4E000, s13  }
0x9: {  	s6 =	sand.u32 $0x1, s4;
	s4 =	sadd.s32 $0x5E00, s5;
	s29 =	smul.u32 $0x13800, s13  }
0xa: {  	s10 =	sadd.s32 $0x2F800, s5;
	s28 =	sshll.u32 s13, $0x6;
	s16 =	smul.u32 $0x6400, s13  }
0xb: {  	s17 =	sadd.s32 $0x138000, s2;
	p0 =	sne.s32 s13, $0x0;
	_ =	strace $0x8000004D  }
0xc: {  	s7 =	sshll.u32 s6, $0x4;
	s8 =	ssub.s32 $0x2, s6;
	s26 =	smul.u32 $0x138800, s6  }
0xd: {  	s5 =	sor.u32 $0x1C05, s28;
	s15 =	smul.u32 $0x64000, s6;
	s7 =	sor.u32 s13, s7  }
0xe: {  	s24 =	sshrl.u32 s8, $0x1;
	s25 =	sshrl.u32 s9, $0x2;
	s7 =	smul.u32 $0x6400, s7  }
0xf: {  	s11 =	ssub.s32 s8, s24;
	s14 =	sadd.s32 s25, s2;
	s8 =	sadd.s32 s29, s26  }
0x10: {  	s9 =	sshrl.u32 s26, $0x3;
	s15 =	sadd.s32 s16, s15;
	s16 =	simm.s32 $0x100  }
0x11: {  	s24 =	simm.s32 $0x180;
	s25 =	simm.s32 $0x4;
	s26 =	simm.s32 $0x0  }
0x12: {  	s8 =	sshrl.u32 s8, $0x3;
	s9 =	sadd.s32 s10, s9;
	s30 =	sor.u32 $0x300, s15  }
0x13: {  	s15 =	sor.u32 $0x200, s15;
	s13 =	sshrl.u32 s14, $0x3;
	s14 =	simm.s32 $0x5  }
0x14: {  	s7 =	sshrl.u32 s7, $0x3;
	s8 =	sadd.s32 s10, s8;
	s9 =	sadd.s32 $0x27000, s9  }
0x15: {  	s31 =	sshrl.u32 s30, $0x3;
	s15 =	sshrl.u32 s15, $0x3;
	s10 =	smax.u32 s11, $0x1  }
0x16: {  	s6 =	sadd.s32 s12, s7;
	s11 =	sadd.s32 s31, s12;
	s12 =	sadd.s32 s15, s12  }
0x17: {  	s15 =	sshrl.u32 @!p0 s17, $0x3;
	s17 =	simm.s32 $0x64;
	s7 =	sadd.s32 $0x20, s6  }
.LBB2_1:
0x18: {  	[spmem:s13], [sflag:s5] =	dma.local [hbm:s4], $0x2700  }
0x19: {  	_ =	swait.ge [sflag:s14], $0x2700  }
0x1a: {  	[sflag:s14] =	ssyncset.done $0x0  }
0x1b: {  	s28 =	simm.s32 @!p0 $0x5;
	[sflag:s14] =	ssyncadd.s32 $0xFFFFD900  }
0x1c: {  	[spmem:s15], [sflag:s5] =	dma.local @!p0 [hbm:s4], $0x100  }
0x1d: {  	_ =	swait.ge @!p0 [sflag:s28], $0x100  }
0x1e: {  	[sflag:s28] =	ssyncset.done @!p0 $0x0  }
0x1f: {  	[sflag:s28] =	ssyncadd.s32 @!p0 $0xFFFFFF00  }
0x20: {  	[tilespmem:s3], [sflag:$0x5] =	stream.linear.gather [hbm4b:s6+s3], $0x100, $0x38;
	[tilespmem:$0x1A280] =	vst v63  }
0x21: {  	_ =	swait.ge [sflag:s14], $0x100  }
0x22: {  	[sflag:s14] =	ssyncset.done $0x0  }
0x23: {  	[sflag:s14] =	ssyncadd.s32 $0xFFFFFF00  }
0x24: {  	[tilespmem:s16], [sflag:$0x5] =	stream.linear.gather [hbm4b:s7+s3], $0x100, $0x38;
	[tilespmem:$0x1A280] =	vst v63  }
0x25: {  	_ =	swait.ge [sflag:s14], $0x100  }
0x26: {  	[sflag:s14] =	ssyncset.done $0x0  }
0x27: {  	[sflag:s14] =	ssyncadd.s32 $0xFFFFFF00  }
0x28: {  	[bflag:$0x0] =	sbarrier.arrive $0xFFFF  }
0x29: {  	[tilespmem:s18], [sflag:$0x1] =	stream.indirect.gather [hbm4b:s1+s17], $0x80, s3, s17, $0xb8;
	[tilespmem:$0x1A280] =	vst v63  }
0x2a: {  	_ = 	snop  }
0x2b: {  	[tilespmem:s19], [sflag:$0x2] =	stream.indirect.gather [hbm4b:s1+s17], $0x80, s16, s17, $0xb8;
	[tilespmem:$0x1A280] =	vst v63  }
0x2c: {  	_ =	swait.ge [sflag:s20], $0x3200  }
0x2d: {  	[sflag:s20] =	ssyncset.done $0x0  }
0x2e: {  	[sflag:s20] =	ssyncadd.s32 $0xFFFFCE00  }
0x2f: {  	[spmem:s2] =	stream.indirect.scatter.add.f32 [tilespmem:s18], [sflag:$0x5], $0x80, s21, s17, $0xb8;
	[tilespmem:$0x1A280] =	vst v63  }
0x30: {  	_ =	swait.ge [sflag:s14], $0x3200  }
0x31: {  	[sflag:s14] =	ssyncset.done $0x0  }
0x32: {  	s28 =	sadd.s32 $0x0, s12;
	[sflag:s14] =	ssyncadd.s32 $0xFFFFCE00  }
0x33: {  	[tilespmem:s3], [sflag:$0x3] =	stream.linear.gather [hbm4b:s28+s3], $0x100, $0x38;
	[tilespmem:$0x1A280] =	vst v63  }
0x34: {  	_ =	swait.ge [sflag:s22], $0x100  }
0x35: {  	[sflag:s22] =	ssyncset.done $0x0  }
0x36: {  	[sflag:s22] =	ssyncadd.s32 $0xFFFFFF00  }
0x37: {  	_ =	swait.ge [sflag:s23], $0x3200  }
0x38: {  	[sflag:s23] =	ssyncset.done $0x0  }
0x39: {  	[sflag:s23] =	ssyncadd.s32 $0xFFFFCE00  }
0x3a: {  	[tilespmem:s18], [sflag:$0x1] =	stream.indirect.gather [hbm4b:s1+s17], $0x80, s3, s17, $0xb8;
	[tilespmem:$0x1A280] =	vst v63  }
0x3b: {  	_ = 	snop  }
0x3c: {  	[spmem:s2] =	stream.indirect.scatter.add.f32 [tilespmem:s19], [sflag:$0x5], $0x80, s24, s17, $0xb8;
	[tilespmem:$0x1A280] =	vst v63  }
0x3d: {  	_ =	swait.ge [sflag:s14], $0x3200  }
0x3e: {  	[sflag:s14] =	ssyncset.done $0x0  }
0x3f: {  	s28 =	sadd.s32 $0x0, s11;
	[sflag:s14] =	ssyncadd.s32 $0xFFFFCE00  }
0x40: {  	[tilespmem:s16], [sflag:$0x4] =	stream.linear.gather [hbm4b:s28+s3], $0x100, $0x38;
	[tilespmem:$0x1A280] =	vst v63  }
0x41: {  	_ =	swait.ge [sflag:s25], $0x100  }
0x42: {  	s28 =	simm.s32 $0x40;
	[sflag:s25] =	ssyncset.done $0x0  }
.LBB2_2:
0x43: {  	p1 =	sne.s32 s28, $0xC00  }
0x44: {  	[sflag:s25] =	ssyncadd.s32 $0xFFFFFF00;
	s29 =	smov.u32 s28;
	s28 =	sadd.s32 $0x40, s28  }
0x45: {  	[tilespmem:s19], [sflag:$0x2] =	stream.indirect.gather [hbm4b:s1+s17], $0x80, s16, s17, $0xb8;
	[tilespmem:$0x1A280] =	vst v63  }
0x46: {  	_ =	swait.ge [sflag:s20], $0x3200  }
0x47: {  	[sflag:s20] =	ssyncset.done $0x0  }
0x48: {  	[sflag:s20] =	ssyncadd.s32 $0xFFFFCE00  }
0x49: {  	[spmem:s2] =	stream.indirect.scatter.add.f32 [tilespmem:s18], [sflag:$0x5], $0x80, s21, s17, $0xb8;
	[tilespmem:$0x1A280] =	vst v63  }
0x4a: {  	_ =	swait.ge [sflag:s14], $0x3200  }
0x4b: {  	[sflag:s14] =	ssyncset.done $0x0  }
0x4c: {  	s30 =	sadd.s32 s29, s12;
	[sflag:s14] =	ssyncadd.s32 $0xFFFFCE00  }
0x4d: {  	[tilespmem:s3], [sflag:$0x3] =	stream.linear.gather [hbm4b:s30+s3], $0x100, $0x38;
	[tilespmem:$0x1A280] =	vst v63  }
0x4e: {  	_ =	swait.ge [sflag:s22], $0x100  }
0x4f: {  	[sflag:s22] =	ssyncset.done $0x0  }
0x50: {  	[sflag:s22] =	ssyncadd.s32 $0xFFFFFF00  }
0x51: {  	_ =	swait.ge [sflag:s23], $0x3200  }
0x52: {  	[sflag:s23] =	ssyncset.done $0x0  }
0x53: {  	[sflag:s23] =	ssyncadd.s32 $0xFFFFCE00  }
0x54: {  	[tilespmem:s18], [sflag:$0x1] =	stream.indirect.gather [hbm4b:s1+s17], $0x80, s3, s17, $0xb8;
	[tilespmem:$0x1A280] =	vst v63  }
0x55: {  	_ = 	snop  }
0x56: {  	[spmem:s2] =	stream.indirect.scatter.add.f32 [tilespmem:s19], [sflag:$0x5], $0x80, s24, s17, $0xb8;
	[tilespmem:$0x1A280] =	vst v63  }
0x57: {  	_ =	swait.ge [sflag:s14], $0x3200  }
.Ltmp0:
0x58: {  	[sflag:s14] =	ssyncset.done $0x0;
	(pc) =	sbr.rel @p1 .LBB2_2-.Ltmp0, $4  }
0x59: {  	s29 =	sadd.s32 s29, s11;
	[sflag:s14] =	ssyncadd.s32 $0xFFFFCE00  }
0x5a: {  	[tilespmem:s16], [sflag:$0x4] =	stream.linear.gather [hbm4b:s29+s3], $0x100, $0x38;
	[tilespmem:$0x1A280] =	vst v63  }
0x5b: {  	_ =	swait.ge [sflag:s25], $0x100  }
0x5c: {  	[sflag:s25] =	ssyncset.done $0x0  }
0x5d: {  	[sflag:s25] =	ssyncadd.s32 $0xFFFFFF00  }
0x5e: {  	[tilespmem:s19], [sflag:$0x2] =	stream.indirect.gather [hbm4b:s1+s17], $0x80, s16, s17, $0xb8;
	[tilespmem:$0x1A280] =	vst v63  }
0x5f: {  	_ =	swait.ge [sflag:s20], $0x3200  }
0x60: {  	[sflag:s20] =	ssyncset.done $0x0  }
0x61: {  	[sflag:s20] =	ssyncadd.s32 $0xFFFFCE00  }
0x62: {  	[spmem:s2] =	stream.indirect.scatter.add.f32 [tilespmem:s18], [sflag:$0x5], $0x80, s21, s17, $0xb8;
	[tilespmem:$0x1A280] =	vst v63  }
0x63: {  	_ =	swait.ge [sflag:s14], $0x3200  }
0x64: {  	[sflag:s14] =	ssyncset.done $0x0  }
0x65: {  	[sflag:s14] =	ssyncadd.s32 $0xFFFFCE00  }
0x66: {  	_ =	swait.ge [sflag:s23], $0x3200  }
0x67: {  	[sflag:s23] =	ssyncset.done $0x0  }
0x68: {  	[sflag:s23] =	ssyncadd.s32 $0xFFFFCE00  }
0x69: {  	[spmem:s2] =	stream.indirect.scatter.add.f32 [tilespmem:s19], [sflag:$0x5], $0x80, s24, s17, $0xb8;
	[tilespmem:$0x1A280] =	vst v63  }
0x6a: {  	_ =	swait.ge [sflag:s14], $0x3200  }
0x6b: {  	[sflag:s14] =	ssyncset.done $0x0  }
0x6c: {  	[sflag:s14] =	ssyncadd.s32 $0xFFFFCE00  }
0x6d: {  	[bflag:$0x0] =	sbarrier.arrive $0xFFFF  }
0x6e: {  	[hbm:s8], [sflag:s5] =	dma.local [spmem:s13], $0x2700  }
0x6f: {  	s26 =	sadd.s32 $0x1, s26;
	_ =	swait.ge [sflag:s14], $0x2700  }
0x70: {  	p1 =	sne.s32 s26, s10;
	[sflag:s14] =	ssyncset.done $0x0  }
.Ltmp1:
0x71: {  	s28 =	simm.s32 @!p0 $0x5;
	[sflag:s14] =	ssyncadd.s32 $0xFFFFD900;
	(pc) =	sbr.rel @p1 .LBB2_1-.Ltmp1, $4  }
0x72: {  	[hbm:s9], [sflag:s5] =	dma.local @!p0 [spmem:s15], $0x100  }
0x73: {  	_ =	swait.ge @!p0 [sflag:s28], $0x100  }
0x74: {  	[sflag:s28] =	ssyncset.done @!p0 $0x0  }
0x75: {  	[sflag:s28] =	ssyncadd.s32 @!p0 $0xFFFFFF00  }
0x76: {  	_ =	sfence.sel $0x180000  }
0x77: {  	[bflag:$0x0] =	sbarrier.arrive $0xFFFF  }
0x78: {  	_ =	strace $0x9000004D  }
0x79: {  	s0 =	sadd.s32 @!p0 $0x100000, s0;
	[bflag:$0x2] =	sbarrier.arrive $0xFFFF  }
0x7a: {  	[sflag:s0] =	ssyncadd.tile.s32 @!p0 $0x1;
	_ =	shalt  }
.Lfunc_end2:
_tile_overlayer_lowered:
.L_overlay_start_2:
0x7b: {  	(tag) =	ssettag $0x2  }
0x7c: {  	s0 =	rddreg [dreg:$0x0];
	s2 =	stileid.u32  }
0x7d: {  	s1 =	rddreg [dreg:$0x1];
	p0 =	sne.s32 s2, $0x0  }
0x7e: {  	s3 =	rddreg [dreg:$0x2];
	[bflag:$0x3] =	sbarrier.arrive $0xFFFF;
	s2 =	simm.s32 @!p0 $0x1C05  }
0x7f: {  	[timem:s3], [sflag:s2] =	dma.local @!p0 [hbm:s0], s1  }
0x80: {  	s0 =	simm.s32 @!p0 $0x5  }
0x81: {  	_ =	swait.ge @!p0 [sflag:s0], s1  }
0x82: {  	s1 =	ssub.s32 @!p0 $0x0, s1;
	[sflag:s0] =	ssyncset.done @!p0 $0x0  }
0x83: {  	[sflag:s0] =	ssyncadd.s32 @!p0 s1  }
0x84: {  	[bflag:$0x3] =	sbarrier.arrive $0xFFFF  }
0x85: {  	_ =	shalt  }

// kernel: kernel.20.cloned.1.call-start
scs
__scs_entry_jumppad:
0x0: {  	(pc) =	sbr.rel $0x88, $3  }
0x1: {  	(tag) =	ssettag $0x0;
	lr =	simm.s32 $0x1  }
0x2: {  	[smem:$0x3F8D] =	sst lr;
	_ =	strace $0xD0000000  }
0x3: {  	_ = 	snop  }
0x4: {  	_ = 	snop  }
0x5: {  	_ = 	snop  }
0x6: {  	_ = 	snop  }
0x7: {  	_ = 	snop  }
__scs_overlays_trampoline_lowered:
0x8: {  	[smem:$0x3F9C] =	sst s0  }
0x9: {  	[smem:$0x3F9D] =	sst s1  }
0xa: {  	[smem:$0x3F9E] =	sst s2  }
0xb: {  	[smem:$0x3F9F] =	sst s3  }
0xc: {  	[smem:$0x3FA0] =	sst s4  }
0xd: {  	[smem:$0x3FA1] =	sst s5  }
0xe: {  	[smem:$0x3FA2] =	sst s6  }
0xf: {  	[smem:$0x3FA3] =	sst s7  }
0x10: {  	[smem:$0x3FA4] =	sst s8  }
0x11: {  	[smem:$0x3FA5] =	sst s9;
	s0 =	simm.s32 @!p0 $0x0  }
0x12: {  	s1 =	sld [smem:$0x3F8B];
	s0 =	simm.s32 @p0 $0x1  }
0x13: {  	[smem:$0x3FA6] =	sst s0;
	s0 =	simm.s32 @!p1 $0x0  }
0x14: {  	s2 =	sld [smem:$0x3F8A];
	s0 =	simm.s32 @p1 $0x1  }
0x15: {  	[smem:$0x3FA7] =	sst s0;
	s0 =	simm.s32 @!p2 $0x0  }
0x16: {  	s3 =	sld [smem:$0x3FDB];
	s0 =	simm.s32 @p2 $0x1  }
0x17: {  	s4 =	simm.s32 $0x1BF5;
	[smem:$0x3FA9] =	sst s0  }
0x18: {  	s0 =	sld [smem:$0x3F8C];
	_ =	swait.ge [sflag:s4], $0x0  }
0x19: {  	s7 =	sld [smem:$0x3F8D]  }
0x1a: {  	s8 =	sadd.s32 $0xFFFFE003, lr  }
0x1b: {  	s9 =	sadd.s32 $0xFFFFFEF7, lr;
	s5 =	simm.s32 $0xFFFFFFFF;
	p2 =	slt.u32 s8, $0xFFFFF086  }
0x1c: {  	p1 =	slt.u32 s9, $0xF7A;
	s5 =	simm.s32 @!p2 $0x0  }
0x1d: {  	s5 =	simm.s32 @p1 $0x1;
	p0 =	seq.s32 s7, s2  }
0x1e: {  	s7 =	smul.u32 @!p0 $0xF7A, s2;
	p2 =	seq.s32 @!p0 s5, $0x0  }
0x1f: {  	s9 =	smul.u32 $0xF7A, s1;
	s8 =	simm.s32 @!p0 $0x1BF5;
	p2 =	por !p2, p0  }
0x20: {  	[sflag:s8] =	ssyncset.s32 @!p0 $0xFFFFF086;
	s6 =	sadd.s32 @!p0 s3, s7;
	s7 =	simm.s32 @!p0 $0x108  }
0x21: {  	s3 =	sadd.s32 s3, s9;
	s6 =	sadd.s32 @!p0 $0x88, s6;
	s7 =	simm.s32 @p2 $0x1082  }
0x22: {  	[simem:s7], [sflag:s8] =	dma.local @!p0 [hbm:s6], $0xF7A  }
0x23: {  	s9 =	sor.u32 $0xD0000000, s2;
	s6 =	simm.s32 $0x108;
	_ =	swait.ge @!p0 [sflag:s8], $0x0  }
0x24: {  	s3 =	sadd.s32 $0x88, s3;
	s6 =	simm.s32 @!p1 $0x1082;
	[sflag:s4] =	ssyncset.s32 $0xFFFFF086  }
0x25: {  	[simem:s6], [sflag:s4] =	dma.local [hbm:s3], $0xF7A  }
0x26: {  	[smem:$0x3F8D] =	sst s1;
	(tag) =	ssettag s2;
	_ =	strace s9  }
0x27: {  	s1 =	sld [smem:$0x3F9D]  }
0x28: {  	s2 =	sld [smem:$0x3F9E]  }
0x29: {  	s4 =	sld [smem:$0x3FA0]  }
0x2a: {  	p0 =	seq.s32 s5, $0x0;
	s5 =	sld [smem:$0x3FA1]  }
0x2b: {  	s6 =	sld [smem:$0x3FA2]  }
0x2c: {  	s7 =	sld [smem:$0x3FA3]  }
0x2d: {  	s3 =	simm.s32 $0x108;
	s8 =	sld [smem:$0x3FA4]  }
0x2e: {  	s3 =	simm.s32 @!p0 $0x1082;
	s9 =	sld [smem:$0x3FA5]  }
0x2f: {  	lr =	sadd.s32 s0, s3;
	s0 =	sld [smem:$0x3F9C]  }
0x30: {  	s3 =	sld [smem:$0x3F9F]  }
0x31: {  	[smem:$0x3FA8] =	sst s10  }
0x32: {  	s10 =	sld [smem:$0x3FA6];
	_ =	sdelay $0x3  }
0x33: {  	p0 =	seq.s32 s10, $0x1;
	s10 =	sld [smem:$0x3FA8];
	_ =	sdelay $0x3  }
0x34: {  	[smem:$0x3FA8] =	sst s10  }
0x35: {  	s10 =	sld [smem:$0x3FA7];
	_ =	sdelay $0x3  }
0x36: {  	p1 =	seq.s32 s10, $0x1;
	s10 =	sld [smem:$0x3FA8];
	_ =	sdelay $0x3  }
0x37: {  	[smem:$0x3FA8] =	sst s10  }
0x38: {  	s10 =	sld [smem:$0x3FA9]  }
0x39: {  	_ = 	snop;
	(pc) =	sbr.ind lr, $3  }
0x3a: {  	_ = 	snop  }
0x3b: {  	_ = 	snop  }
0x3c: {  	p2 =	seq.s32 s10, $0x1;
	s10 =	sld [smem:$0x3FA8]  }
0x3d: {  	_ =	shalt  }
0x3e: {  	_ =	shalt  }
0x3f: {  	_ =	shalt  }
0x40: {  	_ =	shalt  }
0x41: {  	_ =	shalt  }
0x42: {  	_ =	shalt  }
0x43: {  	_ =	shalt  }
0x44: {  	_ =	shalt  }
0x45: {  	_ =	shalt  }
0x46: {  	_ =	shalt  }
0x47: {  	_ =	shalt  }
0x48: {  	_ =	shalt  }
0x49: {  	_ =	shalt  }
0x4a: {  	_ =	shalt  }
0x4b: {  	_ =	shalt  }
0x4c: {  	_ =	shalt  }
0x4d: {  	_ =	shalt  }
0x4e: {  	_ =	shalt  }
0x4f: {  	_ =	shalt  }
0x50: {  	_ =	shalt  }
0x51: {  	_ =	shalt  }
0x52: {  	_ =	shalt  }
0x53: {  	_ =	shalt  }
0x54: {  	_ =	shalt  }
0x55: {  	_ =	shalt  }
0x56: {  	_ =	shalt  }
0x57: {  	_ =	shalt  }
0x58: {  	_ =	shalt  }
0x59: {  	_ =	shalt  }
0x5a: {  	_ =	shalt  }
0x5b: {  	_ =	shalt  }
0x5c: {  	_ =	shalt  }
0x5d: {  	_ =	shalt  }
0x5e: {  	_ =	shalt  }
0x5f: {  	_ =	shalt  }
0x60: {  	_ =	shalt  }
0x61: {  	_ =	shalt  }
0x62: {  	_ =	shalt  }
0x63: {  	_ =	shalt  }
0x64: {  	_ =	shalt  }
0x65: {  	_ =	shalt  }
0x66: {  	_ =	shalt  }
0x67: {  	_ =	shalt  }
0x68: {  	_ =	shalt  }
0x69: {  	_ =	shalt  }
0x6a: {  	_ =	shalt  }
0x6b: {  	_ =	shalt  }
0x6c: {  	_ =	shalt  }
0x6d: {  	_ =	shalt  }
0x6e: {  	_ =	shalt  }
0x6f: {  	_ =	shalt  }
0x70: {  	_ =	shalt  }
0x71: {  	_ =	shalt  }
0x72: {  	_ =	shalt  }
0x73: {  	_ =	shalt  }
0x74: {  	_ =	shalt  }
0x75: {  	_ =	shalt  }
0x76: {  	_ =	shalt  }
0x77: {  	_ =	shalt  }
0x78: {  	_ =	shalt  }
0x79: {  	_ =	shalt  }
0x7a: {  	_ =	shalt  }
0x7b: {  	_ =	shalt  }
0x7c: {  	_ =	shalt  }
0x7d: {  	_ =	shalt  }
0x7e: {  	_ =	shalt  }
0x7f: {  	_ =	shalt  }
0x80: {  	_ =	shalt  }
0x81: {  	_ =	shalt  }
0x82: {  	_ =	shalt  }
0x83: {  	_ =	shalt  }
0x84: {  	_ =	shalt  }
0x85: {  	_ =	shalt  }
0x86: {  	_ =	shalt  }
0x87: {  	_ =	shalt  }
.Lfunc_end0:
.L_simem_size_0:
called_computation.3_lowered:
.L_overlay_start_0:
0x88: {  	s2 =	sld [smem:$0x3FD9]  }
0x89: {  	s3 =	sld [smem:$0x3FFE];
	_ =	sdelay $0x1  }
0x8a: {  	s1 =	srdreg.scid  }
0x8b: {  	s0 =	sand.u32 $0x1, s1  }
0x8c: {  	s17 =	sshll.u32 s0, $0xA;
	s2 =	sadd.s32 s3, s2  }
0x8d: {  	s2 =	sadd.s32 s2, s17  }
0x8e: {  	[smem:$0x3FB4] =	sst s2  }
0x8f: {  	_ = 	snop  }
0x90: {  	s2 =	sld [smem:$0x3FD0];
	(tm) =	ssettm $0x1  }
0x91: {  	s18 =	sld [smem:$0x3FFB];
	_ =	sdelay $0x3  }
0x92: {  	_ =	strace s18  }
0x93: {  	s3 =	sld [smem:$0x3FFC];
	_ =	sdelay $0x3  }
0x94: {  	_ =	strace s3  }
0x95: {  	s3 =	sld [smem:$0x3FFD];
	_ =	sdelay $0x3  }
0x96: {  	_ =	strace s3  }
0x97: {  	_ =	strace $0x8FFFFFFF  }
0x98: {  	s19 =	sld [smem:$0x3FDB];
	_ =	sdelay $0x1  }
0x99: {  	s4 =	simm.s32 $_scs_section_size  }
0x9a: {  	s5 =	simm.s32 $_size__tile_overlayer_lowered;
	s6 =	simm.s32 $_tile_overlayer_lowered  }
0x9b: {  	s22 =	simm.s32 $0x1BFF;
	s21 =	sshll.u32 s6, $0x1;
	s3 =	sadd.s32 s4, s19  }
0x9c: {  	s7 =	simm.s32 $0x0;
	s20 =	sshll.u32 s5, $0x1;
	s5 =	sadd.s32 s21, s3  }
0x9d: {  	[timem:s7], [sflag:s22] =	dma.local [hbm:s5], s20  }
0x9e: {  	_ =	swait.ge [sflag:s22], s20  }
0x9f: {  	s4 =	ssub.s32 $0x0, s20;
	[sflag:s22] =	ssyncset.done $0x0  }
0xa0: {  	[sflag:s22] =	ssyncadd.s32 s4;
	_ =	sdelay $0x1  }
0xa1: {  	s23 =	simm.s32 $0x1B8B  }
0xa2: {  	_ =	swait.ge [sflag:s23], $0x1  }
0xa3: {  	[sflag:s23] =	ssyncset.done $0x0  }
0xa4: {  	s25 =	simm.s32 $0x1B8E;
	s24 =	sld [smem:$0x3FFE];
	[sflag:s23] =	ssyncadd.s32 $0xFFFFFFFF  }
0xa5: {  	s26 =	simm.s32 $execute0_lowered;
	[smem:$0x3FD2] =	sst s25  }
0xa6: {  	s5 =	sshll.u32 s26, $0x1;
	_ =	strace $0x8000004F;
	[dreg:$0x1] =	wrdreg $0xFFFFFFFF  }
0xa7: {  	s28 =	simm.s32 $_size_execute0_lowered;
	s3 =	sadd.s32 s3, s5;
	[dreg:$0x0] =	wrdreg $0x0  }
0xa8: {  	s5 =	sshll.u32 s28, $0x1;
	[dreg:$0x2] =	wrdreg s3  }
0xa9: {  	[dreg:$0x3] =	wrdreg s5  }
0xaa: {  	[dreg:$0x4] =	wrdreg $0xC0  }
0xab: {  	_ =	task [dreg:s7], $0x5FFFF  }
0xac: {  	[dreg:$0x1] =	wrdreg $0xFFFFFFFF  }
0xad: {  	[dreg:$0x0] =	wrdreg $0x60  }
0xae: {  	[dreg:$0x2] =	wrdreg s2  }
0xaf: {  	[dreg:$0x3] =	wrdreg s24  }
0xb0: {  	[dreg:$0x4] =	wrdreg $0x6A000  }
0xb1: {  	[dreg:$0x5] =	wrdreg $0x9  }
0xb2: {  	_ =	task.clear_ibuf [dreg:s7], $0x6FFFF;
	_ =	strace $0x9000004F  }
0xb3: {  	s29 =	simm.s32 $0x9;
	_ =	strace $0x80000051  }
0xb4: {  	_ =	swait.ge [sflag:s29], $0x1  }
0xb5: {  	[sflag:s29] =	ssyncadd.s32 $0xFFFFFFFF  }
0xb6: {  	_ =	strace $0x90000051  }
0xb7: {  	_ =	sfence  }
0xb8: {  	s30 =	sld [smem:$0x0];
	_ =	sdelay $0x2  }
0xb9: {  	s31 =	sshll.u32 s1, $0xD;
	s1 =	sshrl.u32 s1, $0x2  }
0xba: {  	s3 =	sand.u32 $0x4000, s31;
	s1 =	sadd.s32 s1, s30  }
0xbb: {  	s0 =	sor.u32 s3, s0;
	s1 =	sshll.u32 s1, $0x11  }
0xbc: {  	s0 =	sor.u32 s1, s0  }
0xbd: {  	s0 =	sadd.s32 $0x8F2B, s0  }
0xbe: {  	[sflag:s0] =	ssyncadd.remote.s32 $0x1  }
0xbf: {  	_ =	sfence.sel $0xFFFF  }
0xc0: {  	[dreg:$0x0] =	wrdreg $0xFFFFFFFF;
	(pc) =	sbr.abs _section_cstart, $3  }
0xc1: {  	[dreg:$0x1] =	wrdreg $0xFFFFFFFF  }
0xc2: {  	_ =	task.clear_ibuf [dreg:s7], $0x2FFFF;
	_ =	strace $0x9FFFFFFF  }
0xc3: {  	(tm) =	ssettm $0x7FFFFFFF  }
tec
execute0_lowered:
.L_overlay_start_1:
0x0: {  	(tag) =	ssettag $0x1  }
0x1: {  	s1 =	rddreg [dreg:$0x0]  }
0x2: {  	s5 =	rddreg [dreg:$0x1]  }
0x3: {  	s2 =	rddreg [dreg:$0x2]  }
0x4: {  	s0 =	rddreg [dreg:$0x3]  }
0x5: {  	s3 =	simm.s32 $0x0;
	s4 =	srdreg.scid;
	s13 =	stileid.u32  }
0x6: {  	s18 =	simm.s32 $0x200;
	s19 =	simm.s32 $0x3600;
	s20 =	simm.s32 $0x1  }
0x7: {  	s21 =	simm.s32 $0x80;
	s22 =	simm.s32 $0x3;
	s23 =	simm.s32 $0x2  }
0x8: {  	[smem:$0x7FF] =	sst s3;
	s12 =	sadd.s32 $0x7E200, s5;
	s9 =	smul.u32 $0x4E000, s13  }
0x9: {  	s6 =	sand.u32 $0x1, s4;
	s4 =	sadd.s32 $0x5E00, s5;
	s29 =	smul.u32 $0x13800, s13  }
0xa: {  	s10 =	sadd.s32 $0x8600, s5;
	s28 =	sshll.u32 s13, $0x6;
	s16 =	smul.u32 $0x6400, s13  }
0xb: {  	s17 =	sadd.s32 $0x138000, s2;
	p0 =	sne.s32 s13, $0x0;
	_ =	strace $0x80000050  }
0xc: {  	s7 =	sshll.u32 s6, $0x4;
	s8 =	ssub.s32 $0x2, s6;
	s26 =	smul.u32 $0x138800, s6  }
0xd: {  	s5 =	sor.u32 $0x1C05, s28;
	s15 =	smul.u32 $0x64000, s6;
	s7 =	sor.u32 s13, s7  }
0xe: {  	s24 =	sshrl.u32 s8, $0x1;
	s25 =	sshrl.u32 s9, $0x2;
	s7 =	smul.u32 $0x6400, s7  }
0xf: {  	s11 =	ssub.s32 s8, s24;
	s14 =	sadd.s32 s25, s2;
	s8 =	sadd.s32 s29, s26  }
0x10: {  	s9 =	sshrl.u32 s26, $0x3;
	s15 =	sadd.s32 s16, s15;
	s16 =	simm.s32 $0x100  }
0x11: {  	s24 =	simm.s32 $0x180;
	s25 =	simm.s32 $0x4;
	s26 =	simm.s32 $0x0  }
0x12: {  	s8 =	sshrl.u32 s8, $0x3;
	s9 =	sadd.s32 s10, s9;
	s30 =	sor.u32 $0x300, s15  }
0x13: {  	s15 =	sor.u32 $0x200, s15;
	s13 =	sshrl.u32 s14, $0x3;
	s14 =	simm.s32 $0x5  }
0x14: {  	s7 =	sshrl.u32 s7, $0x3;
	s8 =	sadd.s32 s10, s8;
	s9 =	sadd.s32 $0x27000, s9  }
0x15: {  	s31 =	sshrl.u32 s30, $0x3;
	s15 =	sshrl.u32 s15, $0x3;
	s10 =	smax.u32 s11, $0x1  }
0x16: {  	s6 =	sadd.s32 s12, s7;
	s11 =	sadd.s32 s31, s12;
	s12 =	sadd.s32 s15, s12  }
0x17: {  	s15 =	sshrl.u32 @!p0 s17, $0x3;
	s17 =	simm.s32 $0x64;
	s7 =	sadd.s32 $0x20, s6  }
.LBB2_1:
0x18: {  	[spmem:s13], [sflag:s5] =	dma.local [hbm:s4], $0x2700  }
0x19: {  	_ =	swait.ge [sflag:s14], $0x2700  }
0x1a: {  	[sflag:s14] =	ssyncset.done $0x0  }
0x1b: {  	s28 =	simm.s32 @!p0 $0x5;
	[sflag:s14] =	ssyncadd.s32 $0xFFFFD900  }
0x1c: {  	[spmem:s15], [sflag:s5] =	dma.local @!p0 [hbm:s4], $0x100  }
0x1d: {  	_ =	swait.ge @!p0 [sflag:s28], $0x100  }
0x1e: {  	[sflag:s28] =	ssyncset.done @!p0 $0x0  }
0x1f: {  	[sflag:s28] =	ssyncadd.s32 @!p0 $0xFFFFFF00  }
0x20: {  	[tilespmem:s3], [sflag:$0x5] =	stream.linear.gather [hbm4b:s6+s3], $0x100, $0x38;
	[tilespmem:$0x1A280] =	vst v63  }
0x21: {  	_ =	swait.ge [sflag:s14], $0x100  }
0x22: {  	[sflag:s14] =	ssyncset.done $0x0  }
0x23: {  	[sflag:s14] =	ssyncadd.s32 $0xFFFFFF00  }
0x24: {  	[tilespmem:s16], [sflag:$0x5] =	stream.linear.gather [hbm4b:s7+s3], $0x100, $0x38;
	[tilespmem:$0x1A280] =	vst v63  }
0x25: {  	_ =	swait.ge [sflag:s14], $0x100  }
0x26: {  	[sflag:s14] =	ssyncset.done $0x0  }
0x27: {  	[sflag:s14] =	ssyncadd.s32 $0xFFFFFF00  }
0x28: {  	[bflag:$0x0] =	sbarrier.arrive $0xFFFF  }
0x29: {  	[tilespmem:s18], [sflag:$0x1] =	stream.indirect.gather [hbm4b:s1+s17], $0x80, s3, s17, $0xb8;
	[tilespmem:$0x1A280] =	vst v63  }
0x2a: {  	_ = 	snop  }
0x2b: {  	[tilespmem:s19], [sflag:$0x2] =	stream.indirect.gather [hbm4b:s1+s17], $0x80, s16, s17, $0xb8;
	[tilespmem:$0x1A280] =	vst v63  }
0x2c: {  	_ =	swait.ge [sflag:s20], $0x3200  }
0x2d: {  	[sflag:s20] =	ssyncset.done $0x0  }
0x2e: {  	[sflag:s20] =	ssyncadd.s32 $0xFFFFCE00  }
0x2f: {  	[spmem:s2] =	stream.indirect.scatter.add.f32 [tilespmem:s18], [sflag:$0x5], $0x80, s21, s17, $0xb8;
	[tilespmem:$0x1A280] =	vst v63  }
0x30: {  	_ =	swait.ge [sflag:s14], $0x3200  }
0x31: {  	[sflag:s14] =	ssyncset.done $0x0  }
0x32: {  	s28 =	sadd.s32 $0x0, s12;
	[sflag:s14] =	ssyncadd.s32 $0xFFFFCE00  }
0x33: {  	[tilespmem:s3], [sflag:$0x3] =	stream.linear.gather [hbm4b:s28+s3], $0x100, $0x38;
	[tilespmem:$0x1A280] =	vst v63  }
0x34: {  	_ =	swait.ge [sflag:s22], $0x100  }
0x35: {  	[sflag:s22] =	ssyncset.done $0x0  }
0x36: {  	[sflag:s22] =	ssyncadd.s32 $0xFFFFFF00  }
0x37: {  	_ =	swait.ge [sflag:s23], $0x3200  }
0x38: {  	[sflag:s23] =	ssyncset.done $0x0  }
0x39: {  	[sflag:s23] =	ssyncadd.s32 $0xFFFFCE00  }
0x3a: {  	[tilespmem:s18], [sflag:$0x1] =	stream.indirect.gather [hbm4b:s1+s17], $0x80, s3, s17, $0xb8;
	[tilespmem:$0x1A280] =	vst v63  }
0x3b: {  	_ = 	snop  }
0x3c: {  	[spmem:s2] =	stream.indirect.scatter.add.f32 [tilespmem:s19], [sflag:$0x5], $0x80, s24, s17, $0xb8;
	[tilespmem:$0x1A280] =	vst v63  }
0x3d: {  	_ =	swait.ge [sflag:s14], $0x3200  }
0x3e: {  	[sflag:s14] =	ssyncset.done $0x0  }
0x3f: {  	s28 =	sadd.s32 $0x0, s11;
	[sflag:s14] =	ssyncadd.s32 $0xFFFFCE00  }
0x40: {  	[tilespmem:s16], [sflag:$0x4] =	stream.linear.gather [hbm4b:s28+s3], $0x100, $0x38;
	[tilespmem:$0x1A280] =	vst v63  }
0x41: {  	_ =	swait.ge [sflag:s25], $0x100  }
0x42: {  	s28 =	simm.s32 $0x40;
	[sflag:s25] =	ssyncset.done $0x0  }
.LBB2_2:
0x43: {  	p1 =	sne.s32 s28, $0xC00  }
0x44: {  	[sflag:s25] =	ssyncadd.s32 $0xFFFFFF00;
	s29 =	smov.u32 s28;
	s28 =	sadd.s32 $0x40, s28  }
0x45: {  	[tilespmem:s19], [sflag:$0x2] =	stream.indirect.gather [hbm4b:s1+s17], $0x80, s16, s17, $0xb8;
	[tilespmem:$0x1A280] =	vst v63  }
0x46: {  	_ =	swait.ge [sflag:s20], $0x3200  }
0x47: {  	[sflag:s20] =	ssyncset.done $0x0  }
0x48: {  	[sflag:s20] =	ssyncadd.s32 $0xFFFFCE00  }
0x49: {  	[spmem:s2] =	stream.indirect.scatter.add.f32 [tilespmem:s18], [sflag:$0x5], $0x80, s21, s17, $0xb8;
	[tilespmem:$0x1A280] =	vst v63  }
0x4a: {  	_ =	swait.ge [sflag:s14], $0x3200  }
0x4b: {  	[sflag:s14] =	ssyncset.done $0x0  }
0x4c: {  	s30 =	sadd.s32 s29, s12;
	[sflag:s14] =	ssyncadd.s32 $0xFFFFCE00  }
0x4d: {  	[tilespmem:s3], [sflag:$0x3] =	stream.linear.gather [hbm4b:s30+s3], $0x100, $0x38;
	[tilespmem:$0x1A280] =	vst v63  }
0x4e: {  	_ =	swait.ge [sflag:s22], $0x100  }
0x4f: {  	[sflag:s22] =	ssyncset.done $0x0  }
0x50: {  	[sflag:s22] =	ssyncadd.s32 $0xFFFFFF00  }
0x51: {  	_ =	swait.ge [sflag:s23], $0x3200  }
0x52: {  	[sflag:s23] =	ssyncset.done $0x0  }
0x53: {  	[sflag:s23] =	ssyncadd.s32 $0xFFFFCE00  }
0x54: {  	[tilespmem:s18], [sflag:$0x1] =	stream.indirect.gather [hbm4b:s1+s17], $0x80, s3, s17, $0xb8;
	[tilespmem:$0x1A280] =	vst v63  }
0x55: {  	_ = 	snop  }
0x56: {  	[spmem:s2] =	stream.indirect.scatter.add.f32 [tilespmem:s19], [sflag:$0x5], $0x80, s24, s17, $0xb8;
	[tilespmem:$0x1A280] =	vst v63  }
0x57: {  	_ =	swait.ge [sflag:s14], $0x3200  }
.Ltmp0:
0x58: {  	[sflag:s14] =	ssyncset.done $0x0;
	(pc) =	sbr.rel @p1 .LBB2_2-.Ltmp0, $4  }
0x59: {  	s29 =	sadd.s32 s29, s11;
	[sflag:s14] =	ssyncadd.s32 $0xFFFFCE00  }
0x5a: {  	[tilespmem:s16], [sflag:$0x4] =	stream.linear.gather [hbm4b:s29+s3], $0x100, $0x38;
	[tilespmem:$0x1A280] =	vst v63  }
0x5b: {  	_ =	swait.ge [sflag:s25], $0x100  }
0x5c: {  	[sflag:s25] =	ssyncset.done $0x0  }
0x5d: {  	[sflag:s25] =	ssyncadd.s32 $0xFFFFFF00  }
0x5e: {  	[tilespmem:s19], [sflag:$0x2] =	stream.indirect.gather [hbm4b:s1+s17], $0x80, s16, s17, $0xb8;
	[tilespmem:$0x1A280] =	vst v63  }
0x5f: {  	_ =	swait.ge [sflag:s20], $0x3200  }
0x60: {  	[sflag:s20] =	ssyncset.done $0x0  }
0x61: {  	[sflag:s20] =	ssyncadd.s32 $0xFFFFCE00  }
0x62: {  	[spmem:s2] =	stream.indirect.scatter.add.f32 [tilespmem:s18], [sflag:$0x5], $0x80, s21, s17, $0xb8;
	[tilespmem:$0x1A280] =	vst v63  }
0x63: {  	_ =	swait.ge [sflag:s14], $0x3200  }
0x64: {  	[sflag:s14] =	ssyncset.done $0x0  }
0x65: {  	[sflag:s14] =	ssyncadd.s32 $0xFFFFCE00  }
0x66: {  	_ =	swait.ge [sflag:s23], $0x3200  }
0x67: {  	[sflag:s23] =	ssyncset.done $0x0  }
0x68: {  	[sflag:s23] =	ssyncadd.s32 $0xFFFFCE00  }
0x69: {  	[spmem:s2] =	stream.indirect.scatter.add.f32 [tilespmem:s19], [sflag:$0x5], $0x80, s24, s17, $0xb8;
	[tilespmem:$0x1A280] =	vst v63  }
0x6a: {  	_ =	swait.ge [sflag:s14], $0x3200  }
0x6b: {  	[sflag:s14] =	ssyncset.done $0x0  }
0x6c: {  	[sflag:s14] =	ssyncadd.s32 $0xFFFFCE00  }
0x6d: {  	[bflag:$0x0] =	sbarrier.arrive $0xFFFF  }
0x6e: {  	[hbm:s8], [sflag:s5] =	dma.local [spmem:s13], $0x2700  }
0x6f: {  	s26 =	sadd.s32 $0x1, s26;
	_ =	swait.ge [sflag:s14], $0x2700  }
0x70: {  	p1 =	sne.s32 s26, s10;
	[sflag:s14] =	ssyncset.done $0x0  }
.Ltmp1:
0x71: {  	s28 =	simm.s32 @!p0 $0x5;
	[sflag:s14] =	ssyncadd.s32 $0xFFFFD900;
	(pc) =	sbr.rel @p1 .LBB2_1-.Ltmp1, $4  }
0x72: {  	[hbm:s9], [sflag:s5] =	dma.local @!p0 [spmem:s15], $0x100  }
0x73: {  	_ =	swait.ge @!p0 [sflag:s28], $0x100  }
0x74: {  	[sflag:s28] =	ssyncset.done @!p0 $0x0  }
0x75: {  	[sflag:s28] =	ssyncadd.s32 @!p0 $0xFFFFFF00  }
0x76: {  	_ =	sfence.sel $0x180000  }
0x77: {  	[bflag:$0x0] =	sbarrier.arrive $0xFFFF  }
0x78: {  	_ =	strace $0x90000050  }
0x79: {  	s0 =	sadd.s32 @!p0 $0x100000, s0;
	[bflag:$0x2] =	sbarrier.arrive $0xFFFF  }
0x7a: {  	[sflag:s0] =	ssyncadd.tile.s32 @!p0 $0x1;
	_ =	shalt  }
.Lfunc_end2:
_tile_overlayer_lowered:
.L_overlay_start_2:
0x7b: {  	(tag) =	ssettag $0x2  }
0x7c: {  	s0 =	rddreg [dreg:$0x0];
	s2 =	stileid.u32  }
0x7d: {  	s1 =	rddreg [dreg:$0x1];
	p0 =	sne.s32 s2, $0x0  }
0x7e: {  	s3 =	rddreg [dreg:$0x2];
	[bflag:$0x3] =	sbarrier.arrive $0xFFFF;
	s2 =	simm.s32 @!p0 $0x1C05  }
0x7f: {  	[timem:s3], [sflag:s2] =	dma.local @!p0 [hbm:s0], s1  }
0x80: {  	s0 =	simm.s32 @!p0 $0x5  }
0x81: {  	_ =	swait.ge @!p0 [sflag:s0], s1  }
0x82: {  	s1 =	ssub.s32 @!p0 $0x0, s1;
	[sflag:s0] =	ssyncset.done @!p0 $0x0  }
0x83: {  	[sflag:s0] =	ssyncadd.s32 @!p0 s1  }
0x84: {  	[bflag:$0x3] =	sbarrier.arrive $0xFFFF  }
0x85: {  	_ =	shalt  }

</sc_bundles>
